<compile_context>
chip_gen: v7x
topology: tpu7x:2x2x1
jax: 0.10.2.dev20260603
libtpu: 0.0.44.dev20260713+nightly
codegen_flags: <defaults>
</compile_context>

<pallas_src>
import functools

import jax
import jax.numpy as jnp
from jax import lax
from jax.experimental import pallas as pl
from jax.experimental.pallas import tpu as pltpu
from jax.experimental.pallas import tpu_sc as plsc

E = 16
TOPK = 2
D = 1024
U = 1024
N = 4096
S = N * TOPK
B = 256
NT = S // B + E
SP = NT * B

_SC_CORES = 2
_SC_SUBCORES = 16
_SC_WORKERS = _SC_CORES * _SC_SUBCORES
_CHUNK = 64


def _router_body(x_ref, wr_ref, br_ref, w_ref, i_ref):
    x = x_ref[...]
    logits = jnp.dot(x, wr_ref[...], preferred_element_type=jnp.float32)
    logits = logits + br_ref[...]
    probs = jax.nn.softmax(logits, axis=-1)
    col = lax.broadcasted_iota(jnp.int32, probs.shape, 1)
    m1 = jnp.max(probs, axis=1, keepdims=True)
    i1 = jnp.min(jnp.where(probs == m1, col, E), axis=1, keepdims=True)
    p2 = jnp.where(col == i1, -1.0, probs)
    m2 = jnp.max(p2, axis=1, keepdims=True)
    i2 = jnp.min(jnp.where(p2 == m2, col, E), axis=1, keepdims=True)
    w_ref[...] = jnp.concatenate([m1, m2], axis=1)
    i_ref[...] = jnp.concatenate([i1, i2], axis=1)


def _router(x, Wr, br):
    TB = 512
    return pl.pallas_call(
        _router_body,
        grid=(N // TB,),
        in_specs=[
            pl.BlockSpec((TB, D), lambda t: (t, 0)),
            pl.BlockSpec((D, E), lambda t: (0, 0)),
            pl.BlockSpec((1, E), lambda t: (0, 0)),
        ],
        out_specs=[
            pl.BlockSpec((TB, TOPK), lambda t: (t, 0)),
            pl.BlockSpec((TB, TOPK), lambda t: (t, 0)),
        ],
        out_shape=[
            jax.ShapeDtypeStruct((N, TOPK), jnp.float32),
            jax.ShapeDtypeStruct((N, TOPK), jnp.int32),
        ],
    )(x, Wr, br.reshape(1, E))


def _gmm_body(meta_ref, x_ref, we_ref, be_ref, h_ref):
    t = pl.program_id(0)

    @pl.when(t < meta_ref[NT])
    def _():
        acc = jnp.dot(x_ref[...], we_ref[0], preferred_element_type=jnp.float32)
        h_ref[...] = jnp.maximum(acc + be_ref[0].reshape(1, U), 0.0)


def _gmm(meta, x_padded, We, be):
    grid_spec = pltpu.PrefetchScalarGridSpec(
        num_scalar_prefetch=1,
        grid=(NT,),
        in_specs=[
            pl.BlockSpec((B, D), lambda t, m: (t, 0)),
            pl.BlockSpec((1, D, U), lambda t, m: (m[t], 0, 0)),
            pl.BlockSpec((1, 8, U // 8), lambda t, m: (m[t], 0, 0)),
        ],
        out_specs=pl.BlockSpec((B, U), lambda t, m: (t, 0)),
    )
    return pl.pallas_call(
        _gmm_body,
        grid_spec=grid_spec,
        out_shape=jax.ShapeDtypeStruct((SP, U), jnp.float32),
    )(meta, x_padded, We, be.reshape(E, 8, U // 8))


def _sc_gather(table, idx):
    n_idx = idx.shape[0]
    d = table.shape[1]
    rows_per_w = n_idx // _SC_WORKERS
    n_chunks = rows_per_w // _CHUNK
    mesh = plsc.VectorSubcoreMesh(core_axis_name="c", subcore_axis_name="s")

    @functools.partial(
        pl.kernel,
        mesh=mesh,
        out_type=jax.ShapeDtypeStruct((n_idx, d), jnp.float32),
        scratch_types=[
            pltpu.VMEM((_CHUNK,), jnp.int32),
            pltpu.VMEM((_CHUNK, d), jnp.float32),
            pltpu.SemaphoreType.DMA,
        ],
    )
    def k(table_hbm, idx_hbm, out_hbm, idx_v, rows_v, sem):
        wid = lax.axis_index("s") * _SC_CORES + lax.axis_index("c")
        base = wid * rows_per_w
        for c in range(n_chunks):
            o = base + c * _CHUNK
            pltpu.sync_copy(idx_hbm.at[pl.ds(o, _CHUNK)], idx_v)
            pltpu.async_copy(table_hbm.at[idx_v], rows_v, sem).wait()
            pltpu.sync_copy(rows_v, out_hbm.at[pl.ds(o, _CHUNK)])

    return k(table, idx)


def _combine_body(h2_ref, w_ref, o_ref):
    a = h2_ref[...]
    w = w_ref[...]
    o_ref[...] = a[:, :U] * w[:, 0:1] + a[:, U:] * w[:, 1:2]


def _combine(h_pair, w2):
    TB = 256
    return pl.pallas_call(
        _combine_body,
        grid=(N // TB,),
        in_specs=[
            pl.BlockSpec((TB, 2 * U), lambda t: (t, 0)),
            pl.BlockSpec((TB, TOPK), lambda t: (t, 0)),
        ],
        out_specs=pl.BlockSpec((TB, U), lambda t: (t, 0)),
        out_shape=jax.ShapeDtypeStruct((N, U), jnp.float32),
    )(h_pair.reshape(N, 2 * U), w2)


def kernel(inputs, Wr, br, We, be):
    x = inputs
    w2, i2 = _router(x, Wr, br)

    flat_e = i2.reshape(-1)
    sort_idx = jnp.argsort(flat_e).astype(jnp.int32)
    e_sorted = jnp.take(flat_e, sort_idx)
    tok_sorted = (sort_idx // TOPK).astype(jnp.int32)
    counts = jnp.bincount(flat_e, length=E).astype(jnp.int32)
    off = jnp.concatenate([jnp.zeros((1,), jnp.int32),
                           jnp.cumsum(counts)[:-1].astype(jnp.int32)])
    tiles_e = (counts + B - 1) // B
    tile_end = jnp.cumsum(tiles_e).astype(jnp.int32)
    tile_off = tile_end - tiles_e
    total_tiles = tile_end[-1]
    t_ar = jnp.arange(NT, dtype=jnp.int32)
    te_raw = jnp.clip(
        jnp.searchsorted(tile_end, t_ar, side="right"), 0, E - 1
    ).astype(jnp.int32)
    e_last = e_sorted[-1]
    te = jnp.where(t_ar < total_tiles, te_raw, e_last)
    meta = jnp.concatenate([te, total_tiles[None]])

    q = jnp.arange(SP, dtype=jnp.int32)
    qt = q // B
    eq = te[qt]
    local = (qt - tile_off[eq]) * B + (q % B)
    validq = (local < counts[eq]) & (qt < total_tiles)
    src_tok = jnp.where(
        validq, jnp.take(tok_sorted, jnp.clip(off[eq] + local, 0, S - 1)), 0
    ).astype(jnp.int32)

    p = jnp.arange(S, dtype=jnp.int32)
    dst_padded = (tile_off[e_sorted] * B + (p - off[e_sorted])).astype(jnp.int32)
    comb_src = jnp.zeros((S,), jnp.int32).at[sort_idx].set(dst_padded)

    x_padded = _sc_gather(x, src_tok)
    h_padded = _gmm(meta, x_padded, We, be)
    h_pair = _sc_gather(h_padded, comb_src)
    return _combine(h_pair, w2)

# --- scband reference (transcript-rebuilt; emitter-appended) ---
"""Pipeline reference for scband-mo-eblock-11922829213940 (READ-ONLY COPY).

The authoritative reference and input builder live on the scoring server;
editing this copy changes nothing except your own understanding.
"""

import jax, jax.numpy as jnp
import numpy as np

NUM_EXPERTS = 16
TOP_K = 2
D_MODEL = 1024
EXPERT_UNITS = 1024
N_TOKENS = 4096


def setup_inputs(seed: int = 0) -> dict:
    key = jax.random.key(seed)
    k0, k1, k2 = jax.random.split(key, 3)
    inputs = jax.random.normal(k0, (N_TOKENS, D_MODEL), dtype=jnp.float32)
    Wr = jax.random.normal(k1, (D_MODEL, NUM_EXPERTS), dtype=jnp.float32) * 0.02
    br = jnp.zeros((NUM_EXPERTS,), dtype=jnp.float32)
    We = jax.random.normal(k2, (NUM_EXPERTS, D_MODEL, EXPERT_UNITS), dtype=jnp.float32) * 0.02
    be = jnp.zeros((NUM_EXPERTS, EXPERT_UNITS), dtype=jnp.float32)
    return {"inputs": inputs, "Wr": Wr, "br": br, "We": We, "be": be}


def reference(inputs, Wr, br, We, be):
    # 1) router logits + softmax probs
    router_logits = inputs @ Wr + br
    router_probs = jax.nn.softmax(router_logits, axis=-1)
    # 2) top-k expert selection per token
    top_k_values, top_k_indices = jax.lax.top_k(router_probs, TOP_K)
    # 3) apply every expert densely, mask+weight, accumulate (faithful to TF loop)
    batch_size = inputs.shape[0]
    combined_output = jnp.zeros((batch_size, EXPERT_UNITS), dtype=inputs.dtype)
    for i in range(NUM_EXPERTS):
        expert_mask = jnp.sum((top_k_indices == i).astype(inputs.dtype), axis=1)
        prob_i = router_probs[:, i]
        expert_out = jax.nn.relu(inputs @ We[i] + be[i])
        weighted_out = prob_i[:, None] * expert_out
        weighted_out = weighted_out * expert_mask[:, None]
        combined_output = combined_output + weighted_out
    return combined_output

if __name__ == "__main__":
    import jax
    _d = setup_inputs()
    print(jax.jit(kernel)(*tuple(_d.values())))

</pallas_src>

<mosaic_0001>
#map = affine_map<(d0, d1) -> (0, 0)>
#map1 = affine_map<(d0, d1) -> (0)>
module attributes {stable_mosaic.version = 14 : i64} {
  func.func @k(%arg0: i32, %arg1: i32, %arg2: memref<4096x1024xf32, #tpu.memory_space<hbm>>, %arg3: memref<12288xi32, #tpu.memory_space<hbm>>, %arg4: memref<12288x1024xf32, #tpu.memory_space<hbm>>, %arg5: memref<64xi32, #tpu.memory_space<vmem>>, %arg6: memref<64x1024xf32, #tpu.memory_space<vmem>>, %arg7: memref<!tpu.dma_semaphore, #tpu.memory_space<semaphore_mem>>) attributes {dimension_semantics = [#tpu.dimension_semantics<core_parallel>, #tpu.dimension_semantics<subcore_parallel>], iteration_bounds = array<i64: 2, 16>, scalar_prefetch = 0 : i64, scratch_operands = 3 : i64, tpu.core_type = #tpu.core_type<sc_vector_subcore>, window_params = [{transform_indices = #map}, {transform_indices = #map1}, {transform_indices = #map}]} {
    %mul3A = arith.constant 2 : i32
    %mul3A_0 = arith.muli %arg1, %mul3A : i32
    %add3A = arith.addi %mul3A_0, %arg0 : i32
    %mul3A_1 = arith.constant 384 : i32
    %mul3A_2 = arith.muli %add3A, %mul3A_1 : i32
    %add3A_3 = arith.constant 0 : i32
    %add3A_4 = arith.addi %mul3A_2, %add3A_3 : i32
    "tpu.region"() ({
      %run_scoped3A = tpu.sem_alloc : memref<!tpu.dma_semaphore, #tpu.memory_space<semaphore_mem>>
      %dma_start3A_49 = tpu.memref_slice %arg3[%add3A_4] : memref<12288xi32, #tpu.memory_space<hbm>> -> memref<64xi32, #tpu.memory_space<hbm>>
      %dma_start3A_50 = tpu.memref_slice %arg3[%add3A_4] : memref<12288xi32, #tpu.memory_space<hbm>> -> memref<64xi32, #tpu.memory_space<hbm>>
      tpu.enqueue_dma source(%dma_start3A_50 : memref<64xi32, #tpu.memory_space<hbm>>) target(%arg5 : memref<64xi32, #tpu.memory_space<vmem>>) target_semaphore(%run_scoped3A : memref<!tpu.dma_semaphore, #tpu.memory_space<semaphore_mem>>)
      %dma_wait3A_51 = tpu.memref_slice %arg3[%add3A_4] : memref<12288xi32, #tpu.memory_space<hbm>> -> memref<64xi32, #tpu.memory_space<hbm>>
      %dma_wait3A_52 = tpu.memref_slice %arg3[%add3A_4] : memref<12288xi32, #tpu.memory_space<hbm>> -> memref<64xi32, #tpu.memory_space<hbm>>
      tpu.wait_dma2 semaphore(%run_scoped3A : memref<!tpu.dma_semaphore, #tpu.memory_space<semaphore_mem>>) src(%dma_wait3A_52 : memref<64xi32, #tpu.memory_space<hbm>>) dst(%arg5 : memref<64xi32, #tpu.memory_space<vmem>>)
      tpu.yield
    }) : () -> ()
    %dma_start3A = arith.constant 0 : i32
    %dma_start3A_5 = arith.constant 0 : i32
    %dma_start3A_6 = tpu.memref_slice %arg2[%dma_start3A, %dma_start3A_5] : memref<4096x1024xf32, #tpu.memory_space<hbm>> -> memref<4096x1024xf32, #tpu.memory_space<hbm>>
    tpu.enqueue_indirect_dma source(%dma_start3A_6 : memref<4096x1024xf32, #tpu.memory_space<hbm>>) target(%arg6 : memref<64x1024xf32, #tpu.memory_space<vmem>>) offsets(%arg5 : memref<64xi32, #tpu.memory_space<vmem>>) semaphore(%arg7 : memref<!tpu.dma_semaphore, #tpu.memory_space<semaphore_mem>>)
    %dma_wait3A = arith.constant 0 : i32
    %dma_wait3A_7 = arith.constant 0 : i32
    %dma_wait3A_8 = tpu.memref_slice %arg2[%dma_wait3A, %dma_wait3A_7] : memref<4096x1024xf32, #tpu.memory_space<hbm>> -> memref<4096x1024xf32, #tpu.memory_space<hbm>>
    tpu.wait_indirect_dma semaphore(%arg7 : memref<!tpu.dma_semaphore, #tpu.memory_space<semaphore_mem>>) src(%dma_wait3A_8 : memref<4096x1024xf32, #tpu.memory_space<hbm>>) dst(%arg6 : memref<64x1024xf32, #tpu.memory_space<vmem>>)
    "tpu.region"() ({
      %run_scoped3A = tpu.sem_alloc : memref<!tpu.dma_semaphore, #tpu.memory_space<semaphore_mem>>
      %dma_start3A_49 = arith.constant 0 : i32
      %dma_start3A_50 = tpu.memref_slice %arg4[%add3A_4, %dma_start3A_49] : memref<12288x1024xf32, #tpu.memory_space<hbm>> -> memref<64x1024xf32, #tpu.memory_space<hbm>>
      %dma_start3A_51 = arith.constant 0 : i32
      %dma_start3A_52 = tpu.memref_slice %arg4[%add3A_4, %dma_start3A_51] : memref<12288x1024xf32, #tpu.memory_space<hbm>> -> memref<64x1024xf32, #tpu.memory_space<hbm>>
      tpu.enqueue_dma source(%arg6 : memref<64x1024xf32, #tpu.memory_space<vmem>>) target(%dma_start3A_52 : memref<64x1024xf32, #tpu.memory_space<hbm>>) target_semaphore(%run_scoped3A : memref<!tpu.dma_semaphore, #tpu.memory_space<semaphore_mem>>)
      %dma_wait3A_53 = arith.constant 0 : i32
      %dma_wait3A_54 = tpu.memref_slice %arg4[%add3A_4, %dma_wait3A_53] : memref<12288x1024xf32, #tpu.memory_space<hbm>> -> memref<64x1024xf32, #tpu.memory_space<hbm>>
      %dma_wait3A_55 = arith.constant 0 : i32
      %dma_wait3A_56 = tpu.memref_slice %arg4[%add3A_4, %dma_wait3A_55] : memref<12288x1024xf32, #tpu.memory_space<hbm>> -> memref<64x1024xf32, #tpu.memory_space<hbm>>
      tpu.wait_dma2 semaphore(%run_scoped3A : memref<!tpu.dma_semaphore, #tpu.memory_space<semaphore_mem>>) src(%arg6 : memref<64x1024xf32, #tpu.memory_space<vmem>>) dst(%dma_wait3A_56 : memref<64x1024xf32, #tpu.memory_space<hbm>>)
      tpu.yield
    }) : () -> ()
    %add3A_9 = arith.constant 64 : i32
    %add3A_10 = arith.addi %mul3A_2, %add3A_9 : i32
    "tpu.region"() ({
      %run_scoped3A = tpu.sem_alloc : memref<!tpu.dma_semaphore, #tpu.memory_space<semaphore_mem>>
      %dma_start3A_49 = tpu.memref_slice %arg3[%add3A_10] : memref<12288xi32, #tpu.memory_space<hbm>> -> memref<64xi32, #tpu.memory_space<hbm>>
      %dma_start3A_50 = tpu.memref_slice %arg3[%add3A_10] : memref<12288xi32, #tpu.memory_space<hbm>> -> memref<64xi32, #tpu.memory_space<hbm>>
      tpu.enqueue_dma source(%dma_start3A_50 : memref<64xi32, #tpu.memory_space<hbm>>) target(%arg5 : memref<64xi32, #tpu.memory_space<vmem>>) target_semaphore(%run_scoped3A : memref<!tpu.dma_semaphore, #tpu.memory_space<semaphore_mem>>)
      %dma_wait3A_51 = tpu.memref_slice %arg3[%add3A_10] : memref<12288xi32, #tpu.memory_space<hbm>> -> memref<64xi32, #tpu.memory_space<hbm>>
      %dma_wait3A_52 = tpu.memref_slice %arg3[%add3A_10] : memref<12288xi32, #tpu.memory_space<hbm>> -> memref<64xi32, #tpu.memory_space<hbm>>
      tpu.wait_dma2 semaphore(%run_scoped3A : memref<!tpu.dma_semaphore, #tpu.memory_space<semaphore_mem>>) src(%dma_wait3A_52 : memref<64xi32, #tpu.memory_space<hbm>>) dst(%arg5 : memref<64xi32, #tpu.memory_space<vmem>>)
      tpu.yield
    }) : () -> ()
    %dma_start3A_11 = arith.constant 0 : i32
    %dma_start3A_12 = arith.constant 0 : i32
    %dma_start3A_13 = tpu.memref_slice %arg2[%dma_start3A_11, %dma_start3A_12] : memref<4096x1024xf32, #tpu.memory_space<hbm>> -> memref<4096x1024xf32, #tpu.memory_space<hbm>>
    tpu.enqueue_indirect_dma source(%dma_start3A_13 : memref<4096x1024xf32, #tpu.memory_space<hbm>>) target(%arg6 : memref<64x1024xf32, #tpu.memory_space<vmem>>) offsets(%arg5 : memref<64xi32, #tpu.memory_space<vmem>>) semaphore(%arg7 : memref<!tpu.dma_semaphore, #tpu.memory_space<semaphore_mem>>)
    %dma_wait3A_14 = arith.constant 0 : i32
    %dma_wait3A_15 = arith.constant 0 : i32
    %dma_wait3A_16 = tpu.memref_slice %arg2[%dma_wait3A_14, %dma_wait3A_15] : memref<4096x1024xf32, #tpu.memory_space<hbm>> -> memref<4096x1024xf32, #tpu.memory_space<hbm>>
    tpu.wait_indirect_dma semaphore(%arg7 : memref<!tpu.dma_semaphore, #tpu.memory_space<semaphore_mem>>) src(%dma_wait3A_16 : memref<4096x1024xf32, #tpu.memory_space<hbm>>) dst(%arg6 : memref<64x1024xf32, #tpu.memory_space<vmem>>)
    "tpu.region"() ({
      %run_scoped3A = tpu.sem_alloc : memref<!tpu.dma_semaphore, #tpu.memory_space<semaphore_mem>>
      %dma_start3A_49 = arith.constant 0 : i32
      %dma_start3A_50 = tpu.memref_slice %arg4[%add3A_10, %dma_start3A_49] : memref<12288x1024xf32, #tpu.memory_space<hbm>> -> memref<64x1024xf32, #tpu.memory_space<hbm>>
      %dma_start3A_51 = arith.constant 0 : i32
      %dma_start3A_52 = tpu.memref_slice %arg4[%add3A_10, %dma_start3A_51] : memref<12288x1024xf32, #tpu.memory_space<hbm>> -> memref<64x1024xf32, #tpu.memory_space<hbm>>
      tpu.enqueue_dma source(%arg6 : memref<64x1024xf32, #tpu.memory_space<vmem>>) target(%dma_start3A_52 : memref<64x1024xf32, #tpu.memory_space<hbm>>) target_semaphore(%run_scoped3A : memref<!tpu.dma_semaphore, #tpu.memory_space<semaphore_mem>>)
      %dma_wait3A_53 = arith.constant 0 : i32
      %dma_wait3A_54 = tpu.memref_slice %arg4[%add3A_10, %dma_wait3A_53] : memref<12288x1024xf32, #tpu.memory_space<hbm>> -> memref<64x1024xf32, #tpu.memory_space<hbm>>
      %dma_wait3A_55 = arith.constant 0 : i32
      %dma_wait3A_56 = tpu.memref_slice %arg4[%add3A_10, %dma_wait3A_55] : memref<12288x1024xf32, #tpu.memory_space<hbm>> -> memref<64x1024xf32, #tpu.memory_space<hbm>>
      tpu.wait_dma2 semaphore(%run_scoped3A : memref<!tpu.dma_semaphore, #tpu.memory_space<semaphore_mem>>) src(%arg6 : memref<64x1024xf32, #tpu.memory_space<vmem>>) dst(%dma_wait3A_56 : memref<64x1024xf32, #tpu.memory_space<hbm>>)
      tpu.yield
    }) : () -> ()
    %add3A_17 = arith.constant 128 : i32
    %add3A_18 = arith.addi %mul3A_2, %add3A_17 : i32
    "tpu.region"() ({
      %run_scoped3A = tpu.sem_alloc : memref<!tpu.dma_semaphore, #tpu.memory_space<semaphore_mem>>
      %dma_start3A_49 = tpu.memref_slice %arg3[%add3A_18] : memref<12288xi32, #tpu.memory_space<hbm>> -> memref<64xi32, #tpu.memory_space<hbm>>
      %dma_start3A_50 = tpu.memref_slice %arg3[%add3A_18] : memref<12288xi32, #tpu.memory_space<hbm>> -> memref<64xi32, #tpu.memory_space<hbm>>
      tpu.enqueue_dma source(%dma_start3A_50 : memref<64xi32, #tpu.memory_space<hbm>>) target(%arg5 : memref<64xi32, #tpu.memory_space<vmem>>) target_semaphore(%run_scoped3A : memref<!tpu.dma_semaphore, #tpu.memory_space<semaphore_mem>>)
      %dma_wait3A_51 = tpu.memref_slice %arg3[%add3A_18] : memref<12288xi32, #tpu.memory_space<hbm>> -> memref<64xi32, #tpu.memory_space<hbm>>
      %dma_wait3A_52 = tpu.memref_slice %arg3[%add3A_18] : memref<12288xi32, #tpu.memory_space<hbm>> -> memref<64xi32, #tpu.memory_space<hbm>>
      tpu.wait_dma2 semaphore(%run_scoped3A : memref<!tpu.dma_semaphore, #tpu.memory_space<semaphore_mem>>) src(%dma_wait3A_52 : memref<64xi32, #tpu.memory_space<hbm>>) dst(%arg5 : memref<64xi32, #tpu.memory_space<vmem>>)
      tpu.yield
    }) : () -> ()
    %dma_start3A_19 = arith.constant 0 : i32
    %dma_start3A_20 = arith.constant 0 : i32
    %dma_start3A_21 = tpu.memref_slice %arg2[%dma_start3A_19, %dma_start3A_20] : memref<4096x1024xf32, #tpu.memory_space<hbm>> -> memref<4096x1024xf32, #tpu.memory_space<hbm>>
    tpu.enqueue_indirect_dma source(%dma_start3A_21 : memref<4096x1024xf32, #tpu.memory_space<hbm>>) target(%arg6 : memref<64x1024xf32, #tpu.memory_space<vmem>>) offsets(%arg5 : memref<64xi32, #tpu.memory_space<vmem>>) semaphore(%arg7 : memref<!tpu.dma_semaphore, #tpu.memory_space<semaphore_mem>>)
    %dma_wait3A_22 = arith.constant 0 : i32
    %dma_wait3A_23 = arith.constant 0 : i32
    %dma_wait3A_24 = tpu.memref_slice %arg2[%dma_wait3A_22, %dma_wait3A_23] : memref<4096x1024xf32, #tpu.memory_space<hbm>> -> memref<4096x1024xf32, #tpu.memory_space<hbm>>
    tpu.wait_indirect_dma semaphore(%arg7 : memref<!tpu.dma_semaphore, #tpu.memory_space<semaphore_mem>>) src(%dma_wait3A_24 : memref<4096x1024xf32, #tpu.memory_space<hbm>>) dst(%arg6 : memref<64x1024xf32, #tpu.memory_space<vmem>>)
    "tpu.region"() ({
      %run_scoped3A = tpu.sem_alloc : memref<!tpu.dma_semaphore, #tpu.memory_space<semaphore_mem>>
      %dma_start3A_49 = arith.constant 0 : i32
      %dma_start3A_50 = tpu.memref_slice %arg4[%add3A_18, %dma_start3A_49] : memref<12288x1024xf32, #tpu.memory_space<hbm>> -> memref<64x1024xf32, #tpu.memory_space<hbm>>
      %dma_start3A_51 = arith.constant 0 : i32
      %dma_start3A_52 = tpu.memref_slice %arg4[%add3A_18, %dma_start3A_51] : memref<12288x1024xf32, #tpu.memory_space<hbm>> -> memref<64x1024xf32, #tpu.memory_space<hbm>>
      tpu.enqueue_dma source(%arg6 : memref<64x1024xf32, #tpu.memory_space<vmem>>) target(%dma_start3A_52 : memref<64x1024xf32, #tpu.memory_space<hbm>>) target_semaphore(%run_scoped3A : memref<!tpu.dma_semaphore, #tpu.memory_space<semaphore_mem>>)
      %dma_wait3A_53 = arith.constant 0 : i32
      %dma_wait3A_54 = tpu.memref_slice %arg4[%add3A_18, %dma_wait3A_53] : memref<12288x1024xf32, #tpu.memory_space<hbm>> -> memref<64x1024xf32, #tpu.memory_space<hbm>>
      %dma_wait3A_55 = arith.constant 0 : i32
      %dma_wait3A_56 = tpu.memref_slice %arg4[%add3A_18, %dma_wait3A_55] : memref<12288x1024xf32, #tpu.memory_space<hbm>> -> memref<64x1024xf32, #tpu.memory_space<hbm>>
      tpu.wait_dma2 semaphore(%run_scoped3A : memref<!tpu.dma_semaphore, #tpu.memory_space<semaphore_mem>>) src(%arg6 : memref<64x1024xf32, #tpu.memory_space<vmem>>) dst(%dma_wait3A_56 : memref<64x1024xf32, #tpu.memory_space<hbm>>)
      tpu.yield
    }) : () -> ()
    %add3A_25 = arith.constant 192 : i32
    %add3A_26 = arith.addi %mul3A_2, %add3A_25 : i32
    "tpu.region"() ({
      %run_scoped3A = tpu.sem_alloc : memref<!tpu.dma_semaphore, #tpu.memory_space<semaphore_mem>>
      %dma_start3A_49 = tpu.memref_slice %arg3[%add3A_26] : memref<12288xi32, #tpu.memory_space<hbm>> -> memref<64xi32, #tpu.memory_space<hbm>>
      %dma_start3A_50 = tpu.memref_slice %arg3[%add3A_26] : memref<12288xi32, #tpu.memory_space<hbm>> -> memref<64xi32, #tpu.memory_space<hbm>>
      tpu.enqueue_dma source(%dma_start3A_50 : memref<64xi32, #tpu.memory_space<hbm>>) target(%arg5 : memref<64xi32, #tpu.memory_space<vmem>>) target_semaphore(%run_scoped3A : memref<!tpu.dma_semaphore, #tpu.memory_space<semaphore_mem>>)
      %dma_wait3A_51 = tpu.memref_slice %arg3[%add3A_26] : memref<12288xi32, #tpu.memory_space<hbm>> -> memref<64xi32, #tpu.memory_space<hbm>>
      %dma_wait3A_52 = tpu.memref_slice %arg3[%add3A_26] : memref<12288xi32, #tpu.memory_space<hbm>> -> memref<64xi32, #tpu.memory_space<hbm>>
      tpu.wait_dma2 semaphore(%run_scoped3A : memref<!tpu.dma_semaphore, #tpu.memory_space<semaphore_mem>>) src(%dma_wait3A_52 : memref<64xi32, #tpu.memory_space<hbm>>) dst(%arg5 : memref<64xi32, #tpu.memory_space<vmem>>)
      tpu.yield
    }) : () -> ()
    %dma_start3A_27 = arith.constant 0 : i32
    %dma_start3A_28 = arith.constant 0 : i32
    %dma_start3A_29 = tpu.memref_slice %arg2[%dma_start3A_27, %dma_start3A_28] : memref<4096x1024xf32, #tpu.memory_space<hbm>> -> memref<4096x1024xf32, #tpu.memory_space<hbm>>
    tpu.enqueue_indirect_dma source(%dma_start3A_29 : memref<4096x1024xf32, #tpu.memory_space<hbm>>) target(%arg6 : memref<64x1024xf32, #tpu.memory_space<vmem>>) offsets(%arg5 : memref<64xi32, #tpu.memory_space<vmem>>) semaphore(%arg7 : memref<!tpu.dma_semaphore, #tpu.memory_space<semaphore_mem>>)
    %dma_wait3A_30 = arith.constant 0 : i32
    %dma_wait3A_31 = arith.constant 0 : i32
    %dma_wait3A_32 = tpu.memref_slice %arg2[%dma_wait3A_30, %dma_wait3A_31] : memref<4096x1024xf32, #tpu.memory_space<hbm>> -> memref<4096x1024xf32, #tpu.memory_space<hbm>>
    tpu.wait_indirect_dma semaphore(%arg7 : memref<!tpu.dma_semaphore, #tpu.memory_space<semaphore_mem>>) src(%dma_wait3A_32 : memref<4096x1024xf32, #tpu.memory_space<hbm>>) dst(%arg6 : memref<64x1024xf32, #tpu.memory_space<vmem>>)
    "tpu.region"() ({
      %run_scoped3A = tpu.sem_alloc : memref<!tpu.dma_semaphore, #tpu.memory_space<semaphore_mem>>
      %dma_start3A_49 = arith.constant 0 : i32
      %dma_start3A_50 = tpu.memref_slice %arg4[%add3A_26, %dma_start3A_49] : memref<12288x1024xf32, #tpu.memory_space<hbm>> -> memref<64x1024xf32, #tpu.memory_space<hbm>>
      %dma_start3A_51 = arith.constant 0 : i32
      %dma_start3A_52 = tpu.memref_slice %arg4[%add3A_26, %dma_start3A_51] : memref<12288x1024xf32, #tpu.memory_space<hbm>> -> memref<64x1024xf32, #tpu.memory_space<hbm>>
      tpu.enqueue_dma source(%arg6 : memref<64x1024xf32, #tpu.memory_space<vmem>>) target(%dma_start3A_52 : memref<64x1024xf32, #tpu.memory_space<hbm>>) target_semaphore(%run_scoped3A : memref<!tpu.dma_semaphore, #tpu.memory_space<semaphore_mem>>)
      %dma_wait3A_53 = arith.constant 0 : i32
      %dma_wait3A_54 = tpu.memref_slice %arg4[%add3A_26, %dma_wait3A_53] : memref<12288x1024xf32, #tpu.memory_space<hbm>> -> memref<64x1024xf32, #tpu.memory_space<hbm>>
      %dma_wait3A_55 = arith.constant 0 : i32
      %dma_wait3A_56 = tpu.memref_slice %arg4[%add3A_26, %dma_wait3A_55] : memref<12288x1024xf32, #tpu.memory_space<hbm>> -> memref<64x1024xf32, #tpu.memory_space<hbm>>
      tpu.wait_dma2 semaphore(%run_scoped3A : memref<!tpu.dma_semaphore, #tpu.memory_space<semaphore_mem>>) src(%arg6 : memref<64x1024xf32, #tpu.memory_space<vmem>>) dst(%dma_wait3A_56 : memref<64x1024xf32, #tpu.memory_space<hbm>>)
      tpu.yield
    }) : () -> ()
    %add3A_33 = arith.constant 256 : i32
    %add3A_34 = arith.addi %mul3A_2, %add3A_33 : i32
    "tpu.region"() ({
      %run_scoped3A = tpu.sem_alloc : memref<!tpu.dma_semaphore, #tpu.memory_space<semaphore_mem>>
      %dma_start3A_49 = tpu.memref_slice %arg3[%add3A_34] : memref<12288xi32, #tpu.memory_space<hbm>> -> memref<64xi32, #tpu.memory_space<hbm>>
      %dma_start3A_50 = tpu.memref_slice %arg3[%add3A_34] : memref<12288xi32, #tpu.memory_space<hbm>> -> memref<64xi32, #tpu.memory_space<hbm>>
      tpu.enqueue_dma source(%dma_start3A_50 : memref<64xi32, #tpu.memory_space<hbm>>) target(%arg5 : memref<64xi32, #tpu.memory_space<vmem>>) target_semaphore(%run_scoped3A : memref<!tpu.dma_semaphore, #tpu.memory_space<semaphore_mem>>)
      %dma_wait3A_51 = tpu.memref_slice %arg3[%add3A_34] : memref<12288xi32, #tpu.memory_space<hbm>> -> memref<64xi32, #tpu.memory_space<hbm>>
      %dma_wait3A_52 = tpu.memref_slice %arg3[%add3A_34] : memref<12288xi32, #tpu.memory_space<hbm>> -> memref<64xi32, #tpu.memory_space<hbm>>
      tpu.wait_dma2 semaphore(%run_scoped3A : memref<!tpu.dma_semaphore, #tpu.memory_space<semaphore_mem>>) src(%dma_wait3A_52 : memref<64xi32, #tpu.memory_space<hbm>>) dst(%arg5 : memref<64xi32, #tpu.memory_space<vmem>>)
      tpu.yield
    }) : () -> ()
    %dma_start3A_35 = arith.constant 0 : i32
    %dma_start3A_36 = arith.constant 0 : i32
    %dma_start3A_37 = tpu.memref_slice %arg2[%dma_start3A_35, %dma_start3A_36] : memref<4096x1024xf32, #tpu.memory_space<hbm>> -> memref<4096x1024xf32, #tpu.memory_space<hbm>>
    tpu.enqueue_indirect_dma source(%dma_start3A_37 : memref<4096x1024xf32, #tpu.memory_space<hbm>>) target(%arg6 : memref<64x1024xf32, #tpu.memory_space<vmem>>) offsets(%arg5 : memref<64xi32, #tpu.memory_space<vmem>>) semaphore(%arg7 : memref<!tpu.dma_semaphore, #tpu.memory_space<semaphore_mem>>)
    %dma_wait3A_38 = arith.constant 0 : i32
    %dma_wait3A_39 = arith.constant 0 : i32
    %dma_wait3A_40 = tpu.memref_slice %arg2[%dma_wait3A_38, %dma_wait3A_39] : memref<4096x1024xf32, #tpu.memory_space<hbm>> -> memref<4096x1024xf32, #tpu.memory_space<hbm>>
    tpu.wait_indirect_dma semaphore(%arg7 : memref<!tpu.dma_semaphore, #tpu.memory_space<semaphore_mem>>) src(%dma_wait3A_40 : memref<4096x1024xf32, #tpu.memory_space<hbm>>) dst(%arg6 : memref<64x1024xf32, #tpu.memory_space<vmem>>)
    "tpu.region"() ({
      %run_scoped3A = tpu.sem_alloc : memref<!tpu.dma_semaphore, #tpu.memory_space<semaphore_mem>>
      %dma_start3A_49 = arith.constant 0 : i32
      %dma_start3A_50 = tpu.memref_slice %arg4[%add3A_34, %dma_start3A_49] : memref<12288x1024xf32, #tpu.memory_space<hbm>> -> memref<64x1024xf32, #tpu.memory_space<hbm>>
      %dma_start3A_51 = arith.constant 0 : i32
      %dma_start3A_52 = tpu.memref_slice %arg4[%add3A_34, %dma_start3A_51] : memref<12288x1024xf32, #tpu.memory_space<hbm>> -> memref<64x1024xf32, #tpu.memory_space<hbm>>
      tpu.enqueue_dma source(%arg6 : memref<64x1024xf32, #tpu.memory_space<vmem>>) target(%dma_start3A_52 : memref<64x1024xf32, #tpu.memory_space<hbm>>) target_semaphore(%run_scoped3A : memref<!tpu.dma_semaphore, #tpu.memory_space<semaphore_mem>>)
      %dma_wait3A_53 = arith.constant 0 : i32
      %dma_wait3A_54 = tpu.memref_slice %arg4[%add3A_34, %dma_wait3A_53] : memref<12288x1024xf32, #tpu.memory_space<hbm>> -> memref<64x1024xf32, #tpu.memory_space<hbm>>
      %dma_wait3A_55 = arith.constant 0 : i32
      %dma_wait3A_56 = tpu.memref_slice %arg4[%add3A_34, %dma_wait3A_55] : memref<12288x1024xf32, #tpu.memory_space<hbm>> -> memref<64x1024xf32, #tpu.memory_space<hbm>>
      tpu.wait_dma2 semaphore(%run_scoped3A : memref<!tpu.dma_semaphore, #tpu.memory_space<semaphore_mem>>) src(%arg6 : memref<64x1024xf32, #tpu.memory_space<vmem>>) dst(%dma_wait3A_56 : memref<64x1024xf32, #tpu.memory_space<hbm>>)
      tpu.yield
    }) : () -> ()
    %add3A_41 = arith.constant 320 : i32
    %add3A_42 = arith.addi %mul3A_2, %add3A_41 : i32
    "tpu.region"() ({
      %run_scoped3A = tpu.sem_alloc : memref<!tpu.dma_semaphore, #tpu.memory_space<semaphore_mem>>
      %dma_start3A_49 = tpu.memref_slice %arg3[%add3A_42] : memref<12288xi32, #tpu.memory_space<hbm>> -> memref<64xi32, #tpu.memory_space<hbm>>
      %dma_start3A_50 = tpu.memref_slice %arg3[%add3A_42] : memref<12288xi32, #tpu.memory_space<hbm>> -> memref<64xi32, #tpu.memory_space<hbm>>
      tpu.enqueue_dma source(%dma_start3A_50 : memref<64xi32, #tpu.memory_space<hbm>>) target(%arg5 : memref<64xi32, #tpu.memory_space<vmem>>) target_semaphore(%run_scoped3A : memref<!tpu.dma_semaphore, #tpu.memory_space<semaphore_mem>>)
      %dma_wait3A_51 = tpu.memref_slice %arg3[%add3A_42] : memref<12288xi32, #tpu.memory_space<hbm>> -> memref<64xi32, #tpu.memory_space<hbm>>
      %dma_wait3A_52 = tpu.memref_slice %arg3[%add3A_42] : memref<12288xi32, #tpu.memory_space<hbm>> -> memref<64xi32, #tpu.memory_space<hbm>>
      tpu.wait_dma2 semaphore(%run_scoped3A : memref<!tpu.dma_semaphore, #tpu.memory_space<semaphore_mem>>) src(%dma_wait3A_52 : memref<64xi32, #tpu.memory_space<hbm>>) dst(%arg5 : memref<64xi32, #tpu.memory_space<vmem>>)
      tpu.yield
    }) : () -> ()
    %dma_start3A_43 = arith.constant 0 : i32
    %dma_start3A_44 = arith.constant 0 : i32
    %dma_start3A_45 = tpu.memref_slice %arg2[%dma_start3A_43, %dma_start3A_44] : memref<4096x1024xf32, #tpu.memory_space<hbm>> -> memref<4096x1024xf32, #tpu.memory_space<hbm>>
    tpu.enqueue_indirect_dma source(%dma_start3A_45 : memref<4096x1024xf32, #tpu.memory_space<hbm>>) target(%arg6 : memref<64x1024xf32, #tpu.memory_space<vmem>>) offsets(%arg5 : memref<64xi32, #tpu.memory_space<vmem>>) semaphore(%arg7 : memref<!tpu.dma_semaphore, #tpu.memory_space<semaphore_mem>>)
    %dma_wait3A_46 = arith.constant 0 : i32
    %dma_wait3A_47 = arith.constant 0 : i32
    %dma_wait3A_48 = tpu.memref_slice %arg2[%dma_wait3A_46, %dma_wait3A_47] : memref<4096x1024xf32, #tpu.memory_space<hbm>> -> memref<4096x1024xf32, #tpu.memory_space<hbm>>
    tpu.wait_indirect_dma semaphore(%arg7 : memref<!tpu.dma_semaphore, #tpu.memory_space<semaphore_mem>>) src(%dma_wait3A_48 : memref<4096x1024xf32, #tpu.memory_space<hbm>>) dst(%arg6 : memref<64x1024xf32, #tpu.memory_space<vmem>>)
    "tpu.region"() ({
      %run_scoped3A = tpu.sem_alloc : memref<!tpu.dma_semaphore, #tpu.memory_space<semaphore_mem>>
      %dma_start3A_49 = arith.constant 0 : i32
      %dma_start3A_50 = tpu.memref_slice %arg4[%add3A_42, %dma_start3A_49] : memref<12288x1024xf32, #tpu.memory_space<hbm>> -> memref<64x1024xf32, #tpu.memory_space<hbm>>
      %dma_start3A_51 = arith.constant 0 : i32
      %dma_start3A_52 = tpu.memref_slice %arg4[%add3A_42, %dma_start3A_51] : memref<12288x1024xf32, #tpu.memory_space<hbm>> -> memref<64x1024xf32, #tpu.memory_space<hbm>>
      tpu.enqueue_dma source(%arg6 : memref<64x1024xf32, #tpu.memory_space<vmem>>) target(%dma_start3A_52 : memref<64x1024xf32, #tpu.memory_space<hbm>>) target_semaphore(%run_scoped3A : memref<!tpu.dma_semaphore, #tpu.memory_space<semaphore_mem>>)
      %dma_wait3A_53 = arith.constant 0 : i32
      %dma_wait3A_54 = tpu.memref_slice %arg4[%add3A_42, %dma_wait3A_53] : memref<12288x1024xf32, #tpu.memory_space<hbm>> -> memref<64x1024xf32, #tpu.memory_space<hbm>>
      %dma_wait3A_55 = arith.constant 0 : i32
      %dma_wait3A_56 = tpu.memref_slice %arg4[%add3A_42, %dma_wait3A_55] : memref<12288x1024xf32, #tpu.memory_space<hbm>> -> memref<64x1024xf32, #tpu.memory_space<hbm>>
      tpu.wait_dma2 semaphore(%run_scoped3A : memref<!tpu.dma_semaphore, #tpu.memory_space<semaphore_mem>>) src(%arg6 : memref<64x1024xf32, #tpu.memory_space<vmem>>) dst(%dma_wait3A_56 : memref<64x1024xf32, #tpu.memory_space<hbm>>)
      tpu.yield
    }) : () -> ()
    return
  }
}

#map = affine_map<(d0, d1) -> (0, 0)>
#map1 = affine_map<(d0, d1) -> (0)>
module attributes {stable_mosaic.version = 14 : i64} {
  func.func @k(%arg0: i32, %arg1: i32, %arg2: memref<12288x1024xf32, #tpu.memory_space<hbm>>, %arg3: memref<8192xi32, #tpu.memory_space<hbm>>, %arg4: memref<8192x1024xf32, #tpu.memory_space<hbm>>, %arg5: memref<64xi32, #tpu.memory_space<vmem>>, %arg6: memref<64x1024xf32, #tpu.memory_space<vmem>>, %arg7: memref<!tpu.dma_semaphore, #tpu.memory_space<semaphore_mem>>) attributes {dimension_semantics = [#tpu.dimension_semantics<core_parallel>, #tpu.dimension_semantics<subcore_parallel>], iteration_bounds = array<i64: 2, 16>, scalar_prefetch = 0 : i64, scratch_operands = 3 : i64, tpu.core_type = #tpu.core_type<sc_vector_subcore>, window_params = [{transform_indices = #map}, {transform_indices = #map1}, {transform_indices = #map}]} {
    %mul3A = arith.constant 2 : i32
    %mul3A_0 = arith.muli %arg1, %mul3A : i32
    %add3A = arith.addi %mul3A_0, %arg0 : i32
    %mul3A_1 = arith.constant 256 : i32
    %mul3A_2 = arith.muli %add3A, %mul3A_1 : i32
    %add3A_3 = arith.constant 0 : i32
    %add3A_4 = arith.addi %mul3A_2, %add3A_3 : i32
    "tpu.region"() ({
      %run_scoped3A = tpu.sem_alloc : memref<!tpu.dma_semaphore, #tpu.memory_space<semaphore_mem>>
      %dma_start3A_33 = tpu.memref_slice %arg3[%add3A_4] : memref<8192xi32, #tpu.memory_space<hbm>> -> memref<64xi32, #tpu.memory_space<hbm>>
      %dma_start3A_34 = tpu.memref_slice %arg3[%add3A_4] : memref<8192xi32, #tpu.memory_space<hbm>> -> memref<64xi32, #tpu.memory_space<hbm>>
      tpu.enqueue_dma source(%dma_start3A_34 : memref<64xi32, #tpu.memory_space<hbm>>) target(%arg5 : memref<64xi32, #tpu.memory_space<vmem>>) target_semaphore(%run_scoped3A : memref<!tpu.dma_semaphore, #tpu.memory_space<semaphore_mem>>)
      %dma_wait3A_35 = tpu.memref_slice %arg3[%add3A_4] : memref<8192xi32, #tpu.memory_space<hbm>> -> memref<64xi32, #tpu.memory_space<hbm>>
      %dma_wait3A_36 = tpu.memref_slice %arg3[%add3A_4] : memref<8192xi32, #tpu.memory_space<hbm>> -> memref<64xi32, #tpu.memory_space<hbm>>
      tpu.wait_dma2 semaphore(%run_scoped3A : memref<!tpu.dma_semaphore, #tpu.memory_space<semaphore_mem>>) src(%dma_wait3A_36 : memref<64xi32, #tpu.memory_space<hbm>>) dst(%arg5 : memref<64xi32, #tpu.memory_space<vmem>>)
      tpu.yield
    }) : () -> ()
    %dma_start3A = arith.constant 0 : i32
    %dma_start3A_5 = arith.constant 0 : i32
    %dma_start3A_6 = tpu.memref_slice %arg2[%dma_start3A, %dma_start3A_5] : memref<12288x1024xf32, #tpu.memory_space<hbm>> -> memref<12288x1024xf32, #tpu.memory_space<hbm>>
    tpu.enqueue_indirect_dma source(%dma_start3A_6 : memref<12288x1024xf32, #tpu.memory_space<hbm>>) target(%arg6 : memref<64x1024xf32, #tpu.memory_space<vmem>>) offsets(%arg5 : memref<64xi32, #tpu.memory_space<vmem>>) semaphore(%arg7 : memref<!tpu.dma_semaphore, #tpu.memory_space<semaphore_mem>>)
    %dma_wait3A = arith.constant 0 : i32
    %dma_wait3A_7 = arith.constant 0 : i32
    %dma_wait3A_8 = tpu.memref_slice %arg2[%dma_wait3A, %dma_wait3A_7] : memref<12288x1024xf32, #tpu.memory_space<hbm>> -> memref<12288x1024xf32, #tpu.memory_space<hbm>>
    tpu.wait_indirect_dma semaphore(%arg7 : memref<!tpu.dma_semaphore, #tpu.memory_space<semaphore_mem>>) src(%dma_wait3A_8 : memref<12288x1024xf32, #tpu.memory_space<hbm>>) dst(%arg6 : memref<64x1024xf32, #tpu.memory_space<vmem>>)
    "tpu.region"() ({
      %run_scoped3A = tpu.sem_alloc : memref<!tpu.dma_semaphore, #tpu.memory_space<semaphore_mem>>
      %dma_start3A_33 = arith.constant 0 : i32
      %dma_start3A_34 = tpu.memref_slice %arg4[%add3A_4, %dma_start3A_33] : memref<8192x1024xf32, #tpu.memory_space<hbm>> -> memref<64x1024xf32, #tpu.memory_space<hbm>>
      %dma_start3A_35 = arith.constant 0 : i32
      %dma_start3A_36 = tpu.memref_slice %arg4[%add3A_4, %dma_start3A_35] : memref<8192x1024xf32, #tpu.memory_space<hbm>> -> memref<64x1024xf32, #tpu.memory_space<hbm>>
      tpu.enqueue_dma source(%arg6 : memref<64x1024xf32, #tpu.memory_space<vmem>>) target(%dma_start3A_36 : memref<64x1024xf32, #tpu.memory_space<hbm>>) target_semaphore(%run_scoped3A : memref<!tpu.dma_semaphore, #tpu.memory_space<semaphore_mem>>)
      %dma_wait3A_37 = arith.constant 0 : i32
      %dma_wait3A_38 = tpu.memref_slice %arg4[%add3A_4, %dma_wait3A_37] : memref<8192x1024xf32, #tpu.memory_space<hbm>> -> memref<64x1024xf32, #tpu.memory_space<hbm>>
      %dma_wait3A_39 = arith.constant 0 : i32
      %dma_wait3A_40 = tpu.memref_slice %arg4[%add3A_4, %dma_wait3A_39] : memref<8192x1024xf32, #tpu.memory_space<hbm>> -> memref<64x1024xf32, #tpu.memory_space<hbm>>
      tpu.wait_dma2 semaphore(%run_scoped3A : memref<!tpu.dma_semaphore, #tpu.memory_space<semaphore_mem>>) src(%arg6 : memref<64x1024xf32, #tpu.memory_space<vmem>>) dst(%dma_wait3A_40 : memref<64x1024xf32, #tpu.memory_space<hbm>>)
      tpu.yield
    }) : () -> ()
    %add3A_9 = arith.constant 64 : i32
    %add3A_10 = arith.addi %mul3A_2, %add3A_9 : i32
    "tpu.region"() ({
      %run_scoped3A = tpu.sem_alloc : memref<!tpu.dma_semaphore, #tpu.memory_space<semaphore_mem>>
      %dma_start3A_33 = tpu.memref_slice %arg3[%add3A_10] : memref<8192xi32, #tpu.memory_space<hbm>> -> memref<64xi32, #tpu.memory_space<hbm>>
      %dma_start3A_34 = tpu.memref_slice %arg3[%add3A_10] : memref<8192xi32, #tpu.memory_space<hbm>> -> memref<64xi32, #tpu.memory_space<hbm>>
      tpu.enqueue_dma source(%dma_start3A_34 : memref<64xi32, #tpu.memory_space<hbm>>) target(%arg5 : memref<64xi32, #tpu.memory_space<vmem>>) target_semaphore(%run_scoped3A : memref<!tpu.dma_semaphore, #tpu.memory_space<semaphore_mem>>)
      %dma_wait3A_35 = tpu.memref_slice %arg3[%add3A_10] : memref<8192xi32, #tpu.memory_space<hbm>> -> memref<64xi32, #tpu.memory_space<hbm>>
      %dma_wait3A_36 = tpu.memref_slice %arg3[%add3A_10] : memref<8192xi32, #tpu.memory_space<hbm>> -> memref<64xi32, #tpu.memory_space<hbm>>
      tpu.wait_dma2 semaphore(%run_scoped3A : memref<!tpu.dma_semaphore, #tpu.memory_space<semaphore_mem>>) src(%dma_wait3A_36 : memref<64xi32, #tpu.memory_space<hbm>>) dst(%arg5 : memref<64xi32, #tpu.memory_space<vmem>>)
      tpu.yield
    }) : () -> ()
    %dma_start3A_11 = arith.constant 0 : i32
    %dma_start3A_12 = arith.constant 0 : i32
    %dma_start3A_13 = tpu.memref_slice %arg2[%dma_start3A_11, %dma_start3A_12] : memref<12288x1024xf32, #tpu.memory_space<hbm>> -> memref<12288x1024xf32, #tpu.memory_space<hbm>>
    tpu.enqueue_indirect_dma source(%dma_start3A_13 : memref<12288x1024xf32, #tpu.memory_space<hbm>>) target(%arg6 : memref<64x1024xf32, #tpu.memory_space<vmem>>) offsets(%arg5 : memref<64xi32, #tpu.memory_space<vmem>>) semaphore(%arg7 : memref<!tpu.dma_semaphore, #tpu.memory_space<semaphore_mem>>)
    %dma_wait3A_14 = arith.constant 0 : i32
    %dma_wait3A_15 = arith.constant 0 : i32
    %dma_wait3A_16 = tpu.memref_slice %arg2[%dma_wait3A_14, %dma_wait3A_15] : memref<12288x1024xf32, #tpu.memory_space<hbm>> -> memref<12288x1024xf32, #tpu.memory_space<hbm>>
    tpu.wait_indirect_dma semaphore(%arg7 : memref<!tpu.dma_semaphore, #tpu.memory_space<semaphore_mem>>) src(%dma_wait3A_16 : memref<12288x1024xf32, #tpu.memory_space<hbm>>) dst(%arg6 : memref<64x1024xf32, #tpu.memory_space<vmem>>)
    "tpu.region"() ({
      %run_scoped3A = tpu.sem_alloc : memref<!tpu.dma_semaphore, #tpu.memory_space<semaphore_mem>>
      %dma_start3A_33 = arith.constant 0 : i32
      %dma_start3A_34 = tpu.memref_slice %arg4[%add3A_10, %dma_start3A_33] : memref<8192x1024xf32, #tpu.memory_space<hbm>> -> memref<64x1024xf32, #tpu.memory_space<hbm>>
      %dma_start3A_35 = arith.constant 0 : i32
      %dma_start3A_36 = tpu.memref_slice %arg4[%add3A_10, %dma_start3A_35] : memref<8192x1024xf32, #tpu.memory_space<hbm>> -> memref<64x1024xf32, #tpu.memory_space<hbm>>
      tpu.enqueue_dma source(%arg6 : memref<64x1024xf32, #tpu.memory_space<vmem>>) target(%dma_start3A_36 : memref<64x1024xf32, #tpu.memory_space<hbm>>) target_semaphore(%run_scoped3A : memref<!tpu.dma_semaphore, #tpu.memory_space<semaphore_mem>>)
      %dma_wait3A_37 = arith.constant 0 : i32
      %dma_wait3A_38 = tpu.memref_slice %arg4[%add3A_10, %dma_wait3A_37] : memref<8192x1024xf32, #tpu.memory_space<hbm>> -> memref<64x1024xf32, #tpu.memory_space<hbm>>
      %dma_wait3A_39 = arith.constant 0 : i32
      %dma_wait3A_40 = tpu.memref_slice %arg4[%add3A_10, %dma_wait3A_39] : memref<8192x1024xf32, #tpu.memory_space<hbm>> -> memref<64x1024xf32, #tpu.memory_space<hbm>>
      tpu.wait_dma2 semaphore(%run_scoped3A : memref<!tpu.dma_semaphore, #tpu.memory_space<semaphore_mem>>) src(%arg6 : memref<64x1024xf32, #tpu.memory_space<vmem>>) dst(%dma_wait3A_40 : memref<64x1024xf32, #tpu.memory_space<hbm>>)
      tpu.yield
    }) : () -> ()
    %add3A_17 = arith.constant 128 : i32
    %add3A_18 = arith.addi %mul3A_2, %add3A_17 : i32
    "tpu.region"() ({
      %run_scoped3A = tpu.sem_alloc : memref<!tpu.dma_semaphore, #tpu.memory_space<semaphore_mem>>
      %dma_start3A_33 = tpu.memref_slice %arg3[%add3A_18] : memref<8192xi32, #tpu.memory_space<hbm>> -> memref<64xi32, #tpu.memory_space<hbm>>
      %dma_start3A_34 = tpu.memref_slice %arg3[%add3A_18] : memref<8192xi32, #tpu.memory_space<hbm>> -> memref<64xi32, #tpu.memory_space<hbm>>
      tpu.enqueue_dma source(%dma_start3A_34 : memref<64xi32, #tpu.memory_space<hbm>>) target(%arg5 : memref<64xi32, #tpu.memory_space<vmem>>) target_semaphore(%run_scoped3A : memref<!tpu.dma_semaphore, #tpu.memory_space<semaphore_mem>>)
      %dma_wait3A_35 = tpu.memref_slice %arg3[%add3A_18] : memref<8192xi32, #tpu.memory_space<hbm>> -> memref<64xi32, #tpu.memory_space<hbm>>
      %dma_wait3A_36 = tpu.memref_slice %arg3[%add3A_18] : memref<8192xi32, #tpu.memory_space<hbm>> -> memref<64xi32, #tpu.memory_space<hbm>>
      tpu.wait_dma2 semaphore(%run_scoped3A : memref<!tpu.dma_semaphore, #tpu.memory_space<semaphore_mem>>) src(%dma_wait3A_36 : memref<64xi32, #tpu.memory_space<hbm>>) dst(%arg5 : memref<64xi32, #tpu.memory_space<vmem>>)
      tpu.yield
    }) : () -> ()
    %dma_start3A_19 = arith.constant 0 : i32
    %dma_start3A_20 = arith.constant 0 : i32
    %dma_start3A_21 = tpu.memref_slice %arg2[%dma_start3A_19, %dma_start3A_20] : memref<12288x1024xf32, #tpu.memory_space<hbm>> -> memref<12288x1024xf32, #tpu.memory_space<hbm>>
    tpu.enqueue_indirect_dma source(%dma_start3A_21 : memref<12288x1024xf32, #tpu.memory_space<hbm>>) target(%arg6 : memref<64x1024xf32, #tpu.memory_space<vmem>>) offsets(%arg5 : memref<64xi32, #tpu.memory_space<vmem>>) semaphore(%arg7 : memref<!tpu.dma_semaphore, #tpu.memory_space<semaphore_mem>>)
    %dma_wait3A_22 = arith.constant 0 : i32
    %dma_wait3A_23 = arith.constant 0 : i32
    %dma_wait3A_24 = tpu.memref_slice %arg2[%dma_wait3A_22, %dma_wait3A_23] : memref<12288x1024xf32, #tpu.memory_space<hbm>> -> memref<12288x1024xf32, #tpu.memory_space<hbm>>
    tpu.wait_indirect_dma semaphore(%arg7 : memref<!tpu.dma_semaphore, #tpu.memory_space<semaphore_mem>>) src(%dma_wait3A_24 : memref<12288x1024xf32, #tpu.memory_space<hbm>>) dst(%arg6 : memref<64x1024xf32, #tpu.memory_space<vmem>>)
    "tpu.region"() ({
      %run_scoped3A = tpu.sem_alloc : memref<!tpu.dma_semaphore, #tpu.memory_space<semaphore_mem>>
      %dma_start3A_33 = arith.constant 0 : i32
      %dma_start3A_34 = tpu.memref_slice %arg4[%add3A_18, %dma_start3A_33] : memref<8192x1024xf32, #tpu.memory_space<hbm>> -> memref<64x1024xf32, #tpu.memory_space<hbm>>
      %dma_start3A_35 = arith.constant 0 : i32
      %dma_start3A_36 = tpu.memref_slice %arg4[%add3A_18, %dma_start3A_35] : memref<8192x1024xf32, #tpu.memory_space<hbm>> -> memref<64x1024xf32, #tpu.memory_space<hbm>>
      tpu.enqueue_dma source(%arg6 : memref<64x1024xf32, #tpu.memory_space<vmem>>) target(%dma_start3A_36 : memref<64x1024xf32, #tpu.memory_space<hbm>>) target_semaphore(%run_scoped3A : memref<!tpu.dma_semaphore, #tpu.memory_space<semaphore_mem>>)
      %dma_wait3A_37 = arith.constant 0 : i32
      %dma_wait3A_38 = tpu.memref_slice %arg4[%add3A_18, %dma_wait3A_37] : memref<8192x1024xf32, #tpu.memory_space<hbm>> -> memref<64x1024xf32, #tpu.memory_space<hbm>>
      %dma_wait3A_39 = arith.constant 0 : i32
      %dma_wait3A_40 = tpu.memref_slice %arg4[%add3A_18, %dma_wait3A_39] : memref<8192x1024xf32, #tpu.memory_space<hbm>> -> memref<64x1024xf32, #tpu.memory_space<hbm>>
      tpu.wait_dma2 semaphore(%run_scoped3A : memref<!tpu.dma_semaphore, #tpu.memory_space<semaphore_mem>>) src(%arg6 : memref<64x1024xf32, #tpu.memory_space<vmem>>) dst(%dma_wait3A_40 : memref<64x1024xf32, #tpu.memory_space<hbm>>)
      tpu.yield
    }) : () -> ()
    %add3A_25 = arith.constant 192 : i32
    %add3A_26 = arith.addi %mul3A_2, %add3A_25 : i32
    "tpu.region"() ({
      %run_scoped3A = tpu.sem_alloc : memref<!tpu.dma_semaphore, #tpu.memory_space<semaphore_mem>>
      %dma_start3A_33 = tpu.memref_slice %arg3[%add3A_26] : memref<8192xi32, #tpu.memory_space<hbm>> -> memref<64xi32, #tpu.memory_space<hbm>>
      %dma_start3A_34 = tpu.memref_slice %arg3[%add3A_26] : memref<8192xi32, #tpu.memory_space<hbm>> -> memref<64xi32, #tpu.memory_space<hbm>>
      tpu.enqueue_dma source(%dma_start3A_34 : memref<64xi32, #tpu.memory_space<hbm>>) target(%arg5 : memref<64xi32, #tpu.memory_space<vmem>>) target_semaphore(%run_scoped3A : memref<!tpu.dma_semaphore, #tpu.memory_space<semaphore_mem>>)
      %dma_wait3A_35 = tpu.memref_slice %arg3[%add3A_26] : memref<8192xi32, #tpu.memory_space<hbm>> -> memref<64xi32, #tpu.memory_space<hbm>>
      %dma_wait3A_36 = tpu.memref_slice %arg3[%add3A_26] : memref<8192xi32, #tpu.memory_space<hbm>> -> memref<64xi32, #tpu.memory_space<hbm>>
      tpu.wait_dma2 semaphore(%run_scoped3A : memref<!tpu.dma_semaphore, #tpu.memory_space<semaphore_mem>>) src(%dma_wait3A_36 : memref<64xi32, #tpu.memory_space<hbm>>) dst(%arg5 : memref<64xi32, #tpu.memory_space<vmem>>)
      tpu.yield
    }) : () -> ()
    %dma_start3A_27 = arith.constant 0 : i32
    %dma_start3A_28 = arith.constant 0 : i32
    %dma_start3A_29 = tpu.memref_slice %arg2[%dma_start3A_27, %dma_start3A_28] : memref<12288x1024xf32, #tpu.memory_space<hbm>> -> memref<12288x1024xf32, #tpu.memory_space<hbm>>
    tpu.enqueue_indirect_dma source(%dma_start3A_29 : memref<12288x1024xf32, #tpu.memory_space<hbm>>) target(%arg6 : memref<64x1024xf32, #tpu.memory_space<vmem>>) offsets(%arg5 : memref<64xi32, #tpu.memory_space<vmem>>) semaphore(%arg7 : memref<!tpu.dma_semaphore, #tpu.memory_space<semaphore_mem>>)
    %dma_wait3A_30 = arith.constant 0 : i32
    %dma_wait3A_31 = arith.constant 0 : i32
    %dma_wait3A_32 = tpu.memref_slice %arg2[%dma_wait3A_30, %dma_wait3A_31] : memref<12288x1024xf32, #tpu.memory_space<hbm>> -> memref<12288x1024xf32, #tpu.memory_space<hbm>>
    tpu.wait_indirect_dma semaphore(%arg7 : memref<!tpu.dma_semaphore, #tpu.memory_space<semaphore_mem>>) src(%dma_wait3A_32 : memref<12288x1024xf32, #tpu.memory_space<hbm>>) dst(%arg6 : memref<64x1024xf32, #tpu.memory_space<vmem>>)
    "tpu.region"() ({
      %run_scoped3A = tpu.sem_alloc : memref<!tpu.dma_semaphore, #tpu.memory_space<semaphore_mem>>
      %dma_start3A_33 = arith.constant 0 : i32
      %dma_start3A_34 = tpu.memref_slice %arg4[%add3A_26, %dma_start3A_33] : memref<8192x1024xf32, #tpu.memory_space<hbm>> -> memref<64x1024xf32, #tpu.memory_space<hbm>>
      %dma_start3A_35 = arith.constant 0 : i32
      %dma_start3A_36 = tpu.memref_slice %arg4[%add3A_26, %dma_start3A_35] : memref<8192x1024xf32, #tpu.memory_space<hbm>> -> memref<64x1024xf32, #tpu.memory_space<hbm>>
      tpu.enqueue_dma source(%arg6 : memref<64x1024xf32, #tpu.memory_space<vmem>>) target(%dma_start3A_36 : memref<64x1024xf32, #tpu.memory_space<hbm>>) target_semaphore(%run_scoped3A : memref<!tpu.dma_semaphore, #tpu.memory_space<semaphore_mem>>)
      %dma_wait3A_37 = arith.constant 0 : i32
      %dma_wait3A_38 = tpu.memref_slice %arg4[%add3A_26, %dma_wait3A_37] : memref<8192x1024xf32, #tpu.memory_space<hbm>> -> memref<64x1024xf32, #tpu.memory_space<hbm>>
      %dma_wait3A_39 = arith.constant 0 : i32
      %dma_wait3A_40 = tpu.memref_slice %arg4[%add3A_26, %dma_wait3A_39] : memref<8192x1024xf32, #tpu.memory_space<hbm>> -> memref<64x1024xf32, #tpu.memory_space<hbm>>
      tpu.wait_dma2 semaphore(%run_scoped3A : memref<!tpu.dma_semaphore, #tpu.memory_space<semaphore_mem>>) src(%arg6 : memref<64x1024xf32, #tpu.memory_space<vmem>>) dst(%dma_wait3A_40 : memref<64x1024xf32, #tpu.memory_space<hbm>>)
      tpu.yield
    }) : () -> ()
    return
  }
}

module attributes {stable_mosaic.version = 14 : i64} {
  func.func @_router_body(%arg0: i32, %arg1: memref<512x1024xf32, #tpu.memory_space<vmem>>, %arg2: memref<1024x16xf32, #tpu.memory_space<vmem>>, %arg3: memref<1x16xf32, #tpu.memory_space<vmem>>, %arg4: memref<512x2xf32, #tpu.memory_space<vmem>>, %arg5: memref<512x2xi32, #tpu.memory_space<vmem>>) attributes {dimension_semantics = [#tpu.dimension_semantics<arbitrary>], iteration_bounds = array<i64: 8>, scalar_prefetch = 0 : i64, scratch_operands = 0 : i64, tpu.core_type = #tpu.core_type<tc>, window_params = [{transform_indices = @transform_0, window_bounds = array<i64: 512, 1024>}, {pipeline_mode = #tpu.pipeline_mode<synchronous>, transform_indices = @transform_1, window_bounds = array<i64: 1024, 16>}, {pipeline_mode = #tpu.pipeline_mode<synchronous>, transform_indices = @transform_2, window_bounds = array<i64: 1, 16>}, {transform_indices = @transform_3, window_bounds = array<i64: 512, 2>}, {transform_indices = @transform_4, window_bounds = array<i64: 512, 2>}]} {
    %get3A = arith.constant 0 : index
    %get3A_0 = arith.constant 0 : index
    %get3A_1 = vector.load %arg1[%get3A, %get3A_0] : memref<512x1024xf32, #tpu.memory_space<vmem>>, vector<512x1024xf32>
    %get3A_2 = arith.constant 0 : index
    %get3A_3 = arith.constant 0 : index
    %get3A_4 = vector.load %arg2[%get3A_2, %get3A_3] : memref<1024x16xf32, #tpu.memory_space<vmem>>, vector<1024x16xf32>
    %dot_general3A = arith.constant dense<0.000000e+00> : vector<512x16xf32>
    %dot_general3A_5 = tpu.matmul %get3A_1, %get3A_4, %dot_general3A {dimension_numbers = #tpu.dot_dimension_numbers<[1], [0], [0], [1], [0, 0, 1, 1], [], []>, transpose_lhs_hint = false} : vector<512x1024xf32>, vector<1024x16xf32>, vector<512x16xf32> -> vector<512x16xf32>
    %get3A_6 = arith.constant 0 : index
    %get3A_7 = arith.constant 0 : index
    %get3A_8 = vector.load %arg3[%get3A_6, %get3A_7] : memref<1x16xf32, #tpu.memory_space<vmem>>, vector<1x16xf32>
    %add3A = vector.broadcast %get3A_8 : vector<1x16xf32> to vector<512x16xf32>
    %add3A_9 = arith.addf %dot_general3A_5, %add3A : vector<512x16xf32>
    %reduce_max3A = arith.constant dense<0xFF800000> : vector<512xf32>
    %reduce_max3A_10 = vector.multi_reduction <maximumf>, %add3A_9, %reduce_max3A [1] : vector<512x16xf32> to vector<512xf32>
    %max3A = arith.constant 0xFF800000 : f32
    %max3A_11 = vector.broadcast %max3A : f32 to vector<512xf32>
    %max3A_12 = arith.maximumf %max3A_11, %reduce_max3A_10 : vector<512xf32>
    %broadcast_in_dim3A = vector.shape_cast %max3A_12 : vector<512xf32> to vector<512x1xf32>
    %sub3A = vector.broadcast %broadcast_in_dim3A : vector<512x1xf32> to vector<512x16xf32>
    %sub3A_13 = arith.subf %add3A_9, %sub3A : vector<512x16xf32>
    %exp3A = math.exp %sub3A_13 : vector<512x16xf32>
    %reduce_sum3A = arith.constant dense<0.000000e+00> : vector<512xf32>
    %reduce_sum3A_14 = vector.multi_reduction <add>, %exp3A, %reduce_sum3A [1] : vector<512x16xf32> to vector<512xf32>
    %broadcast_in_dim3A_15 = vector.shape_cast %reduce_sum3A_14 : vector<512xf32> to vector<512x1xf32>
    %div3A = vector.broadcast %broadcast_in_dim3A_15 : vector<512x1xf32> to vector<512x16xf32>
    %div3A_16 = arith.divf %exp3A, %div3A : vector<512x16xf32>
    %iota3A = tpu.iota {dimensions = array<i32: 1>} : vector<512x16xi32>
    %reduce_max3A_17 = arith.constant dense<0xFF800000> : vector<512xf32>
    %reduce_max3A_18 = vector.multi_reduction <maximumf>, %div3A_16, %reduce_max3A_17 [1] : vector<512x16xf32> to vector<512xf32>
    %broadcast_in_dim3A_19 = vector.shape_cast %reduce_max3A_18 : vector<512xf32> to vector<512x1xf32>
    %eq3A = vector.broadcast %broadcast_in_dim3A_19 : vector<512x1xf32> to vector<512x16xf32>
    %eq3A_20 = arith.cmpf oeq, %div3A_16, %eq3A : vector<512x16xf32>
    %jit3A = arith.constant 16 : i32
    %broadcast_in_dim3A_21 = vector.broadcast %jit3A : i32 to vector<512x16xi32>
    %select_n3A = arith.select %eq3A_20, %iota3A, %broadcast_in_dim3A_21 : vector<512x16xi1>, vector<512x16xi32>
    %reduce_min3A = arith.constant dense<2147483647> : vector<512xi32>
    %reduce_min3A_22 = vector.multi_reduction <minsi>, %select_n3A, %reduce_min3A [1] : vector<512x16xi32> to vector<512xi32>
    %broadcast_in_dim3A_23 = vector.shape_cast %reduce_min3A_22 : vector<512xi32> to vector<512x1xi32>
    %eq3A_24 = vector.broadcast %broadcast_in_dim3A_23 : vector<512x1xi32> to vector<512x16xi32>
    %eq3A_25 = arith.cmpi eq, %iota3A, %eq3A_24 : vector<512x16xi32>
    %jit3A_26 = arith.constant -1.000000e+00 : f32
    %broadcast_in_dim3A_27 = vector.broadcast %jit3A_26 : f32 to vector<512x16xf32>
    %select_n3A_28 = arith.select %eq3A_25, %broadcast_in_dim3A_27, %div3A_16 : vector<512x16xi1>, vector<512x16xf32>
    %reduce_max3A_29 = arith.constant dense<0xFF800000> : vector<512xf32>
    %reduce_max3A_30 = vector.multi_reduction <maximumf>, %select_n3A_28, %reduce_max3A_29 [1] : vector<512x16xf32> to vector<512xf32>
    %broadcast_in_dim3A_31 = vector.shape_cast %reduce_max3A_30 : vector<512xf32> to vector<512x1xf32>
    %eq3A_32 = vector.broadcast %broadcast_in_dim3A_31 : vector<512x1xf32> to vector<512x16xf32>
    %eq3A_33 = arith.cmpf oeq, %select_n3A_28, %eq3A_32 : vector<512x16xf32>
    %jit3A_34 = arith.constant 16 : i32
    %broadcast_in_dim3A_35 = vector.broadcast %jit3A_34 : i32 to vector<512x16xi32>
    %select_n3A_36 = arith.select %eq3A_33, %iota3A, %broadcast_in_dim3A_35 : vector<512x16xi1>, vector<512x16xi32>
    %reduce_min3A_37 = arith.constant dense<2147483647> : vector<512xi32>
    %reduce_min3A_38 = vector.multi_reduction <minsi>, %select_n3A_36, %reduce_min3A_37 [1] : vector<512x16xi32> to vector<512xi32>
    %broadcast_in_dim3A_39 = vector.shape_cast %reduce_min3A_38 : vector<512xi32> to vector<512x1xi32>
    %concatenate3A = tpu.concatenate %broadcast_in_dim3A_19, %broadcast_in_dim3A_31 in 1 : vector<512x1xf32>, vector<512x1xf32> -> vector<512x2xf32>
    %swap3A = arith.constant 0 : index
    %swap3A_40 = arith.constant 0 : index
    %swap3A_41 = vector.load %arg4[%swap3A, %swap3A_40] : memref<512x2xf32, #tpu.memory_space<vmem>>, vector<512x2xf32>
    tpu.vector_store %arg4[%swap3A, %swap3A_40], %concatenate3A {strides = array<i32>} : memref<512x2xf32, #tpu.memory_space<vmem>>, vector<512x2xf32>,
    %concatenate3A_42 = tpu.concatenate %broadcast_in_dim3A_23, %broadcast_in_dim3A_39 in 1 : vector<512x1xi32>, vector<512x1xi32> -> vector<512x2xi32>
    %swap3A_43 = arith.constant 0 : index
    %swap3A_44 = arith.constant 0 : index
    %swap3A_45 = vector.load %arg5[%swap3A_43, %swap3A_44] : memref<512x2xi32, #tpu.memory_space<vmem>>, vector<512x2xi32>
    tpu.vector_store %arg5[%swap3A_43, %swap3A_44], %concatenate3A_42 {strides = array<i32>} : memref<512x2xi32, #tpu.memory_space<vmem>>, vector<512x2xi32>,
    return
  }
  func.func @transform_0(%arg0: i32) -> (i32, i32) {
    %c0_i32 = arith.constant 0 : i32
    %c0_i32_0 = arith.constant 0 : i32
    return %arg0, %c0_i32 : i32, i32
  }
  func.func @transform_1(%arg0: i32) -> (i32, i32) {
    %c0_i32 = arith.constant 0 : i32
    %c0_i32_0 = arith.constant 0 : i32
    %c0_i32_1 = arith.constant 0 : i32
    return %c0_i32, %c0_i32_0 : i32, i32
  }
  func.func @transform_2(%arg0: i32) -> (i32, i32) {
    %c0_i32 = arith.constant 0 : i32
    %c0_i32_0 = arith.constant 0 : i32
    %c0_i32_1 = arith.constant 0 : i32
    return %c0_i32, %c0_i32_0 : i32, i32
  }
  func.func @transform_3(%arg0: i32) -> (i32, i32) {
    %c0_i32 = arith.constant 0 : i32
    %c0_i32_0 = arith.constant 0 : i32
    return %arg0, %c0_i32 : i32, i32
  }
  func.func @transform_4(%arg0: i32) -> (i32, i32) {
    %c0_i32 = arith.constant 0 : i32
    %c0_i32_0 = arith.constant 0 : i32
    return %arg0, %c0_i32 : i32, i32
  }
}

module attributes {stable_mosaic.version = 14 : i64} {
  func.func @_gmm_body(%arg0: i32, %arg1: memref<49xi32, #tpu.memory_space<smem>>, %arg2: memref<256x1024xf32, #tpu.memory_space<vmem>>, %arg3: memref<1x1024x1024xf32, #tpu.memory_space<vmem>>, %arg4: memref<1x8x128xf32, #tpu.memory_space<vmem>>, %arg5: memref<256x1024xf32, #tpu.memory_space<vmem>>) attributes {dimension_semantics = [#tpu.dimension_semantics<arbitrary>], iteration_bounds = array<i64: 48>, scalar_prefetch = 1 : i64, scratch_operands = 0 : i64, tpu.core_type = #tpu.core_type<tc>, window_params = [{transform_indices = @transform_0, window_bounds = array<i64: 256, 1024>}, {transform_indices = @transform_1, window_bounds = array<i64: 1, 1024, 1024>}, {transform_indices = @transform_2, window_bounds = array<i64: 1, 8, 128>}, {transform_indices = @transform_3, window_bounds = array<i64: 256, 1024>}]} {
    %get3A = arith.constant 48 : index
    %get3A_0 = memref.load %arg1[%get3A] : memref<49xi32, #tpu.memory_space<smem>>
    %lt3A = arith.cmpi slt, %arg0, %get3A_0 : i32
    %convert_element_type3A = arith.extui %lt3A : i1 to i32
    %cond3A = arith.constant 0 : i32
    %cond3A_1 = arith.cmpi ne, %convert_element_type3A, %cond3A : i32
    scf.if %cond3A_1 {
      %get3A_2 = arith.constant 0 : index
      %get3A_3 = arith.constant 0 : index
      %get3A_4 = vector.load %arg2[%get3A_2, %get3A_3] : memref<256x1024xf32, #tpu.memory_space<vmem>>, vector<256x1024xf32>
      %get3A_5 = arith.constant 0 : index
      %get3A_6 = arith.constant 0 : index
      %get3A_7 = arith.constant 0 : index
      %get3A_8 = vector.load %arg3[%get3A_5, %get3A_6, %get3A_7] : memref<1x1024x1024xf32, #tpu.memory_space<vmem>>, vector<1x1024x1024xf32>
      %get3A_9 = vector.shape_cast %get3A_8 : vector<1x1024x1024xf32> to vector<1024x1024xf32>
      %dot_general3A = arith.constant dense<0.000000e+00> : vector<256x1024xf32>
      %dot_general3A_10 = tpu.matmul %get3A_4, %get3A_9, %dot_general3A {dimension_numbers = #tpu.dot_dimension_numbers<[1], [0], [0], [1], [0, 0, 1, 1], [], []>, transpose_lhs_hint = false} : vector<256x1024xf32>, vector<1024x1024xf32>, vector<256x1024xf32> -> vector<256x1024xf32>
      %get3A_11 = arith.constant 0 : index
      %get3A_12 = arith.constant 0 : index
      %get3A_13 = arith.constant 0 : index
      %get3A_14 = vector.load %arg4[%get3A_11, %get3A_12, %get3A_13] : memref<1x8x128xf32, #tpu.memory_space<vmem>>, vector<1x8x128xf32>
      %get3A_15 = vector.shape_cast %get3A_14 : vector<1x8x128xf32> to vector<8x128xf32>
      %reshape3A = vector.shape_cast %get3A_15 : vector<8x128xf32> to vector<1x1024xf32>
      %add3A = vector.broadcast %reshape3A : vector<1x1024xf32> to vector<256x1024xf32>
      %add3A_16 = arith.addf %dot_general3A_10, %add3A : vector<256x1024xf32>
      %max3A = arith.constant 0.000000e+00 : f32
      %max3A_17 = vector.broadcast %max3A : f32 to vector<256x1024xf32>
      %max3A_18 = arith.maximumf %add3A_16, %max3A_17 : vector<256x1024xf32>
      %swap3A = arith.constant 0 : index
      %swap3A_19 = arith.constant 0 : index
      %swap3A_20 = vector.load %arg5[%swap3A, %swap3A_19] : memref<256x1024xf32, #tpu.memory_space<vmem>>, vector<256x1024xf32>
      tpu.vector_store %arg5[%swap3A, %swap3A_19], %max3A_18 {strides = array<i32>} : memref<256x1024xf32, #tpu.memory_space<vmem>>, vector<256x1024xf32>,
    } else {
    }
    return
  }
  func.func @transform_0(%arg0: i32, %arg1: memref<49xi32, #tpu.memory_space<smem>>) -> (i32, i32) {
    %c0_i32 = arith.constant 0 : i32
    %c0_i32_0 = arith.constant 0 : i32
    return %arg0, %c0_i32 : i32, i32
  }
  func.func @transform_1(%arg0: i32, %arg1: memref<49xi32, #tpu.memory_space<smem>>) -> (i32, i32, i32) {
    %get3A = arith.index_cast %arg0 : i32 to index
    %get3A_0 = memref.load %arg1[%get3A] : memref<49xi32, #tpu.memory_space<smem>>
    %c0_i32 = arith.constant 0 : i32
    %c0_i32_1 = arith.constant 0 : i32
    %c0_i32_2 = arith.constant 0 : i32
    return %get3A_0, %c0_i32, %c0_i32_1 : i32, i32, i32
  }
  func.func @transform_2(%arg0: i32, %arg1: memref<49xi32, #tpu.memory_space<smem>>) -> (i32, i32, i32) {
    %get3A = arith.index_cast %arg0 : i32 to index
    %get3A_0 = memref.load %arg1[%get3A] : memref<49xi32, #tpu.memory_space<smem>>
    %c0_i32 = arith.constant 0 : i32
    %c0_i32_1 = arith.constant 0 : i32
    %c0_i32_2 = arith.constant 0 : i32
    return %get3A_0, %c0_i32, %c0_i32_1 : i32, i32, i32
  }
  func.func @transform_3(%arg0: i32, %arg1: memref<49xi32, #tpu.memory_space<smem>>) -> (i32, i32) {
    %c0_i32 = arith.constant 0 : i32
    %c0_i32_0 = arith.constant 0 : i32
    return %arg0, %c0_i32 : i32, i32
  }
}

module attributes {stable_mosaic.version = 14 : i64} {
  func.func @_combine_body(%arg0: i32, %arg1: memref<256x2048xf32, #tpu.memory_space<vmem>>, %arg2: memref<256x2xf32, #tpu.memory_space<vmem>>, %arg3: memref<256x1024xf32, #tpu.memory_space<vmem>>) attributes {dimension_semantics = [#tpu.dimension_semantics<arbitrary>], iteration_bounds = array<i64: 16>, scalar_prefetch = 0 : i64, scratch_operands = 0 : i64, tpu.core_type = #tpu.core_type<tc>, window_params = [{transform_indices = @transform_0, window_bounds = array<i64: 256, 2048>}, {transform_indices = @transform_1, window_bounds = array<i64: 256, 2>}, {transform_indices = @transform_2, window_bounds = array<i64: 256, 1024>}]} {
    %get3A = arith.constant 0 : index
    %get3A_0 = arith.constant 0 : index
    %get3A_1 = vector.load %arg1[%get3A, %get3A_0] : memref<256x2048xf32, #tpu.memory_space<vmem>>, vector<256x2048xf32>
    %get3A_2 = arith.constant 0 : index
    %get3A_3 = arith.constant 0 : index
    %get3A_4 = vector.load %arg2[%get3A_2, %get3A_3] : memref<256x2xf32, #tpu.memory_space<vmem>>, vector<256x2xf32>
    %slice3A = vector.extract_strided_slice %get3A_1 {offsets = [0, 0], sizes = [256, 1024], strides = [1, 1]} : vector<256x2048xf32> to vector<256x1024xf32>
    %slice3A_5 = vector.extract_strided_slice %get3A_4 {offsets = [0, 0], sizes = [256, 1], strides = [1, 1]} : vector<256x2xf32> to vector<256x1xf32>
    %mul3A = vector.broadcast %slice3A_5 : vector<256x1xf32> to vector<256x1024xf32>
    %mul3A_6 = arith.mulf %slice3A, %mul3A : vector<256x1024xf32>
    %slice3A_7 = vector.extract_strided_slice %get3A_1 {offsets = [0, 1024], sizes = [256, 1024], strides = [1, 1]} : vector<256x2048xf32> to vector<256x1024xf32>
    %slice3A_8 = vector.extract_strided_slice %get3A_4 {offsets = [0, 1], sizes = [256, 1], strides = [1, 1]} : vector<256x2xf32> to vector<256x1xf32>
    %mul3A_9 = vector.broadcast %slice3A_8 : vector<256x1xf32> to vector<256x1024xf32>
    %mul3A_10 = arith.mulf %slice3A_7, %mul3A_9 : vector<256x1024xf32>
    %add3A = arith.addf %mul3A_6, %mul3A_10 : vector<256x1024xf32>
    %swap3A = arith.constant 0 : index
    %swap3A_11 = arith.constant 0 : index
    %swap3A_12 = vector.load %arg3[%swap3A, %swap3A_11] : memref<256x1024xf32, #tpu.memory_space<vmem>>, vector<256x1024xf32>
    tpu.vector_store %arg3[%swap3A, %swap3A_11], %add3A {strides = array<i32>} : memref<256x1024xf32, #tpu.memory_space<vmem>>, vector<256x1024xf32>,
    return
  }
  func.func @transform_0(%arg0: i32) -> (i32, i32) {
    %c0_i32 = arith.constant 0 : i32
    %c0_i32_0 = arith.constant 0 : i32
    return %arg0, %c0_i32 : i32, i32
  }
  func.func @transform_1(%arg0: i32) -> (i32, i32) {
    %c0_i32 = arith.constant 0 : i32
    %c0_i32_0 = arith.constant 0 : i32
    return %arg0, %c0_i32 : i32, i32
  }
  func.func @transform_2(%arg0: i32) -> (i32, i32) {
    %c0_i32 = arith.constant 0 : i32
    %c0_i32_0 = arith.constant 0 : i32
    return %arg0, %c0_i32 : i32, i32
  }
}

</mosaic_0001>

<sc_bundles>
// kernel: gather_offload_async_start.1
scs
__scs_entry_jumppad:
0x0: {  	(pc) =	sbr.rel $0x88, $3  }
0x1: {  	(tag) =	ssettag $0x0;
	lr =	simm.s32 $0x1  }
0x2: {  	[smem:$0x3F9C] =	sst lr;
	_ =	strace $0xD0000000  }
0x3: {  	_ = 	snop  }
0x4: {  	_ = 	snop  }
0x5: {  	_ = 	snop  }
0x6: {  	_ = 	snop  }
0x7: {  	_ = 	snop  }
__scs_overlays_trampoline_lowered:
0x8: {  	[smem:$0x3FAB] =	sst s0  }
0x9: {  	[smem:$0x3FAC] =	sst s1  }
0xa: {  	[smem:$0x3FAD] =	sst s2  }
0xb: {  	[smem:$0x3FAE] =	sst s3  }
0xc: {  	[smem:$0x3FAF] =	sst s4  }
0xd: {  	[smem:$0x3FB0] =	sst s5  }
0xe: {  	[smem:$0x3FB1] =	sst s6  }
0xf: {  	[smem:$0x3FB2] =	sst s7  }
0x10: {  	[smem:$0x3FB3] =	sst s8  }
0x11: {  	[smem:$0x3FB4] =	sst s9;
	s0 =	simm.s32 @!p0 $0x0  }
0x12: {  	s1 =	sld [smem:$0x3F9A];
	s0 =	simm.s32 @p0 $0x1  }
0x13: {  	[smem:$0x3FB5] =	sst s0;
	s0 =	simm.s32 @!p1 $0x0  }
0x14: {  	s2 =	sld [smem:$0x3F99];
	s0 =	simm.s32 @p1 $0x1  }
0x15: {  	[smem:$0x3FB6] =	sst s0;
	s0 =	simm.s32 @!p2 $0x0  }
0x16: {  	s3 =	sld [smem:$0x3FDB];
	s0 =	simm.s32 @p2 $0x1  }
0x17: {  	s4 =	simm.s32 $0x1BF5;
	[smem:$0x3FB8] =	sst s0  }
0x18: {  	s0 =	sld [smem:$0x3F9B];
	_ =	swait.ge [sflag:s4], $0x0  }
0x19: {  	s7 =	sld [smem:$0x3F9C]  }
0x1a: {  	s8 =	sadd.s32 $0xFFFFE003, lr  }
0x1b: {  	s9 =	sadd.s32 $0xFFFFFEF7, lr;
	s5 =	simm.s32 $0xFFFFFFFF;
	p2 =	slt.u32 s8, $0xFFFFF086  }
0x1c: {  	p1 =	slt.u32 s9, $0xF7A;
	s5 =	simm.s32 @!p2 $0x0  }
0x1d: {  	s5 =	simm.s32 @p1 $0x1;
	p0 =	seq.s32 s7, s2  }
0x1e: {  	s7 =	smul.u32 @!p0 $0xF7A, s2;
	p2 =	seq.s32 @!p0 s5, $0x0  }
0x1f: {  	s9 =	smul.u32 $0xF7A, s1;
	s8 =	simm.s32 @!p0 $0x1BF5;
	p2 =	por !p2, p0  }
0x20: {  	[sflag:s8] =	ssyncset.s32 @!p0 $0xFFFFF086;
	s6 =	sadd.s32 @!p0 s3, s7;
	s7 =	simm.s32 @!p0 $0x108  }
0x21: {  	s3 =	sadd.s32 s3, s9;
	s6 =	sadd.s32 @!p0 $0x88, s6;
	s7 =	simm.s32 @p2 $0x1082  }
0x22: {  	[simem:s7], [sflag:s8] =	dma.local @!p0 [hbm:s6], $0xF7A  }
0x23: {  	s9 =	sor.u32 $0xD0000000, s2;
	s6 =	simm.s32 $0x108;
	_ =	swait.ge @!p0 [sflag:s8], $0x0  }
0x24: {  	s3 =	sadd.s32 $0x88, s3;
	s6 =	simm.s32 @!p1 $0x1082;
	[sflag:s4] =	ssyncset.s32 $0xFFFFF086  }
0x25: {  	[simem:s6], [sflag:s4] =	dma.local [hbm:s3], $0xF7A  }
0x26: {  	[smem:$0x3F9C] =	sst s1;
	(tag) =	ssettag s2;
	_ =	strace s9  }
0x27: {  	s1 =	sld [smem:$0x3FAC]  }
0x28: {  	s2 =	sld [smem:$0x3FAD]  }
0x29: {  	s4 =	sld [smem:$0x3FAF]  }
0x2a: {  	p0 =	seq.s32 s5, $0x0;
	s5 =	sld [smem:$0x3FB0]  }
0x2b: {  	s6 =	sld [smem:$0x3FB1]  }
0x2c: {  	s7 =	sld [smem:$0x3FB2]  }
0x2d: {  	s3 =	simm.s32 $0x108;
	s8 =	sld [smem:$0x3FB3]  }
0x2e: {  	s3 =	simm.s32 @!p0 $0x1082;
	s9 =	sld [smem:$0x3FB4]  }
0x2f: {  	lr =	sadd.s32 s0, s3;
	s0 =	sld [smem:$0x3FAB]  }
0x30: {  	s3 =	sld [smem:$0x3FAE]  }
0x31: {  	[smem:$0x3FB7] =	sst s10  }
0x32: {  	s10 =	sld [smem:$0x3FB5];
	_ =	sdelay $0x3  }
0x33: {  	p0 =	seq.s32 s10, $0x1;
	s10 =	sld [smem:$0x3FB7];
	_ =	sdelay $0x3  }
0x34: {  	[smem:$0x3FB7] =	sst s10  }
0x35: {  	s10 =	sld [smem:$0x3FB6];
	_ =	sdelay $0x3  }
0x36: {  	p1 =	seq.s32 s10, $0x1;
	s10 =	sld [smem:$0x3FB7];
	_ =	sdelay $0x3  }
0x37: {  	[smem:$0x3FB7] =	sst s10  }
0x38: {  	s10 =	sld [smem:$0x3FB8]  }
0x39: {  	_ = 	snop;
	(pc) =	sbr.ind lr, $3  }
0x3a: {  	_ = 	snop  }
0x3b: {  	_ = 	snop  }
0x3c: {  	p2 =	seq.s32 s10, $0x1;
	s10 =	sld [smem:$0x3FB7]  }
0x3d: {  	_ =	shalt  }
0x3e: {  	_ =	shalt  }
0x3f: {  	_ =	shalt  }
0x40: {  	_ =	shalt  }
0x41: {  	_ =	shalt  }
0x42: {  	_ =	shalt  }
0x43: {  	_ =	shalt  }
0x44: {  	_ =	shalt  }
0x45: {  	_ =	shalt  }
0x46: {  	_ =	shalt  }
0x47: {  	_ =	shalt  }
0x48: {  	_ =	shalt  }
0x49: {  	_ =	shalt  }
0x4a: {  	_ =	shalt  }
0x4b: {  	_ =	shalt  }
0x4c: {  	_ =	shalt  }
0x4d: {  	_ =	shalt  }
0x4e: {  	_ =	shalt  }
0x4f: {  	_ =	shalt  }
0x50: {  	_ =	shalt  }
0x51: {  	_ =	shalt  }
0x52: {  	_ =	shalt  }
0x53: {  	_ =	shalt  }
0x54: {  	_ =	shalt  }
0x55: {  	_ =	shalt  }
0x56: {  	_ =	shalt  }
0x57: {  	_ =	shalt  }
0x58: {  	_ =	shalt  }
0x59: {  	_ =	shalt  }
0x5a: {  	_ =	shalt  }
0x5b: {  	_ =	shalt  }
0x5c: {  	_ =	shalt  }
0x5d: {  	_ =	shalt  }
0x5e: {  	_ =	shalt  }
0x5f: {  	_ =	shalt  }
0x60: {  	_ =	shalt  }
0x61: {  	_ =	shalt  }
0x62: {  	_ =	shalt  }
0x63: {  	_ =	shalt  }
0x64: {  	_ =	shalt  }
0x65: {  	_ =	shalt  }
0x66: {  	_ =	shalt  }
0x67: {  	_ =	shalt  }
0x68: {  	_ =	shalt  }
0x69: {  	_ =	shalt  }
0x6a: {  	_ =	shalt  }
0x6b: {  	_ =	shalt  }
0x6c: {  	_ =	shalt  }
0x6d: {  	_ =	shalt  }
0x6e: {  	_ =	shalt  }
0x6f: {  	_ =	shalt  }
0x70: {  	_ =	shalt  }
0x71: {  	_ =	shalt  }
0x72: {  	_ =	shalt  }
0x73: {  	_ =	shalt  }
0x74: {  	_ =	shalt  }
0x75: {  	_ =	shalt  }
0x76: {  	_ =	shalt  }
0x77: {  	_ =	shalt  }
0x78: {  	_ =	shalt  }
0x79: {  	_ =	shalt  }
0x7a: {  	_ =	shalt  }
0x7b: {  	_ =	shalt  }
0x7c: {  	_ =	shalt  }
0x7d: {  	_ =	shalt  }
0x7e: {  	_ =	shalt  }
0x7f: {  	_ =	shalt  }
0x80: {  	_ =	shalt  }
0x81: {  	_ =	shalt  }
0x82: {  	_ =	shalt  }
0x83: {  	_ =	shalt  }
0x84: {  	_ =	shalt  }
0x85: {  	_ =	shalt  }
0x86: {  	_ =	shalt  }
0x87: {  	_ =	shalt  }
.Lfunc_end0:
.L_simem_size_0:
called_computation.2_lowered:
.L_overlay_start_0:
0x88: {  	s2 =	sld [smem:$0x3FD9]  }
0x89: {  	s3 =	sld [smem:$0x3FFE];
	_ =	sdelay $0x1  }
0x8a: {  	s1 =	srdreg.scid  }
0x8b: {  	s0 =	sand.u32 $0x1, s1  }
0x8c: {  	s16 =	sshll.u32 s0, $0xA;
	s2 =	sadd.s32 s3, s2  }
0x8d: {  	s2 =	sadd.s32 s2, s16  }
0x8e: {  	[smem:$0x3FC3] =	sst s2  }
0x8f: {  	_ = 	snop  }
0x90: {  	(tm) =	ssettm $0x1  }
0x91: {  	s17 =	sld [smem:$0x3FFB];
	_ =	sdelay $0x3  }
0x92: {  	_ =	strace s17  }
0x93: {  	s2 =	sld [smem:$0x3FFC];
	_ =	sdelay $0x3  }
0x94: {  	_ =	strace s2  }
0x95: {  	s2 =	sld [smem:$0x3FFD];
	_ =	sdelay $0x3  }
0x96: {  	_ =	strace s2  }
0x97: {  	_ =	strace $0x8FFFFFFF  }
0x98: {  	s18 =	sld [smem:$0x3FDB];
	_ =	sdelay $0x1  }
0x99: {  	s19 =	simm.s32 $_scs_section_size  }
0x9a: {  	s4 =	simm.s32 $_size__tile_overlayer_lowered;
	s5 =	simm.s32 $_tile_overlayer_lowered  }
0x9b: {  	s22 =	simm.s32 $0x1BFF;
	s21 =	sshll.u32 s5, $0x1;
	s2 =	sadd.s32 s19, s18  }
0x9c: {  	s6 =	simm.s32 $0x0;
	s20 =	sshll.u32 s4, $0x1;
	s4 =	sadd.s32 s21, s2  }
0x9d: {  	[timem:s6], [sflag:s22] =	dma.local [hbm:s4], s20  }
0x9e: {  	_ =	swait.ge [sflag:s22], s20  }
0x9f: {  	s3 =	ssub.s32 $0x0, s20;
	[sflag:s22] =	ssyncset.done $0x0  }
0xa0: {  	[sflag:s22] =	ssyncadd.s32 s3;
	_ =	sdelay $0x1  }
0xa1: {  	s23 =	simm.s32 $0x1B8B  }
0xa2: {  	_ =	swait.ge [sflag:s23], $0x1  }
0xa3: {  	[sflag:s23] =	ssyncset.done $0x0  }
0xa4: {  	s25 =	simm.s32 $0x1B8E;
	s24 =	sld [smem:$0x3FFE];
	[sflag:s23] =	ssyncadd.s32 $0xFFFFFFFF  }
0xa5: {  	s26 =	simm.s32 $execute0_lowered;
	[smem:$0x3FD2] =	sst s25  }
0xa6: {  	s4 =	sshll.u32 s26, $0x1;
	_ =	strace $0x8000004C;
	[dreg:$0x1] =	wrdreg $0xFFFFFFFF  }
0xa7: {  	s28 =	simm.s32 $_size_execute0_lowered;
	s2 =	sadd.s32 s2, s4;
	[dreg:$0x0] =	wrdreg $0x0  }
0xa8: {  	s4 =	sshll.u32 s28, $0x1;
	[dreg:$0x2] =	wrdreg s2  }
0xa9: {  	[dreg:$0x3] =	wrdreg s4  }
0xaa: {  	[dreg:$0x4] =	wrdreg $0xC0  }
0xab: {  	_ =	task [dreg:s6], $0x5FFFF  }
0xac: {  	[dreg:$0x1] =	wrdreg $0xFFFFFFFF  }
0xad: {  	[dreg:$0x0] =	wrdreg $0x60  }
0xae: {  	[dreg:$0x2] =	wrdreg s24  }
0xaf: {  	[dreg:$0x3] =	wrdreg $0x9  }
0xb0: {  	_ =	task.clear_ibuf [dreg:s6], $0x4FFFF;
	_ =	strace $0x9000004C  }
0xb1: {  	s29 =	simm.s32 $0x9;
	_ =	strace $0x8000004E  }
0xb2: {  	_ =	swait.ge [sflag:s29], $0x1  }
0xb3: {  	[sflag:s29] =	ssyncadd.s32 $0xFFFFFFFF  }
0xb4: {  	_ =	strace $0x9000004E  }
0xb5: {  	_ =	sfence  }
0xb6: {  	s30 =	sld [smem:$0x0];
	_ =	sdelay $0x2  }
0xb7: {  	s31 =	sshll.u32 s1, $0xD;
	s1 =	sshrl.u32 s1, $0x2  }
0xb8: {  	s3 =	sand.u32 $0x4000, s31;
	s1 =	sadd.s32 s1, s30  }
0xb9: {  	s0 =	sor.u32 s3, s0;
	s1 =	sshll.u32 s1, $0x11  }
0xba: {  	s0 =	sor.u32 s1, s0  }
0xbb: {  	s0 =	sadd.s32 $0x8F2B, s0  }
0xbc: {  	[sflag:s0] =	ssyncadd.remote.s32 $0x1  }
0xbd: {  	_ =	sfence.sel $0xFFFF  }
0xbe: {  	[dreg:$0x0] =	wrdreg $0xFFFFFFFF;
	(pc) =	sbr.abs _section_cstart, $3  }
0xbf: {  	[dreg:$0x1] =	wrdreg $0xFFFFFFFF  }
0xc0: {  	_ =	task.clear_ibuf [dreg:s6], $0x2FFFF;
	_ =	strace $0x9FFFFFFF  }
0xc1: {  	(tm) =	ssettm $0x7FFFFFFF  }
tec
execute0_lowered:
.L_overlay_start_1:
0x0: {  	(tag) =	ssettag $0x1  }
0x1: {  	s1 =	srdreg.scid  }
0x2: {  	s0 =	stileid.u32;
	s2 =	rddreg [dreg:$0x0];
	s6 =	simm.s32 $0x1  }
0x3: {  	s9 =	simm.s32 $0x1;
	s10 =	simm.s32 $0x3;
	s1 =	sshll.u32 s1, $0x8  }
0x4: {  	s13 =	simm.s32 $0x0;
	s3 =	sshll.u32 s0, $0x9;
	s4 =	sand.u32 $0x100, s1  }
0x5: {  	s12 =	simm.s32 $0x0;
	s5 =	sadd.s32 $0xA00, s2;
	s3 =	sor.u32 s3, s4  }
0x6: {  	s1 =	rddreg [dreg:$0x1];
	_ =	strace $0x8000004D;
	s8 =	ssub.s32 $0x3000, s3  }
.Ltmp0:
0x7: {  	s4 =	sadd.s32 $0x1400, s2;
	s7 =	sand.u32 $0x1F00, s8;
	(pc) =	sbr.rel .LBB2_1-.Ltmp0, $4  }
0x8: {  	[sflag:s6] =	ssyncpa.u1 $0x0;
	s11 =	smov.u32 s3;
	p0 =	sne.s32 s7, $0x0  }
0x9: {  	s8 =	sshrl.u32 s8, $0xD;
	s7 =	simm.s32 $0x2;
	s9 =	simm.s32 @!p0 $0x0  }
0xa: {  	[sflag:s7] =	ssyncpa.u1 $0x0;
	p0 =	por $0x0, $0x0;
	s8 =	sadd.s32 s9, s8  }
0xb: {  	vm0 =	vmmov $0xffff;
	[sflag:s10] =	ssyncpa.u1 $0x0;
	s10 =	simm.s32 $0x0;
	s9 =	sadd.s32 $0x1, s8  }
.LBB2_4:
0xc: {  	v2 =	vnsel vm1, $0x0, v2  }
0xd: {  	vm1 =	vgt.s32 v0, $0x0;
	v2 =	vmin.u32 v2, $0x1FFF  }
0xe: {  	v0 =	vnsel vm1, $0x0, v0  }
0xf: {  	v0 =	vmin.u32 v0, $0x1FFF  }
0x10: {  	[tilespmem:s15], [sflag:$0x1] =	stream.indirect_vreg.gather [hbm4b:s4+s10], $0x1, v1, vm0, $0x4038;
	[tilespmem:$0x400] =	vst v63  }
0x11: {  	(ifvalue) =	ssetifvalue $0x7FFFFFFF  }
0x12: {  	[tilespmem:s16], [sflag:$0x1] =	stream.indirect_vreg.gather [hbm4b:s4+s10], $0x1, v2, vm0, $0x4038;
	[tilespmem:$0x400] =	vst v63  }
0x13: {  	s29 =	sadd.s32 $0x10, s16;
	(ifvalue) =	ssetifvalue $0x7FFFFFFF  }
0x14: {  	[tilespmem:s29], [sflag:$0x1] =	stream.indirect_vreg.gather [hbm4b:s4+s10], $0x1, v0, vm0, $0x4038;
	[tilespmem:$0x400] =	vst v63  }
0x15: {  	_ =	swait.ge [sflag:s6], $0x100  }
0x16: {  	s30 =	sshrl.u32 s13, $0x3;
	[sflag:s6] =	ssyncset.done $0x0  }
0x17: {  	s31 =	sand.u32 $0x7, s13;
	s15 =	sadd.s32 s5, s30;
	[sflag:s6] =	ssyncadd.s32 $0xFFFFFF00  }
0x18: {  	[hbm4b:s15+s31] =	stream.linear.scatter [tilespmem:s14], [sflag:$0x3], $0x100, $0x38;
	[tilespmem:$0x400] =	vst v63  }
.LBB2_5:
0x19: {  	s15 =	sadd.s32 $0x2000, s11  }
0x1a: {  	p2 =	sgt.s32 s15, $0x2FFF  }
0x1b: {  	s15 =	smov.u32 @p2 s3;
	p2 =	sne.s32 s12, s9  }
.Ltmp1:
0x1c: {  	p1 =	slt.u32 s12, $0x2;
	(pc) =	sbr.rel @!p2 .LBB2_6-.Ltmp1, $4  }
0x1d: {  	s14 =	simm.s32 @!p1 $0x3  }
0x1e: {  	s16 =	sadd.s32 $0x1, s12;
	_ =	swait.ge @!p1 [sflag:s14], $0x100  }
0x1f: {  	s13 =	smov.u32 s11;
	p0 =	por !p0, !p0;
	[sflag:s14] =	ssyncset.done @!p1 $0x0  }
0x20: {  	s12 =	smov.u32 s16;
	s11 =	smov.u32 s15;
	[sflag:s14] =	ssyncadd.s32 @!p1 $0xFFFFFF00  }
.LBB2_1:
0x21: {  	p1 =	sge.u32 s12, s8  }
0x22: {  	s14 =	sxor.u32 @!p1 $0xFFFFFFFF, s12  }
0x23: {  	s31 =	sadd.s32 $0xFFFFFFFF, s12;
	s15 =	sshrl.u32 @!p1 s11, $0x3;
	s14 =	sshll.u32 @!p1 s14, $0x8  }
0x24: {  	s16 =	sand.u32 @!p1 $0x7, s11;
	s15 =	sadd.s32 @!p1 s2, s15;
	s14 =	sand.u32 @!p1 $0x100, s14  }
0x25: {  	[tilespmem:s14], [sflag:$0x2] =	stream.linear.gather @!p1 [hbm4b:s15+s16], $0x100, $0x38;
	[tilespmem:$0x400] =	vst v63  }
0x26: {  	p1 =	sge.u32 s31, s8  }
.Ltmp2:
0x27: {  	_ = 	snop;
	(pc) =	sbr.rel @p1 .LBB2_5-.Ltmp2, $1  }
0x28: {  	_ =	sdelay $0x3  }
0x29: {  	s14 =	simm.s32 $0x1  }
0x2a: {  	_ =	swait.ge [sflag:s7], $0x100;
	s14 =	simm.s32 @!p0 $0x0  }
0x2b: {  	[sflag:s7] =	ssyncset.done $0x0;
	s14 =	sshll.u32 s14, $0x8  }
0x2c: {  	[sflag:s7] =	ssyncadd.s32 $0xFFFFFF00;
	(ifvalue) =	ssetifvalue $0x7FFFFFFF;
	v0 =	vld.msk [tilespmem:s14+$0x0 ss:$0x1], $0xffff;
	_ =	sdelay $0x4  }
0x2d: {  	s15 =	sadd.s32 $0x10, s14;
	vm1 =	vgt.s32 v0, $0x0  }
0x2e: {  	v2 =	vld.msk [tilespmem:s15+$0x0 ss:$0x1], $0xffff;
	v1 =	vnsel vm1, $0x0, v0  }
0x2f: {  	v1 =	vmin.u32 v1, $0x1FFF;
	_ =	sdelay $0x1  }
0x30: {  	s16 =	sshll.u32 s12, $0x8;
	s18 =	simm.s32 $0x20  }
0x31: {  	s16 =	sand.u32 $0x100, s16;
	s17 =	sadd.s32 $0x10, s15;
	s15 =	sor.u32 $0x200, s14  }
0x32: {  	s14 =	sor.u32 $0x200, s16;
	s16 =	sadd.s32 $0x10, s15;
	v0 =	vld.msk [tilespmem:s17+$0x0 ss:$0x1], $0xffff;
	vm1 =	vgt.s32 v2, $0x0;
	(ifvalue) =	ssetifvalue $0x7FFFFFFF  }
.LBB2_3:
0x33: {  	[tilespmem:s15], [sflag:$0x1] =	stream.indirect_vreg.gather [hbm4b:s4+s10], $0x1, v1, vm0, $0x4038;
	[tilespmem:$0x400] =	vst v63  }
0x34: {  	s18 =	sadd.s32 $0x10, s18  }
0x35: {  	v2 =	vnsel vm1, $0x0, v2;
	p1 =	slt.u32 s18, $0xF0  }
.Ltmp3:
0x36: {  	s15 =	smov.u32 s16;
	v1 =	vmin.u32 v2, $0x1FFF;
	(pc) =	sbr.rel @p1 .LBB2_3-.Ltmp3, $3  }
0x37: {  	_ =	sdelay $0x1  }
0x38: {  	s17 =	sadd.s32 $0x10, s17  }
0x39: {  	vm1 =	vgt.s32 v0, $0x0;
	s16 =	sadd.s32 $0x10, s16;
	v2 =	vmov v0;
	(ifvalue) =	ssetifvalue $0x7FFFFFFF;
	v0 =	vld.msk [tilespmem:s17+$0x0 ss:$0x1], $0xffff  }
.Ltmp4:
0x3a: {  	_ = 	snop;
	(pc) =	sbr.rel .LBB2_4-.Ltmp4, $1  }
0x3b: {  	_ =	sdelay $0x3  }
.LBB2_6:
0x3c: {  	_ =	sfence.sel $0x180000  }
0x3d: {  	s2 =	simm.s32 $0x2;
	[bflag:$0x0] =	sbarrier.arrive $0xFFFF  }
0x3e: {  	s30 =	simm.s32 $0x3;
	[sflag:s2] =	ssyncpa.u1 $0x1  }
0x3f: {  	s31 =	simm.s32 $0x1;
	[sflag:s30] =	ssyncpa.u1 $0x1  }
0x40: {  	[sflag:s31] =	ssyncpa.u1 $0x1  }
0x41: {  	p0 =	sne.s32 s0, $0x0;
	_ =	strace $0x9000004D  }
0x42: {  	s0 =	sadd.s32 @!p0 $0x100000, s1;
	[bflag:$0x2] =	sbarrier.arrive $0xFFFF  }
0x43: {  	[sflag:s0] =	ssyncadd.tile.s32 @!p0 $0x1;
	_ =	shalt  }
.Lfunc_end2:
_tile_overlayer_lowered:
.L_overlay_start_2:
0x44: {  	(tag) =	ssettag $0x2  }
0x45: {  	s0 =	rddreg [dreg:$0x0];
	s2 =	stileid.u32  }
0x46: {  	s1 =	rddreg [dreg:$0x1];
	p0 =	sne.s32 s2, $0x0  }
0x47: {  	s3 =	rddreg [dreg:$0x2];
	[bflag:$0x3] =	sbarrier.arrive $0xFFFF;
	s2 =	simm.s32 @!p0 $0x1C01  }
0x48: {  	[timem:s3], [sflag:s2] =	dma.local @!p0 [hbm:s0], s1  }
0x49: {  	s0 =	simm.s32 @!p0 $0x1  }
0x4a: {  	_ =	swait.ge @!p0 [sflag:s0], s1  }
0x4b: {  	s1 =	ssub.s32 @!p0 $0x0, s1;
	[sflag:s0] =	ssyncset.done @!p0 $0x0  }
0x4c: {  	[sflag:s0] =	ssyncadd.s32 @!p0 s1  }
0x4d: {  	[bflag:$0x3] =	sbarrier.arrive $0xFFFF  }
0x4e: {  	_ =	shalt  }

// kernel: gather_offload_async_start
scs
__scs_entry_jumppad:
0x0: {  	(pc) =	sbr.rel $0x88, $3  }
0x1: {  	(tag) =	ssettag $0x0;
	lr =	simm.s32 $0x1  }
0x2: {  	[smem:$0x3F9C] =	sst lr;
	_ =	strace $0xD0000000  }
0x3: {  	_ = 	snop  }
0x4: {  	_ = 	snop  }
0x5: {  	_ = 	snop  }
0x6: {  	_ = 	snop  }
0x7: {  	_ = 	snop  }
__scs_overlays_trampoline_lowered:
0x8: {  	[smem:$0x3FAB] =	sst s0  }
0x9: {  	[smem:$0x3FAC] =	sst s1  }
0xa: {  	[smem:$0x3FAD] =	sst s2  }
0xb: {  	[smem:$0x3FAE] =	sst s3  }
0xc: {  	[smem:$0x3FAF] =	sst s4  }
0xd: {  	[smem:$0x3FB0] =	sst s5  }
0xe: {  	[smem:$0x3FB1] =	sst s6  }
0xf: {  	[smem:$0x3FB2] =	sst s7  }
0x10: {  	[smem:$0x3FB3] =	sst s8  }
0x11: {  	[smem:$0x3FB4] =	sst s9;
	s0 =	simm.s32 @!p0 $0x0  }
0x12: {  	s1 =	sld [smem:$0x3F9A];
	s0 =	simm.s32 @p0 $0x1  }
0x13: {  	[smem:$0x3FB5] =	sst s0;
	s0 =	simm.s32 @!p1 $0x0  }
0x14: {  	s2 =	sld [smem:$0x3F99];
	s0 =	simm.s32 @p1 $0x1  }
0x15: {  	[smem:$0x3FB6] =	sst s0;
	s0 =	simm.s32 @!p2 $0x0  }
0x16: {  	s3 =	sld [smem:$0x3FDB];
	s0 =	simm.s32 @p2 $0x1  }
0x17: {  	s4 =	simm.s32 $0x1BF5;
	[smem:$0x3FB8] =	sst s0  }
0x18: {  	s0 =	sld [smem:$0x3F9B];
	_ =	swait.ge [sflag:s4], $0x0  }
0x19: {  	s7 =	sld [smem:$0x3F9C]  }
0x1a: {  	s8 =	sadd.s32 $0xFFFFE003, lr  }
0x1b: {  	s9 =	sadd.s32 $0xFFFFFEF7, lr;
	s5 =	simm.s32 $0xFFFFFFFF;
	p2 =	slt.u32 s8, $0xFFFFF086  }
0x1c: {  	p1 =	slt.u32 s9, $0xF7A;
	s5 =	simm.s32 @!p2 $0x0  }
0x1d: {  	s5 =	simm.s32 @p1 $0x1;
	p0 =	seq.s32 s7, s2  }
0x1e: {  	s7 =	smul.u32 @!p0 $0xF7A, s2;
	p2 =	seq.s32 @!p0 s5, $0x0  }
0x1f: {  	s9 =	smul.u32 $0xF7A, s1;
	s8 =	simm.s32 @!p0 $0x1BF5;
	p2 =	por !p2, p0  }
0x20: {  	[sflag:s8] =	ssyncset.s32 @!p0 $0xFFFFF086;
	s6 =	sadd.s32 @!p0 s3, s7;
	s7 =	simm.s32 @!p0 $0x108  }
0x21: {  	s3 =	sadd.s32 s3, s9;
	s6 =	sadd.s32 @!p0 $0x88, s6;
	s7 =	simm.s32 @p2 $0x1082  }
0x22: {  	[simem:s7], [sflag:s8] =	dma.local @!p0 [hbm:s6], $0xF7A  }
0x23: {  	s9 =	sor.u32 $0xD0000000, s2;
	s6 =	simm.s32 $0x108;
	_ =	swait.ge @!p0 [sflag:s8], $0x0  }
0x24: {  	s3 =	sadd.s32 $0x88, s3;
	s6 =	simm.s32 @!p1 $0x1082;
	[sflag:s4] =	ssyncset.s32 $0xFFFFF086  }
0x25: {  	[simem:s6], [sflag:s4] =	dma.local [hbm:s3], $0xF7A  }
0x26: {  	[smem:$0x3F9C] =	sst s1;
	(tag) =	ssettag s2;
	_ =	strace s9  }
0x27: {  	s1 =	sld [smem:$0x3FAC]  }
0x28: {  	s2 =	sld [smem:$0x3FAD]  }
0x29: {  	s4 =	sld [smem:$0x3FAF]  }
0x2a: {  	p0 =	seq.s32 s5, $0x0;
	s5 =	sld [smem:$0x3FB0]  }
0x2b: {  	s6 =	sld [smem:$0x3FB1]  }
0x2c: {  	s7 =	sld [smem:$0x3FB2]  }
0x2d: {  	s3 =	simm.s32 $0x108;
	s8 =	sld [smem:$0x3FB3]  }
0x2e: {  	s3 =	simm.s32 @!p0 $0x1082;
	s9 =	sld [smem:$0x3FB4]  }
0x2f: {  	lr =	sadd.s32 s0, s3;
	s0 =	sld [smem:$0x3FAB]  }
0x30: {  	s3 =	sld [smem:$0x3FAE]  }
0x31: {  	[smem:$0x3FB7] =	sst s10  }
0x32: {  	s10 =	sld [smem:$0x3FB5];
	_ =	sdelay $0x3  }
0x33: {  	p0 =	seq.s32 s10, $0x1;
	s10 =	sld [smem:$0x3FB7];
	_ =	sdelay $0x3  }
0x34: {  	[smem:$0x3FB7] =	sst s10  }
0x35: {  	s10 =	sld [smem:$0x3FB6];
	_ =	sdelay $0x3  }
0x36: {  	p1 =	seq.s32 s10, $0x1;
	s10 =	sld [smem:$0x3FB7];
	_ =	sdelay $0x3  }
0x37: {  	[smem:$0x3FB7] =	sst s10  }
0x38: {  	s10 =	sld [smem:$0x3FB8]  }
0x39: {  	_ = 	snop;
	(pc) =	sbr.ind lr, $3  }
0x3a: {  	_ = 	snop  }
0x3b: {  	_ = 	snop  }
0x3c: {  	p2 =	seq.s32 s10, $0x1;
	s10 =	sld [smem:$0x3FB7]  }
0x3d: {  	_ =	shalt  }
0x3e: {  	_ =	shalt  }
0x3f: {  	_ =	shalt  }
0x40: {  	_ =	shalt  }
0x41: {  	_ =	shalt  }
0x42: {  	_ =	shalt  }
0x43: {  	_ =	shalt  }
0x44: {  	_ =	shalt  }
0x45: {  	_ =	shalt  }
0x46: {  	_ =	shalt  }
0x47: {  	_ =	shalt  }
0x48: {  	_ =	shalt  }
0x49: {  	_ =	shalt  }
0x4a: {  	_ =	shalt  }
0x4b: {  	_ =	shalt  }
0x4c: {  	_ =	shalt  }
0x4d: {  	_ =	shalt  }
0x4e: {  	_ =	shalt  }
0x4f: {  	_ =	shalt  }
0x50: {  	_ =	shalt  }
0x51: {  	_ =	shalt  }
0x52: {  	_ =	shalt  }
0x53: {  	_ =	shalt  }
0x54: {  	_ =	shalt  }
0x55: {  	_ =	shalt  }
0x56: {  	_ =	shalt  }
0x57: {  	_ =	shalt  }
0x58: {  	_ =	shalt  }
0x59: {  	_ =	shalt  }
0x5a: {  	_ =	shalt  }
0x5b: {  	_ =	shalt  }
0x5c: {  	_ =	shalt  }
0x5d: {  	_ =	shalt  }
0x5e: {  	_ =	shalt  }
0x5f: {  	_ =	shalt  }
0x60: {  	_ =	shalt  }
0x61: {  	_ =	shalt  }
0x62: {  	_ =	shalt  }
0x63: {  	_ =	shalt  }
0x64: {  	_ =	shalt  }
0x65: {  	_ =	shalt  }
0x66: {  	_ =	shalt  }
0x67: {  	_ =	shalt  }
0x68: {  	_ =	shalt  }
0x69: {  	_ =	shalt  }
0x6a: {  	_ =	shalt  }
0x6b: {  	_ =	shalt  }
0x6c: {  	_ =	shalt  }
0x6d: {  	_ =	shalt  }
0x6e: {  	_ =	shalt  }
0x6f: {  	_ =	shalt  }
0x70: {  	_ =	shalt  }
0x71: {  	_ =	shalt  }
0x72: {  	_ =	shalt  }
0x73: {  	_ =	shalt  }
0x74: {  	_ =	shalt  }
0x75: {  	_ =	shalt  }
0x76: {  	_ =	shalt  }
0x77: {  	_ =	shalt  }
0x78: {  	_ =	shalt  }
0x79: {  	_ =	shalt  }
0x7a: {  	_ =	shalt  }
0x7b: {  	_ =	shalt  }
0x7c: {  	_ =	shalt  }
0x7d: {  	_ =	shalt  }
0x7e: {  	_ =	shalt  }
0x7f: {  	_ =	shalt  }
0x80: {  	_ =	shalt  }
0x81: {  	_ =	shalt  }
0x82: {  	_ =	shalt  }
0x83: {  	_ =	shalt  }
0x84: {  	_ =	shalt  }
0x85: {  	_ =	shalt  }
0x86: {  	_ =	shalt  }
0x87: {  	_ =	shalt  }
.Lfunc_end0:
.L_simem_size_0:
called_computation.1_lowered:
.L_overlay_start_0:
0x88: {  	s2 =	sld [smem:$0x3FD9]  }
0x89: {  	s3 =	sld [smem:$0x3FFE];
	_ =	sdelay $0x1  }
0x8a: {  	s1 =	srdreg.scid  }
0x8b: {  	s0 =	sand.u32 $0x1, s1  }
0x8c: {  	s16 =	sshll.u32 s0, $0xA;
	s2 =	sadd.s32 s3, s2  }
0x8d: {  	s2 =	sadd.s32 s2, s16  }
0x8e: {  	[smem:$0x3FC3] =	sst s2  }
0x8f: {  	_ = 	snop  }
0x90: {  	(tm) =	ssettm $0x1  }
0x91: {  	s17 =	sld [smem:$0x3FFB];
	_ =	sdelay $0x3  }
0x92: {  	_ =	strace s17  }
0x93: {  	s2 =	sld [smem:$0x3FFC];
	_ =	sdelay $0x3  }
0x94: {  	_ =	strace s2  }
0x95: {  	s2 =	sld [smem:$0x3FFD];
	_ =	sdelay $0x3  }
0x96: {  	_ =	strace s2  }
0x97: {  	_ =	strace $0x8FFFFFFF  }
0x98: {  	s18 =	sld [smem:$0x3FDB];
	_ =	sdelay $0x1  }
0x99: {  	s19 =	simm.s32 $_scs_section_size  }
0x9a: {  	s4 =	simm.s32 $_size__tile_overlayer_lowered;
	s5 =	simm.s32 $_tile_overlayer_lowered  }
0x9b: {  	s22 =	simm.s32 $0x1BFF;
	s21 =	sshll.u32 s5, $0x1;
	s2 =	sadd.s32 s19, s18  }
0x9c: {  	s6 =	simm.s32 $0x0;
	s20 =	sshll.u32 s4, $0x1;
	s4 =	sadd.s32 s21, s2  }
0x9d: {  	[timem:s6], [sflag:s22] =	dma.local [hbm:s4], s20  }
0x9e: {  	_ =	swait.ge [sflag:s22], s20  }
0x9f: {  	s3 =	ssub.s32 $0x0, s20;
	[sflag:s22] =	ssyncset.done $0x0  }
0xa0: {  	[sflag:s22] =	ssyncadd.s32 s3;
	_ =	sdelay $0x1  }
0xa1: {  	s23 =	simm.s32 $0x1B8B  }
0xa2: {  	_ =	swait.ge [sflag:s23], $0x1  }
0xa3: {  	[sflag:s23] =	ssyncset.done $0x0  }
0xa4: {  	s25 =	simm.s32 $0x1B8E;
	s24 =	sld [smem:$0x3FFE];
	[sflag:s23] =	ssyncadd.s32 $0xFFFFFFFF  }
0xa5: {  	s26 =	simm.s32 $execute0_lowered;
	[smem:$0x3FD2] =	sst s25  }
0xa6: {  	s4 =	sshll.u32 s26, $0x1;
	_ =	strace $0x80000049;
	[dreg:$0x1] =	wrdreg $0xFFFFFFFF  }
0xa7: {  	s28 =	simm.s32 $_size_execute0_lowered;
	s2 =	sadd.s32 s2, s4;
	[dreg:$0x0] =	wrdreg $0x0  }
0xa8: {  	s4 =	sshll.u32 s28, $0x1;
	[dreg:$0x2] =	wrdreg s2  }
0xa9: {  	[dreg:$0x3] =	wrdreg s4  }
0xaa: {  	[dreg:$0x4] =	wrdreg $0xC0  }
0xab: {  	_ =	task [dreg:s6], $0x5FFFF  }
0xac: {  	[dreg:$0x1] =	wrdreg $0xFFFFFFFF  }
0xad: {  	[dreg:$0x0] =	wrdreg $0x60  }
0xae: {  	[dreg:$0x2] =	wrdreg s24  }
0xaf: {  	[dreg:$0x3] =	wrdreg $0x9  }
0xb0: {  	_ =	task.clear_ibuf [dreg:s6], $0x4FFFF;
	_ =	strace $0x90000049  }
0xb1: {  	s29 =	simm.s32 $0x9;
	_ =	strace $0x8000004B  }
0xb2: {  	_ =	swait.ge [sflag:s29], $0x1  }
0xb3: {  	[sflag:s29] =	ssyncadd.s32 $0xFFFFFFFF  }
0xb4: {  	_ =	strace $0x9000004B  }
0xb5: {  	_ =	sfence  }
0xb6: {  	s30 =	sld [smem:$0x0];
	_ =	sdelay $0x2  }
0xb7: {  	s31 =	sshll.u32 s1, $0xD;
	s1 =	sshrl.u32 s1, $0x2  }
0xb8: {  	s3 =	sand.u32 $0x4000, s31;
	s1 =	sadd.s32 s1, s30  }
0xb9: {  	s0 =	sor.u32 s3, s0;
	s1 =	sshll.u32 s1, $0x11  }
0xba: {  	s0 =	sor.u32 s1, s0  }
0xbb: {  	s0 =	sadd.s32 $0x8F2B, s0  }
0xbc: {  	[sflag:s0] =	ssyncadd.remote.s32 $0x1  }
0xbd: {  	_ =	sfence.sel $0xFFFF  }
0xbe: {  	[dreg:$0x0] =	wrdreg $0xFFFFFFFF;
	(pc) =	sbr.abs _section_cstart, $3  }
0xbf: {  	[dreg:$0x1] =	wrdreg $0xFFFFFFFF  }
0xc0: {  	_ =	task.clear_ibuf [dreg:s6], $0x2FFFF;
	_ =	strace $0x9FFFFFFF  }
0xc1: {  	(tm) =	ssettm $0x7FFFFFFF  }
tec
execute0_lowered:
.L_overlay_start_1:
0x0: {  	(tag) =	ssettag $0x1  }
0x1: {  	s1 =	srdreg.scid  }
0x2: {  	s0 =	stileid.u32;
	s2 =	rddreg [dreg:$0x0];
	s6 =	simm.s32 $0x1  }
0x3: {  	s9 =	simm.s32 $0x1;
	s10 =	simm.s32 $0x3;
	s1 =	sshll.u32 s1, $0x7  }
0x4: {  	s13 =	simm.s32 $0x0;
	s3 =	sshll.u32 s0, $0x8;
	s4 =	sand.u32 $0x80, s1  }
0x5: {  	s12 =	simm.s32 $0x0;
	s5 =	sadd.s32 $0x3200, s2;
	s3 =	sor.u32 s3, s4  }
0x6: {  	s1 =	rddreg [dreg:$0x1];
	_ =	strace $0x8000004A;
	s8 =	ssub.s32 $0x2000, s3  }
.Ltmp0:
0x7: {  	s4 =	sadd.s32 $0x1000, s2;
	s7 =	sand.u32 $0xF80, s8;
	(pc) =	sbr.rel .LBB2_1-.Ltmp0, $4  }
0x8: {  	[sflag:s6] =	ssyncpa.u1 $0x0;
	s11 =	smov.u32 s3;
	p0 =	sne.s32 s7, $0x0  }
0x9: {  	s8 =	sshrl.u32 s8, $0xC;
	s7 =	simm.s32 $0x2;
	s9 =	simm.s32 @!p0 $0x0  }
0xa: {  	[sflag:s7] =	ssyncpa.u1 $0x0;
	p0 =	por $0x0, $0x0;
	s8 =	sadd.s32 s9, s8  }
0xb: {  	vm0 =	vmmov $0xffff;
	[sflag:s10] =	ssyncpa.u1 $0x0;
	s10 =	simm.s32 $0x0;
	s9 =	sadd.s32 $0x1, s8  }
.LBB2_4:
0xc: {  	v2 =	vnsel vm1, $0x0, v2  }
0xd: {  	vm1 =	vgt.s32 v0, $0x0;
	v2 =	vmin.u32 v2, $0x1FFF  }
0xe: {  	v0 =	vnsel vm1, $0x0, v0  }
0xf: {  	v0 =	vmin.u32 v0, $0x1FFF  }
0x10: {  	[tilespmem:s15], [sflag:$0x1] =	stream.indirect_vreg.gather [hbm4b:s2+s10], $0x1, v1, vm0, $0x4038;
	[tilespmem:$0x200] =	vst v63  }
0x11: {  	(ifvalue) =	ssetifvalue $0x7FFFFFFF  }
0x12: {  	[tilespmem:s16], [sflag:$0x1] =	stream.indirect_vreg.gather [hbm4b:s2+s10], $0x1, v2, vm0, $0x4038;
	[tilespmem:$0x200] =	vst v63  }
0x13: {  	s29 =	sadd.s32 $0x10, s16;
	(ifvalue) =	ssetifvalue $0x7FFFFFFF  }
0x14: {  	[tilespmem:s29], [sflag:$0x1] =	stream.indirect_vreg.gather [hbm4b:s2+s10], $0x1, v0, vm0, $0x4038;
	[tilespmem:$0x200] =	vst v63  }
0x15: {  	_ =	swait.ge [sflag:s6], $0x80  }
0x16: {  	s30 =	sshrl.u32 s13, $0x3;
	[sflag:s6] =	ssyncset.done $0x0  }
0x17: {  	s31 =	sand.u32 $0x7, s13;
	s15 =	sadd.s32 s5, s30;
	[sflag:s6] =	ssyncadd.s32 $0xFFFFFF80  }
0x18: {  	[hbm4b:s15+s31] =	stream.linear.scatter [tilespmem:s14], [sflag:$0x3], $0x80, $0x38;
	[tilespmem:$0x200] =	vst v63  }
.LBB2_5:
0x19: {  	s15 =	sadd.s32 $0x1000, s11  }
0x1a: {  	p2 =	sgt.s32 s15, $0x1FFF  }
0x1b: {  	s15 =	smov.u32 @p2 s3;
	p2 =	sne.s32 s12, s9  }
.Ltmp1:
0x1c: {  	p1 =	slt.u32 s12, $0x2;
	(pc) =	sbr.rel @!p2 .LBB2_6-.Ltmp1, $4  }
0x1d: {  	s14 =	simm.s32 @!p1 $0x3  }
0x1e: {  	s16 =	sadd.s32 $0x1, s12;
	_ =	swait.ge @!p1 [sflag:s14], $0x80  }
0x1f: {  	s13 =	smov.u32 s11;
	p0 =	por !p0, !p0;
	[sflag:s14] =	ssyncset.done @!p1 $0x0  }
0x20: {  	s12 =	smov.u32 s16;
	s11 =	smov.u32 s15;
	[sflag:s14] =	ssyncadd.s32 @!p1 $0xFFFFFF80  }
.LBB2_1:
0x21: {  	p1 =	sge.u32 s12, s8  }
0x22: {  	s14 =	sxor.u32 @!p1 $0xFFFFFFFF, s12  }
0x23: {  	s31 =	sadd.s32 $0xFFFFFFFF, s12;
	s15 =	sshrl.u32 @!p1 s11, $0x3;
	s14 =	sshll.u32 @!p1 s14, $0x7  }
0x24: {  	s16 =	sand.u32 @!p1 $0x7, s11;
	s15 =	sadd.s32 @!p1 s4, s15;
	s14 =	sand.u32 @!p1 $0x80, s14  }
0x25: {  	[tilespmem:s14], [sflag:$0x2] =	stream.linear.gather @!p1 [hbm4b:s15+s16], $0x80, $0x38;
	[tilespmem:$0x200] =	vst v63  }
0x26: {  	p1 =	sge.u32 s31, s8  }
.Ltmp2:
0x27: {  	_ = 	snop;
	(pc) =	sbr.rel @p1 .LBB2_5-.Ltmp2, $1  }
0x28: {  	_ =	sdelay $0x3  }
0x29: {  	s14 =	simm.s32 $0x1  }
0x2a: {  	_ =	swait.ge [sflag:s7], $0x80;
	s14 =	simm.s32 @!p0 $0x0  }
0x2b: {  	[sflag:s7] =	ssyncset.done $0x0;
	s14 =	sshll.u32 s14, $0x7  }
0x2c: {  	[sflag:s7] =	ssyncadd.s32 $0xFFFFFF80;
	(ifvalue) =	ssetifvalue $0x7FFFFFFF;
	v0 =	vld.msk [tilespmem:s14+$0x0 ss:$0x1], $0xffff;
	_ =	sdelay $0x4  }
0x2d: {  	s15 =	sadd.s32 $0x10, s14;
	vm1 =	vgt.s32 v0, $0x0  }
0x2e: {  	v2 =	vld.msk [tilespmem:s15+$0x0 ss:$0x1], $0xffff;
	v1 =	vnsel vm1, $0x0, v0  }
0x2f: {  	v1 =	vmin.u32 v1, $0x1FFF;
	_ =	sdelay $0x1  }
0x30: {  	s16 =	sshll.u32 s12, $0x7;
	s18 =	simm.s32 $0x20  }
0x31: {  	s16 =	sand.u32 $0x80, s16;
	s17 =	sadd.s32 $0x10, s15;
	s15 =	sor.u32 $0x100, s14  }
0x32: {  	s14 =	sor.u32 $0x100, s16;
	s16 =	sadd.s32 $0x10, s15;
	v0 =	vld.msk [tilespmem:s17+$0x0 ss:$0x1], $0xffff;
	vm1 =	vgt.s32 v2, $0x0;
	(ifvalue) =	ssetifvalue $0x7FFFFFFF  }
.LBB2_3:
0x33: {  	[tilespmem:s15], [sflag:$0x1] =	stream.indirect_vreg.gather [hbm4b:s2+s10], $0x1, v1, vm0, $0x4038;
	[tilespmem:$0x200] =	vst v63  }
0x34: {  	s18 =	sadd.s32 $0x10, s18  }
0x35: {  	v2 =	vnsel vm1, $0x0, v2;
	p1 =	slt.u32 s18, $0x70  }
.Ltmp3:
0x36: {  	s15 =	smov.u32 s16;
	v1 =	vmin.u32 v2, $0x1FFF;
	(pc) =	sbr.rel @p1 .LBB2_3-.Ltmp3, $3  }
0x37: {  	_ =	sdelay $0x1  }
0x38: {  	s17 =	sadd.s32 $0x10, s17  }
0x39: {  	vm1 =	vgt.s32 v0, $0x0;
	s16 =	sadd.s32 $0x10, s16;
	v2 =	vmov v0;
	(ifvalue) =	ssetifvalue $0x7FFFFFFF;
	v0 =	vld.msk [tilespmem:s17+$0x0 ss:$0x1], $0xffff  }
.Ltmp4:
0x3a: {  	_ = 	snop;
	(pc) =	sbr.rel .LBB2_4-.Ltmp4, $1  }
0x3b: {  	_ =	sdelay $0x3  }
.LBB2_6:
0x3c: {  	_ =	sfence.sel $0x180000  }
0x3d: {  	s2 =	simm.s32 $0x2;
	[bflag:$0x0] =	sbarrier.arrive $0xFFFF  }
0x3e: {  	s30 =	simm.s32 $0x3;
	[sflag:s2] =	ssyncpa.u1 $0x1  }
0x3f: {  	s31 =	simm.s32 $0x1;
	[sflag:s30] =	ssyncpa.u1 $0x1  }
0x40: {  	[sflag:s31] =	ssyncpa.u1 $0x1  }
0x41: {  	p0 =	sne.s32 s0, $0x0;
	_ =	strace $0x9000004A  }
0x42: {  	s0 =	sadd.s32 @!p0 $0x100000, s1;
	[bflag:$0x2] =	sbarrier.arrive $0xFFFF  }
0x43: {  	[sflag:s0] =	ssyncadd.tile.s32 @!p0 $0x1;
	_ =	shalt  }
.Lfunc_end2:
_tile_overlayer_lowered:
.L_overlay_start_2:
0x44: {  	(tag) =	ssettag $0x2  }
0x45: {  	s0 =	rddreg [dreg:$0x0];
	s2 =	stileid.u32  }
0x46: {  	s1 =	rddreg [dreg:$0x1];
	p0 =	sne.s32 s2, $0x0  }
0x47: {  	s3 =	rddreg [dreg:$0x2];
	[bflag:$0x3] =	sbarrier.arrive $0xFFFF;
	s2 =	simm.s32 @!p0 $0x1C01  }
0x48: {  	[timem:s3], [sflag:s2] =	dma.local @!p0 [hbm:s0], s1  }
0x49: {  	s0 =	simm.s32 @!p0 $0x1  }
0x4a: {  	_ =	swait.ge @!p0 [sflag:s0], s1  }
0x4b: {  	s1 =	ssub.s32 @!p0 $0x0, s1;
	[sflag:s0] =	ssyncset.done @!p0 $0x0  }
0x4c: {  	[sflag:s0] =	ssyncadd.s32 @!p0 s1  }
0x4d: {  	[bflag:$0x3] =	sbarrier.arrive $0xFFFF  }
0x4e: {  	_ =	shalt  }

// kernel: kernel.10.cloned.1.call-start
scs
__scs_entry_jumppad:
0x0: {  	(pc) =	sbr.rel $0x88, $3  }
0x1: {  	(tag) =	ssettag $0x0;
	lr =	simm.s32 $0x1  }
0x2: {  	[smem:$0x3F9C] =	sst lr;
	_ =	strace $0xD0000000  }
0x3: {  	_ = 	snop  }
0x4: {  	_ = 	snop  }
0x5: {  	_ = 	snop  }
0x6: {  	_ = 	snop  }
0x7: {  	_ = 	snop  }
__scs_overlays_trampoline_lowered:
0x8: {  	[smem:$0x3FAB] =	sst s0  }
0x9: {  	[smem:$0x3FAC] =	sst s1  }
0xa: {  	[smem:$0x3FAD] =	sst s2  }
0xb: {  	[smem:$0x3FAE] =	sst s3  }
0xc: {  	[smem:$0x3FAF] =	sst s4  }
0xd: {  	[smem:$0x3FB0] =	sst s5  }
0xe: {  	[smem:$0x3FB1] =	sst s6  }
0xf: {  	[smem:$0x3FB2] =	sst s7  }
0x10: {  	[smem:$0x3FB3] =	sst s8  }
0x11: {  	[smem:$0x3FB4] =	sst s9;
	s0 =	simm.s32 @!p0 $0x0  }
0x12: {  	s1 =	sld [smem:$0x3F9A];
	s0 =	simm.s32 @p0 $0x1  }
0x13: {  	[smem:$0x3FB5] =	sst s0;
	s0 =	simm.s32 @!p1 $0x0  }
0x14: {  	s2 =	sld [smem:$0x3F99];
	s0 =	simm.s32 @p1 $0x1  }
0x15: {  	[smem:$0x3FB6] =	sst s0;
	s0 =	simm.s32 @!p2 $0x0  }
0x16: {  	s3 =	sld [smem:$0x3FDB];
	s0 =	simm.s32 @p2 $0x1  }
0x17: {  	s4 =	simm.s32 $0x1BF5;
	[smem:$0x3FB8] =	sst s0  }
0x18: {  	s0 =	sld [smem:$0x3F9B];
	_ =	swait.ge [sflag:s4], $0x0  }
0x19: {  	s7 =	sld [smem:$0x3F9C]  }
0x1a: {  	s8 =	sadd.s32 $0xFFFFE003, lr  }
0x1b: {  	s9 =	sadd.s32 $0xFFFFFEF7, lr;
	s5 =	simm.s32 $0xFFFFFFFF;
	p2 =	slt.u32 s8, $0xFFFFF086  }
0x1c: {  	p1 =	slt.u32 s9, $0xF7A;
	s5 =	simm.s32 @!p2 $0x0  }
0x1d: {  	s5 =	simm.s32 @p1 $0x1;
	p0 =	seq.s32 s7, s2  }
0x1e: {  	s7 =	smul.u32 @!p0 $0xF7A, s2;
	p2 =	seq.s32 @!p0 s5, $0x0  }
0x1f: {  	s9 =	smul.u32 $0xF7A, s1;
	s8 =	simm.s32 @!p0 $0x1BF5;
	p2 =	por !p2, p0  }
0x20: {  	[sflag:s8] =	ssyncset.s32 @!p0 $0xFFFFF086;
	s6 =	sadd.s32 @!p0 s3, s7;
	s7 =	simm.s32 @!p0 $0x108  }
0x21: {  	s3 =	sadd.s32 s3, s9;
	s6 =	sadd.s32 @!p0 $0x88, s6;
	s7 =	simm.s32 @p2 $0x1082  }
0x22: {  	[simem:s7], [sflag:s8] =	dma.local @!p0 [hbm:s6], $0xF7A  }
0x23: {  	s9 =	sor.u32 $0xD0000000, s2;
	s6 =	simm.s32 $0x108;
	_ =	swait.ge @!p0 [sflag:s8], $0x0  }
0x24: {  	s3 =	sadd.s32 $0x88, s3;
	s6 =	simm.s32 @!p1 $0x1082;
	[sflag:s4] =	ssyncset.s32 $0xFFFFF086  }
0x25: {  	[simem:s6], [sflag:s4] =	dma.local [hbm:s3], $0xF7A  }
0x26: {  	[smem:$0x3F9C] =	sst s1;
	(tag) =	ssettag s2;
	_ =	strace s9  }
0x27: {  	s1 =	sld [smem:$0x3FAC]  }
0x28: {  	s2 =	sld [smem:$0x3FAD]  }
0x29: {  	s4 =	sld [smem:$0x3FAF]  }
0x2a: {  	p0 =	seq.s32 s5, $0x0;
	s5 =	sld [smem:$0x3FB0]  }
0x2b: {  	s6 =	sld [smem:$0x3FB1]  }
0x2c: {  	s7 =	sld [smem:$0x3FB2]  }
0x2d: {  	s3 =	simm.s32 $0x108;
	s8 =	sld [smem:$0x3FB3]  }
0x2e: {  	s3 =	simm.s32 @!p0 $0x1082;
	s9 =	sld [smem:$0x3FB4]  }
0x2f: {  	lr =	sadd.s32 s0, s3;
	s0 =	sld [smem:$0x3FAB]  }
0x30: {  	s3 =	sld [smem:$0x3FAE]  }
0x31: {  	[smem:$0x3FB7] =	sst s10  }
0x32: {  	s10 =	sld [smem:$0x3FB5];
	_ =	sdelay $0x3  }
0x33: {  	p0 =	seq.s32 s10, $0x1;
	s10 =	sld [smem:$0x3FB7];
	_ =	sdelay $0x3  }
0x34: {  	[smem:$0x3FB7] =	sst s10  }
0x35: {  	s10 =	sld [smem:$0x3FB6];
	_ =	sdelay $0x3  }
0x36: {  	p1 =	seq.s32 s10, $0x1;
	s10 =	sld [smem:$0x3FB7];
	_ =	sdelay $0x3  }
0x37: {  	[smem:$0x3FB7] =	sst s10  }
0x38: {  	s10 =	sld [smem:$0x3FB8]  }
0x39: {  	_ = 	snop;
	(pc) =	sbr.ind lr, $3  }
0x3a: {  	_ = 	snop  }
0x3b: {  	_ = 	snop  }
0x3c: {  	p2 =	seq.s32 s10, $0x1;
	s10 =	sld [smem:$0x3FB7]  }
0x3d: {  	_ =	shalt  }
0x3e: {  	_ =	shalt  }
0x3f: {  	_ =	shalt  }
0x40: {  	_ =	shalt  }
0x41: {  	_ =	shalt  }
0x42: {  	_ =	shalt  }
0x43: {  	_ =	shalt  }
0x44: {  	_ =	shalt  }
0x45: {  	_ =	shalt  }
0x46: {  	_ =	shalt  }
0x47: {  	_ =	shalt  }
0x48: {  	_ =	shalt  }
0x49: {  	_ =	shalt  }
0x4a: {  	_ =	shalt  }
0x4b: {  	_ =	shalt  }
0x4c: {  	_ =	shalt  }
0x4d: {  	_ =	shalt  }
0x4e: {  	_ =	shalt  }
0x4f: {  	_ =	shalt  }
0x50: {  	_ =	shalt  }
0x51: {  	_ =	shalt  }
0x52: {  	_ =	shalt  }
0x53: {  	_ =	shalt  }
0x54: {  	_ =	shalt  }
0x55: {  	_ =	shalt  }
0x56: {  	_ =	shalt  }
0x57: {  	_ =	shalt  }
0x58: {  	_ =	shalt  }
0x59: {  	_ =	shalt  }
0x5a: {  	_ =	shalt  }
0x5b: {  	_ =	shalt  }
0x5c: {  	_ =	shalt  }
0x5d: {  	_ =	shalt  }
0x5e: {  	_ =	shalt  }
0x5f: {  	_ =	shalt  }
0x60: {  	_ =	shalt  }
0x61: {  	_ =	shalt  }
0x62: {  	_ =	shalt  }
0x63: {  	_ =	shalt  }
0x64: {  	_ =	shalt  }
0x65: {  	_ =	shalt  }
0x66: {  	_ =	shalt  }
0x67: {  	_ =	shalt  }
0x68: {  	_ =	shalt  }
0x69: {  	_ =	shalt  }
0x6a: {  	_ =	shalt  }
0x6b: {  	_ =	shalt  }
0x6c: {  	_ =	shalt  }
0x6d: {  	_ =	shalt  }
0x6e: {  	_ =	shalt  }
0x6f: {  	_ =	shalt  }
0x70: {  	_ =	shalt  }
0x71: {  	_ =	shalt  }
0x72: {  	_ =	shalt  }
0x73: {  	_ =	shalt  }
0x74: {  	_ =	shalt  }
0x75: {  	_ =	shalt  }
0x76: {  	_ =	shalt  }
0x77: {  	_ =	shalt  }
0x78: {  	_ =	shalt  }
0x79: {  	_ =	shalt  }
0x7a: {  	_ =	shalt  }
0x7b: {  	_ =	shalt  }
0x7c: {  	_ =	shalt  }
0x7d: {  	_ =	shalt  }
0x7e: {  	_ =	shalt  }
0x7f: {  	_ =	shalt  }
0x80: {  	_ =	shalt  }
0x81: {  	_ =	shalt  }
0x82: {  	_ =	shalt  }
0x83: {  	_ =	shalt  }
0x84: {  	_ =	shalt  }
0x85: {  	_ =	shalt  }
0x86: {  	_ =	shalt  }
0x87: {  	_ =	shalt  }
.Lfunc_end0:
.L_simem_size_0:
called_computation.4_lowered:
.L_overlay_start_0:
0x88: {  	s2 =	sld [smem:$0x3FD9]  }
0x89: {  	s3 =	sld [smem:$0x3FFE];
	_ =	sdelay $0x1  }
0x8a: {  	s1 =	srdreg.scid  }
0x8b: {  	s0 =	sand.u32 $0x1, s1  }
0x8c: {  	s16 =	sshll.u32 s0, $0xA;
	s2 =	sadd.s32 s3, s2  }
0x8d: {  	s2 =	sadd.s32 s2, s16  }
0x8e: {  	[smem:$0x3FC3] =	sst s2  }
0x8f: {  	_ = 	snop  }
0x90: {  	(tm) =	ssettm $0x1  }
0x91: {  	s17 =	sld [smem:$0x3FFB];
	_ =	sdelay $0x3  }
0x92: {  	_ =	strace s17  }
0x93: {  	s2 =	sld [smem:$0x3FFC];
	_ =	sdelay $0x3  }
0x94: {  	_ =	strace s2  }
0x95: {  	s2 =	sld [smem:$0x3FFD];
	_ =	sdelay $0x3  }
0x96: {  	_ =	strace s2  }
0x97: {  	_ =	strace $0x8FFFFFFF  }
0x98: {  	s18 =	sld [smem:$0x3FDB];
	_ =	sdelay $0x1  }
0x99: {  	s19 =	simm.s32 $_scs_section_size  }
0x9a: {  	s4 =	simm.s32 $_size__tile_overlayer_lowered;
	s5 =	simm.s32 $_tile_overlayer_lowered  }
0x9b: {  	s22 =	simm.s32 $0x1BFF;
	s21 =	sshll.u32 s5, $0x1;
	s2 =	sadd.s32 s19, s18  }
0x9c: {  	s6 =	simm.s32 $0x0;
	s20 =	sshll.u32 s4, $0x1;
	s4 =	sadd.s32 s21, s2  }
0x9d: {  	[timem:s6], [sflag:s22] =	dma.local [hbm:s4], s20  }
0x9e: {  	_ =	swait.ge [sflag:s22], s20  }
0x9f: {  	s3 =	ssub.s32 $0x0, s20;
	[sflag:s22] =	ssyncset.done $0x0  }
0xa0: {  	[sflag:s22] =	ssyncadd.s32 s3;
	_ =	sdelay $0x1  }
0xa1: {  	s23 =	simm.s32 $0x1B8B  }
0xa2: {  	_ =	swait.ge [sflag:s23], $0x1  }
0xa3: {  	[sflag:s23] =	ssyncset.done $0x0  }
0xa4: {  	s25 =	simm.s32 $0x1B8E;
	s24 =	sld [smem:$0x3FFE];
	[sflag:s23] =	ssyncadd.s32 $0xFFFFFFFF  }
0xa5: {  	s26 =	simm.s32 $execute0_lowered;
	[smem:$0x3FD2] =	sst s25  }
0xa6: {  	s4 =	sshll.u32 s26, $0x1;
	_ =	strace $0x80000052;
	[dreg:$0x1] =	wrdreg $0xFFFFFFFF  }
0xa7: {  	s28 =	simm.s32 $_size_execute0_lowered;
	s2 =	sadd.s32 s2, s4;
	[dreg:$0x0] =	wrdreg $0x0  }
0xa8: {  	s4 =	sshll.u32 s28, $0x1;
	[dreg:$0x2] =	wrdreg s2  }
0xa9: {  	[dreg:$0x3] =	wrdreg s4  }
0xaa: {  	[dreg:$0x4] =	wrdreg $0xC0  }
0xab: {  	_ =	task [dreg:s6], $0x5FFFF  }
0xac: {  	[dreg:$0x1] =	wrdreg $0xFFFFFFFF  }
0xad: {  	[dreg:$0x0] =	wrdreg $0x60  }
0xae: {  	[dreg:$0x2] =	wrdreg s24  }
0xaf: {  	[dreg:$0x3] =	wrdreg $0x9  }
0xb0: {  	_ =	task.clear_ibuf [dreg:s6], $0x4FFFF;
	_ =	strace $0x90000052  }
0xb1: {  	s29 =	simm.s32 $0x9;
	_ =	strace $0x80000054  }
0xb2: {  	_ =	swait.ge [sflag:s29], $0x1  }
0xb3: {  	[sflag:s29] =	ssyncadd.s32 $0xFFFFFFFF  }
0xb4: {  	_ =	strace $0x90000054  }
0xb5: {  	_ =	sfence  }
0xb6: {  	s30 =	sld [smem:$0x0];
	_ =	sdelay $0x2  }
0xb7: {  	s31 =	sshll.u32 s1, $0xD;
	s1 =	sshrl.u32 s1, $0x2  }
0xb8: {  	s3 =	sand.u32 $0x4000, s31;
	s1 =	sadd.s32 s1, s30  }
0xb9: {  	s0 =	sor.u32 s3, s0;
	s1 =	sshll.u32 s1, $0x11  }
0xba: {  	s0 =	sor.u32 s1, s0  }
0xbb: {  	s0 =	sadd.s32 $0x8F2B, s0  }
0xbc: {  	[sflag:s0] =	ssyncadd.remote.s32 $0x1  }
0xbd: {  	_ =	sfence.sel $0xFFFF  }
0xbe: {  	[dreg:$0x0] =	wrdreg $0xFFFFFFFF;
	(pc) =	sbr.abs _section_cstart, $3  }
0xbf: {  	[dreg:$0x1] =	wrdreg $0xFFFFFFFF  }
0xc0: {  	_ =	task.clear_ibuf [dreg:s6], $0x2FFFF;
	_ =	strace $0x9FFFFFFF  }
0xc1: {  	(tm) =	ssettm $0x7FFFFFFF  }
tec
execute0_lowered:
.L_overlay_start_1:
0x0: {  	(tag) =	ssettag $0x1  }
0x1: {  	s0 =	rddreg [dreg:$0x0]  }
0x2: {  	s1 =	srdreg.scid;
	s2 =	simm.s32 $0x0;
	s3 =	stileid.u32  }
0x3: {  	s18 =	simm.s32 $0x1;
	s1 =	sand.u32 $0x1, s1;
	[smem:$0x7FF] =	sst s2  }
0x4: {  	s3 =	sshll.u32 s3, $0x9;
	s7 =	sadd.s32 $0x180A00, s0;
	s4 =	sshll.u32 s1, $0x8  }
0x5: {  	_ =	strace $0x80000053;
	s1 =	ssub.s32 $0x2, s1;
	s6 =	sor.u32 s4, s3  }
0x6: {  	s22 =	sshrl.u32 s1, $0x1;
	s3 =	sadd.s32 $0x180E00, s0;
	s4 =	sadd.s32 $0x180F00, s0  }
0x7: {  	s5 =	sshrl.u32 s6, $0x3;
	s1 =	ssub.s32 s1, s22;
	s24 =	sshll.u32 s6, $0x7  }
0x8: {  	s8 =	sor.u32 $0x40, s6;
	s26 =	sor.u32 $0x80, s6;
	s6 =	sor.u32 $0xC0, s6  }
0x9: {  	s23 =	sadd.s32 s7, s5;
	s5 =	sadd.s32 s0, s24;
	s9 =	sshrl.u32 s8, $0x3  }
0xa: {  	s8 =	sshll.u32 s8, $0x7;
	s28 =	sshrl.u32 s26, $0x3;
	[dreg:$0x2] =	wrdreg s23  }
0xb: {  	s30 =	sshrl.u32 s6, $0x3;
	[dreg:$0x3] =	wrdreg s5;
	s25 =	sadd.s32 s7, s9  }
0xc: {  	s31 =	sshll.u32 s6, $0x7;
	s8 =	sadd.s32 s0, s8;
	[dreg:$0x4] =	wrdreg s25  }
0xd: {  	s9 =	sshll.u32 s26, $0x7;
	[dreg:$0x5] =	wrdreg s8;
	s8 =	sadd.s32 s7, s28  }
0xe: {  	s6 =	sadd.s32 $0x181100, s0;
	s29 =	sadd.s32 s0, s9;
	[dreg:$0x6] =	wrdreg s8  }
0xf: {  	v2 =	vlaneseq.u32;
	s5 =	sadd.s32 $0x181000, s0;
	s7 =	sadd.s32 s7, s30;
	[dreg:$0x7] =	wrdreg s29  }
0x10: {  	vm0 =	vmmov $0xffff;
	v1 =	vshrl.u32 v2, $0x3;
	s23 =	simm.s32 $0x80;
	s0 =	sadd.s32 s0, s31;
	[dreg:$0x8] =	wrdreg s7  }
0x11: {  	v0 =	vand.u32 $0x7, v2;
	v2 =	vor.u32 $0x8, v2;
	v1 =	vmul.u32 $0x8, v1;
	[dreg:$0x9] =	wrdreg s0;
	s7 =	smax.u32 s1, $0x1;
	s8 =	simm.s32 $0x2  }
.LBB2_1:
0x12: {  	s19 =	rddreg [dreg:$0x2]  }
0x13: {  	[tilespmem:s2], [sflag:$0x2] =	stream.linear.gather [hbm4b:s19+s2], $0x40, $0x38;
	[tilespmem:$0x10080] =	vst v63  }
0x14: {  	_ =	swait.ge [sflag:s8], $0x40  }
0x15: {  	[sflag:s8] =	ssyncset.done $0x0  }
0x16: {  	[sflag:s8] =	ssyncadd.s32 $0xFFFFFFC0  }
0x17: {  	v3 =	vld [tilespmem:$0x0];
	_ =	sdelay $0x4  }
0x18: {  	v4 =	vshll.u32 v3, $0x3  }
0x19: {  	v3 =	vand.u32 $0x7, v3;
	v4 =	vand.u32 $0xFFFFFFC0, v4  }
0x1a: {  	v3 =	vor.u32 v3, v4  }
0x1b: {  	v4 =	vperm.xlane v3, v0;
	_ =	sdelay $0x1  }
0x1c: {  	v4 =	vadd.s32 v1, v4;
	_ =	sdelay $0x4  }
0x1d: {  	[tilespmem:s23], [sflag:$0x1] =	stream.indirect_vreg.gather [hbm4b:s3+s2], $0x80, v4, vm0, $0xb8;
	[tilespmem:$0x10080] =	vst v63  }
0x1e: {  	s0 =	simm.s32 $0x880;
	v3 =	vperm.xlane v3, v2  }
0x1f: {  	[tilespmem:s0], [sflag:$0x1] =	stream.indirect_vreg.gather [hbm4b:s4+s2], $0x80, v4, vm0, $0xb8;
	[tilespmem:$0x10080] =	vst v63  }
0x20: {  	s12 =	simm.s32 $0x1080;
	v3 =	vadd.s32 v1, v3  }
0x21: {  	[tilespmem:s12], [sflag:$0x1] =	stream.indirect_vreg.gather [hbm4b:s5+s2], $0x80, v4, vm0, $0xb8;
	[tilespmem:$0x10080] =	vst v63  }
0x22: {  	s13 =	simm.s32 $0x1880  }
0x23: {  	[tilespmem:s13], [sflag:$0x1] =	stream.indirect_vreg.gather [hbm4b:s6+s2], $0x80, v4, vm0, $0xb8;
	[tilespmem:$0x10080] =	vst v63  }
0x24: {  	s15 =	simm.s32 $0x2080  }
0x25: {  	[tilespmem:s15], [sflag:$0x1] =	stream.indirect_vreg.gather [hbm4b:s3+s2], $0x80, v3, vm0, $0xb8;
	[tilespmem:$0x10080] =	vst v63  }
0x26: {  	s16 =	simm.s32 $0x2880  }
0x27: {  	[tilespmem:s16], [sflag:$0x1] =	stream.indirect_vreg.gather [hbm4b:s4+s2], $0x80, v3, vm0, $0xb8;
	[tilespmem:$0x10080] =	vst v63  }
0x28: {  	s17 =	simm.s32 $0x3080  }
0x29: {  	[tilespmem:s17], [sflag:$0x1] =	stream.indirect_vreg.gather [hbm4b:s5+s2], $0x80, v3, vm0, $0xb8;
	[tilespmem:$0x10080] =	vst v63  }
0x2a: {  	s19 =	simm.s32 $0x3880  }
0x2b: {  	[tilespmem:s19], [sflag:$0x1] =	stream.indirect_vreg.gather [hbm4b:s6+s2], $0x80, v3, vm0, $0xb8;
	[tilespmem:$0x10080] =	vst v63  }
0x2c: {  	v3 =	vld [tilespmem:$0x10];
	_ =	sdelay $0x4  }
0x2d: {  	v49 =	vshll.u32 v3, $0x3  }
0x2e: {  	v3 =	vand.u32 $0x7, v3;
	v4 =	vand.u32 $0xFFFFFFC0, v49  }
0x2f: {  	v3 =	vor.u32 v3, v4  }
0x30: {  	v4 =	vperm.xlane v3, v0;
	_ =	sdelay $0x1  }
0x31: {  	v4 =	vadd.s32 v1, v4;
	_ =	sdelay $0x3  }
0x32: {  	s20 =	simm.s32 $0x4080  }
0x33: {  	[tilespmem:s20], [sflag:$0x1] =	stream.indirect_vreg.gather [hbm4b:s3+s2], $0x80, v4, vm0, $0xb8;
	[tilespmem:$0x10080] =	vst v63  }
0x34: {  	s21 =	simm.s32 $0x4880;
	v3 =	vperm.xlane v3, v2  }
0x35: {  	[tilespmem:s21], [sflag:$0x1] =	stream.indirect_vreg.gather [hbm4b:s4+s2], $0x80, v4, vm0, $0xb8;
	[tilespmem:$0x10080] =	vst v63  }
0x36: {  	s22 =	simm.s32 $0x5080;
	v3 =	vadd.s32 v1, v3  }
0x37: {  	[tilespmem:s22], [sflag:$0x1] =	stream.indirect_vreg.gather [hbm4b:s5+s2], $0x80, v4, vm0, $0xb8;
	[tilespmem:$0x10080] =	vst v63  }
0x38: {  	s24 =	simm.s32 $0x5880  }
0x39: {  	[tilespmem:s24], [sflag:$0x1] =	stream.indirect_vreg.gather [hbm4b:s6+s2], $0x80, v4, vm0, $0xb8;
	[tilespmem:$0x10080] =	vst v63  }
0x3a: {  	s25 =	simm.s32 $0x6080  }
0x3b: {  	[tilespmem:s25], [sflag:$0x1] =	stream.indirect_vreg.gather [hbm4b:s3+s2], $0x80, v3, vm0, $0xb8;
	[tilespmem:$0x10080] =	vst v63  }
0x3c: {  	s26 =	simm.s32 $0x6880  }
0x3d: {  	[tilespmem:s26], [sflag:$0x1] =	stream.indirect_vreg.gather [hbm4b:s4+s2], $0x80, v3, vm0, $0xb8;
	[tilespmem:$0x10080] =	vst v63  }
0x3e: {  	s28 =	simm.s32 $0x7080  }
0x3f: {  	[tilespmem:s28], [sflag:$0x1] =	stream.indirect_vreg.gather [hbm4b:s5+s2], $0x80, v3, vm0, $0xb8;
	[tilespmem:$0x10080] =	vst v63  }
0x40: {  	s29 =	simm.s32 $0x7880  }
0x41: {  	[tilespmem:s29], [sflag:$0x1] =	stream.indirect_vreg.gather [hbm4b:s6+s2], $0x80, v3, vm0, $0xb8;
	[tilespmem:$0x10080] =	vst v63  }
0x42: {  	v3 =	vld [tilespmem:$0x20];
	_ =	sdelay $0x4  }
0x43: {  	v50 =	vshll.u32 v3, $0x3  }
0x44: {  	v3 =	vand.u32 $0x7, v3;
	v4 =	vand.u32 $0xFFFFFFC0, v50  }
0x45: {  	v3 =	vor.u32 v3, v4  }
0x46: {  	v4 =	vperm.xlane v3, v0;
	_ =	sdelay $0x1  }
0x47: {  	v4 =	vadd.s32 v1, v4;
	_ =	sdelay $0x3  }
0x48: {  	s30 =	simm.s32 $0x8080  }
0x49: {  	[tilespmem:s30], [sflag:$0x1] =	stream.indirect_vreg.gather [hbm4b:s3+s2], $0x80, v4, vm0, $0xb8;
	[tilespmem:$0x10080] =	vst v63  }
0x4a: {  	s16 =	simm.s32 $0x8880;
	v3 =	vperm.xlane v3, v2  }
0x4b: {  	[tilespmem:s16], [sflag:$0x1] =	stream.indirect_vreg.gather [hbm4b:s4+s2], $0x80, v4, vm0, $0xb8;
	[tilespmem:$0x10080] =	vst v63  }
0x4c: {  	s17 =	simm.s32 $0x9080;
	v3 =	vadd.s32 v1, v3  }
0x4d: {  	[tilespmem:s17], [sflag:$0x1] =	stream.indirect_vreg.gather [hbm4b:s5+s2], $0x80, v4, vm0, $0xb8;
	[tilespmem:$0x10080] =	vst v63  }
0x4e: {  	s19 =	simm.s32 $0x9880  }
0x4f: {  	[tilespmem:s19], [sflag:$0x1] =	stream.indirect_vreg.gather [hbm4b:s6+s2], $0x80, v4, vm0, $0xb8;
	[tilespmem:$0x10080] =	vst v63  }
0x50: {  	s20 =	simm.s32 $0xA080  }
0x51: {  	[tilespmem:s20], [sflag:$0x1] =	stream.indirect_vreg.gather [hbm4b:s3+s2], $0x80, v3, vm0, $0xb8;
	[tilespmem:$0x10080] =	vst v63  }
0x52: {  	s21 =	simm.s32 $0xA880  }
0x53: {  	[tilespmem:s21], [sflag:$0x1] =	stream.indirect_vreg.gather [hbm4b:s4+s2], $0x80, v3, vm0, $0xb8;
	[tilespmem:$0x10080] =	vst v63  }
0x54: {  	s22 =	simm.s32 $0xB080  }
0x55: {  	[tilespmem:s22], [sflag:$0x1] =	stream.indirect_vreg.gather [hbm4b:s5+s2], $0x80, v3, vm0, $0xb8;
	[tilespmem:$0x10080] =	vst v63  }
0x56: {  	s24 =	simm.s32 $0xB880  }
0x57: {  	[tilespmem:s24], [sflag:$0x1] =	stream.indirect_vreg.gather [hbm4b:s6+s2], $0x80, v3, vm0, $0xb8;
	[tilespmem:$0x10080] =	vst v63  }
0x58: {  	v3 =	vld [tilespmem:$0x30];
	_ =	sdelay $0x4  }
0x59: {  	v51 =	vshll.u32 v3, $0x3  }
0x5a: {  	v3 =	vand.u32 $0x7, v3;
	v4 =	vand.u32 $0xFFFFFFC0, v51  }
0x5b: {  	v3 =	vor.u32 v3, v4  }
0x5c: {  	v4 =	vperm.xlane v3, v0;
	_ =	sdelay $0x1  }
0x5d: {  	v4 =	vadd.s32 v1, v4;
	_ =	sdelay $0x3  }
0x5e: {  	s25 =	simm.s32 $0xC080  }
0x5f: {  	[tilespmem:s25], [sflag:$0x1] =	stream.indirect_vreg.gather [hbm4b:s3+s2], $0x80, v4, vm0, $0xb8;
	[tilespmem:$0x10080] =	vst v63  }
0x60: {  	s26 =	simm.s32 $0xC880;
	v3 =	vperm.xlane v3, v2  }
0x61: {  	[tilespmem:s26], [sflag:$0x1] =	stream.indirect_vreg.gather [hbm4b:s4+s2], $0x80, v4, vm0, $0xb8;
	[tilespmem:$0x10080] =	vst v63  }
0x62: {  	s29 =	simm.s32 $0xD080;
	v3 =	vadd.s32 v1, v3  }
0x63: {  	[tilespmem:s29], [sflag:$0x1] =	stream.indirect_vreg.gather [hbm4b:s5+s2], $0x80, v4, vm0, $0xb8;
	[tilespmem:$0x10080] =	vst v63  }
0x64: {  	s0 =	simm.s32 $0xD880  }
0x65: {  	[tilespmem:s0], [sflag:$0x1] =	stream.indirect_vreg.gather [hbm4b:s6+s2], $0x80, v4, vm0, $0xb8;
	[tilespmem:$0x10080] =	vst v63  }
0x66: {  	s16 =	simm.s32 $0xE080  }
0x67: {  	[tilespmem:s16], [sflag:$0x1] =	stream.indirect_vreg.gather [hbm4b:s3+s2], $0x80, v3, vm0, $0xb8;
	[tilespmem:$0x10080] =	vst v63  }
0x68: {  	s17 =	simm.s32 $0xE880  }
0x69: {  	[tilespmem:s17], [sflag:$0x1] =	stream.indirect_vreg.gather [hbm4b:s4+s2], $0x80, v3, vm0, $0xb8;
	[tilespmem:$0x10080] =	vst v63  }
0x6a: {  	s24 =	simm.s32 $0xF080  }
0x6b: {  	[tilespmem:s24], [sflag:$0x1] =	stream.indirect_vreg.gather [hbm4b:s5+s2], $0x80, v3, vm0, $0xb8;
	[tilespmem:$0x10080] =	vst v63  }
0x6c: {  	s25 =	simm.s32 $0xF880  }
0x6d: {  	[tilespmem:s25], [sflag:$0x1] =	stream.indirect_vreg.gather [hbm4b:s6+s2], $0x80, v3, vm0, $0xb8;
	[tilespmem:$0x10080] =	vst v63  }
0x6e: {  	_ =	swait.ge [sflag:s18], $0x10000  }
0x6f: {  	[sflag:s18] =	ssyncset.done $0x0  }
0x70: {  	s0 =	rddreg [dreg:$0x3];
	[sflag:s18] =	ssyncadd.s32 $0xFFFF0000  }
0x71: {  	[hbm4b:s0+s2] =	stream.linear.scatter [tilespmem:s23], [sflag:$0x2], $0x10000, $0x38;
	[tilespmem:$0x10080] =	vst v63  }
0x72: {  	_ =	swait.ge [sflag:s8], $0x10000  }
0x73: {  	[sflag:s8] =	ssyncset.done $0x0  }
0x74: {  	s16 =	rddreg [dreg:$0x4];
	[sflag:s8] =	ssyncadd.s32 $0xFFFF0000  }
0x75: {  	[tilespmem:s2], [sflag:$0x2] =	stream.linear.gather [hbm4b:s16+s2], $0x40, $0x38;
	[tilespmem:$0x10080] =	vst v63  }
0x76: {  	_ =	swait.ge [sflag:s8], $0x40  }
0x77: {  	[sflag:s8] =	ssyncset.done $0x0  }
0x78: {  	[sflag:s8] =	ssyncadd.s32 $0xFFFFFFC0  }
0x79: {  	v3 =	vld [tilespmem:$0x0];
	_ =	sdelay $0x4  }
0x7a: {  	v52 =	vshll.u32 v3, $0x3  }
0x7b: {  	v3 =	vand.u32 $0x7, v3;
	v4 =	vand.u32 $0xFFFFFFC0, v52  }
0x7c: {  	v3 =	vor.u32 v3, v4  }
0x7d: {  	v4 =	vperm.xlane v3, v0;
	_ =	sdelay $0x1  }
0x7e: {  	v4 =	vadd.s32 v1, v4;
	_ =	sdelay $0x4  }
0x7f: {  	[tilespmem:s23], [sflag:$0x1] =	stream.indirect_vreg.gather [hbm4b:s3+s2], $0x80, v4, vm0, $0xb8;
	[tilespmem:$0x10080] =	vst v63  }
0x80: {  	s14 =	simm.s32 $0x880;
	v3 =	vperm.xlane v3, v2  }
0x81: {  	[tilespmem:s14], [sflag:$0x1] =	stream.indirect_vreg.gather [hbm4b:s4+s2], $0x80, v4, vm0, $0xb8;
	[tilespmem:$0x10080] =	vst v63  }
0x82: {  	s1 =	simm.s32 $0x1080;
	v3 =	vadd.s32 v1, v3  }
0x83: {  	[tilespmem:s1], [sflag:$0x1] =	stream.indirect_vreg.gather [hbm4b:s5+s2], $0x80, v4, vm0, $0xb8;
	[tilespmem:$0x10080] =	vst v63  }
0x84: {  	s9 =	simm.s32 $0x1880  }
0x85: {  	[tilespmem:s9], [sflag:$0x1] =	stream.indirect_vreg.gather [hbm4b:s6+s2], $0x80, v4, vm0, $0xb8;
	[tilespmem:$0x10080] =	vst v63  }
0x86: {  	s10 =	simm.s32 $0x2080  }
0x87: {  	[tilespmem:s10], [sflag:$0x1] =	stream.indirect_vreg.gather [hbm4b:s3+s2], $0x80, v3, vm0, $0xb8;
	[tilespmem:$0x10080] =	vst v63  }
0x88: {  	s11 =	simm.s32 $0x2880  }
0x89: {  	[tilespmem:s11], [sflag:$0x1] =	stream.indirect_vreg.gather [hbm4b:s4+s2], $0x80, v3, vm0, $0xb8;
	[tilespmem:$0x10080] =	vst v63  }
0x8a: {  	s12 =	simm.s32 $0x3080  }
0x8b: {  	[tilespmem:s12], [sflag:$0x1] =	stream.indirect_vreg.gather [hbm4b:s5+s2], $0x80, v3, vm0, $0xb8;
	[tilespmem:$0x10080] =	vst v63  }
0x8c: {  	s15 =	simm.s32 $0x3880  }
0x8d: {  	[tilespmem:s15], [sflag:$0x1] =	stream.indirect_vreg.gather [hbm4b:s6+s2], $0x80, v3, vm0, $0xb8;
	[tilespmem:$0x10080] =	vst v63  }
0x8e: {  	v3 =	vld [tilespmem:$0x10];
	_ =	sdelay $0x4  }
0x8f: {  	v53 =	vshll.u32 v3, $0x3  }
0x90: {  	v3 =	vand.u32 $0x7, v3;
	v4 =	vand.u32 $0xFFFFFFC0, v53  }
0x91: {  	v3 =	vor.u32 v3, v4  }
0x92: {  	v4 =	vperm.xlane v3, v0;
	_ =	sdelay $0x1  }
0x93: {  	v4 =	vadd.s32 v1, v4;
	_ =	sdelay $0x3  }
0x94: {  	s16 =	simm.s32 $0x4080  }
0x95: {  	[tilespmem:s16], [sflag:$0x1] =	stream.indirect_vreg.gather [hbm4b:s3+s2], $0x80, v4, vm0, $0xb8;
	[tilespmem:$0x10080] =	vst v63  }
0x96: {  	s31 =	simm.s32 $0x4880;
	v3 =	vperm.xlane v3, v2  }
0x97: {  	[tilespmem:s31], [sflag:$0x1] =	stream.indirect_vreg.gather [hbm4b:s4+s2], $0x80, v4, vm0, $0xb8;
	[tilespmem:$0x10080] =	vst v63  }
0x98: {  	s13 =	simm.s32 $0x5080;
	v3 =	vadd.s32 v1, v3  }
0x99: {  	[tilespmem:s13], [sflag:$0x1] =	stream.indirect_vreg.gather [hbm4b:s5+s2], $0x80, v4, vm0, $0xb8;
	[tilespmem:$0x10080] =	vst v63  }
0x9a: {  	s31 =	simm.s32 $0x5880  }
0x9b: {  	[tilespmem:s31], [sflag:$0x1] =	stream.indirect_vreg.gather [hbm4b:s6+s2], $0x80, v4, vm0, $0xb8;
	[tilespmem:$0x10080] =	vst v63  }
0x9c: {  	s0 =	simm.s32 $0x6080  }
0x9d: {  	[tilespmem:s0], [sflag:$0x1] =	stream.indirect_vreg.gather [hbm4b:s3+s2], $0x80, v3, vm0, $0xb8;
	[tilespmem:$0x10080] =	vst v63  }
0x9e: {  	s1 =	simm.s32 $0x6880  }
0x9f: {  	[tilespmem:s1], [sflag:$0x1] =	stream.indirect_vreg.gather [hbm4b:s4+s2], $0x80, v3, vm0, $0xb8;
	[tilespmem:$0x10080] =	vst v63  }
0xa0: {  	s9 =	simm.s32 $0x7080  }
0xa1: {  	[tilespmem:s9], [sflag:$0x1] =	stream.indirect_vreg.gather [hbm4b:s5+s2], $0x80, v3, vm0, $0xb8;
	[tilespmem:$0x10080] =	vst v63  }
0xa2: {  	s13 =	simm.s32 $0x7880  }
0xa3: {  	[tilespmem:s13], [sflag:$0x1] =	stream.indirect_vreg.gather [hbm4b:s6+s2], $0x80, v3, vm0, $0xb8;
	[tilespmem:$0x10080] =	vst v63  }
0xa4: {  	v3 =	vld [tilespmem:$0x20];
	_ =	sdelay $0x4  }
0xa5: {  	v54 =	vshll.u32 v3, $0x3  }
0xa6: {  	v3 =	vand.u32 $0x7, v3;
	v4 =	vand.u32 $0xFFFFFFC0, v54  }
0xa7: {  	v3 =	vor.u32 v3, v4  }
0xa8: {  	v4 =	vperm.xlane v3, v0;
	_ =	sdelay $0x1  }
0xa9: {  	v4 =	vadd.s32 v1, v4;
	_ =	sdelay $0x3  }
0xaa: {  	s14 =	simm.s32 $0x8080  }
0xab: {  	[tilespmem:s14], [sflag:$0x1] =	stream.indirect_vreg.gather [hbm4b:s3+s2], $0x80, v4, vm0, $0xb8;
	[tilespmem:$0x10080] =	vst v63  }
0xac: {  	s15 =	simm.s32 $0x8880;
	v3 =	vperm.xlane v3, v2  }
0xad: {  	[tilespmem:s15], [sflag:$0x1] =	stream.indirect_vreg.gather [hbm4b:s4+s2], $0x80, v4, vm0, $0xb8;
	[tilespmem:$0x10080] =	vst v63  }
0xae: {  	s10 =	simm.s32 $0x9080;
	v3 =	vadd.s32 v1, v3  }
0xaf: {  	[tilespmem:s10], [sflag:$0x1] =	stream.indirect_vreg.gather [hbm4b:s5+s2], $0x80, v4, vm0, $0xb8;
	[tilespmem:$0x10080] =	vst v63  }
0xb0: {  	s11 =	simm.s32 $0x9880  }
0xb1: {  	[tilespmem:s11], [sflag:$0x1] =	stream.indirect_vreg.gather [hbm4b:s6+s2], $0x80, v4, vm0, $0xb8;
	[tilespmem:$0x10080] =	vst v63  }
0xb2: {  	s12 =	simm.s32 $0xA080  }
0xb3: {  	[tilespmem:s12], [sflag:$0x1] =	stream.indirect_vreg.gather [hbm4b:s3+s2], $0x80, v3, vm0, $0xb8;
	[tilespmem:$0x10080] =	vst v63  }
0xb4: {  	s30 =	simm.s32 $0xA880  }
0xb5: {  	[tilespmem:s30], [sflag:$0x1] =	stream.indirect_vreg.gather [hbm4b:s4+s2], $0x80, v3, vm0, $0xb8;
	[tilespmem:$0x10080] =	vst v63  }
0xb6: {  	s28 =	simm.s32 $0xB080  }
0xb7: {  	[tilespmem:s28], [sflag:$0x1] =	stream.indirect_vreg.gather [hbm4b:s5+s2], $0x80, v3, vm0, $0xb8;
	[tilespmem:$0x10080] =	vst v63  }
0xb8: {  	s20 =	simm.s32 $0xB880  }
0xb9: {  	[tilespmem:s20], [sflag:$0x1] =	stream.indirect_vreg.gather [hbm4b:s6+s2], $0x80, v3, vm0, $0xb8;
	[tilespmem:$0x10080] =	vst v63  }
0xba: {  	v3 =	vld [tilespmem:$0x30];
	_ =	sdelay $0x4  }
0xbb: {  	v55 =	vshll.u32 v3, $0x3  }
0xbc: {  	v3 =	vand.u32 $0x7, v3;
	v4 =	vand.u32 $0xFFFFFFC0, v55  }
0xbd: {  	v3 =	vor.u32 v3, v4  }
0xbe: {  	v4 =	vperm.xlane v3, v0;
	_ =	sdelay $0x1  }
0xbf: {  	v4 =	vadd.s32 v1, v4;
	_ =	sdelay $0x3  }
0xc0: {  	s21 =	simm.s32 $0xC080  }
0xc1: {  	[tilespmem:s21], [sflag:$0x1] =	stream.indirect_vreg.gather [hbm4b:s3+s2], $0x80, v4, vm0, $0xb8;
	[tilespmem:$0x10080] =	vst v63  }
0xc2: {  	s22 =	simm.s32 $0xC880;
	v3 =	vperm.xlane v3, v2  }
0xc3: {  	[tilespmem:s22], [sflag:$0x1] =	stream.indirect_vreg.gather [hbm4b:s4+s2], $0x80, v4, vm0, $0xb8;
	[tilespmem:$0x10080] =	vst v63  }
0xc4: {  	v3 =	vadd.s32 v1, v3;
	s22 =	simm.s32 $0xD080  }
0xc5: {  	[tilespmem:s22], [sflag:$0x1] =	stream.indirect_vreg.gather [hbm4b:s5+s2], $0x80, v4, vm0, $0xb8;
	[tilespmem:$0x10080] =	vst v63  }
0xc6: {  	s26 =	simm.s32 $0xD880  }
0xc7: {  	[tilespmem:s26], [sflag:$0x1] =	stream.indirect_vreg.gather [hbm4b:s6+s2], $0x80, v4, vm0, $0xb8;
	[tilespmem:$0x10080] =	vst v63  }
0xc8: {  	s29 =	simm.s32 $0xE080  }
0xc9: {  	[tilespmem:s29], [sflag:$0x1] =	stream.indirect_vreg.gather [hbm4b:s3+s2], $0x80, v3, vm0, $0xb8;
	[tilespmem:$0x10080] =	vst v63  }
0xca: {  	s26 =	simm.s32 $0xE880  }
0xcb: {  	[tilespmem:s26], [sflag:$0x1] =	stream.indirect_vreg.gather [hbm4b:s4+s2], $0x80, v3, vm0, $0xb8;
	[tilespmem:$0x10080] =	vst v63  }
0xcc: {  	s30 =	simm.s32 $0xF080  }
0xcd: {  	[tilespmem:s30], [sflag:$0x1] =	stream.indirect_vreg.gather [hbm4b:s5+s2], $0x80, v3, vm0, $0xb8;
	[tilespmem:$0x10080] =	vst v63  }
0xce: {  	s17 =	simm.s32 $0xF880  }
0xcf: {  	[tilespmem:s17], [sflag:$0x1] =	stream.indirect_vreg.gather [hbm4b:s6+s2], $0x80, v3, vm0, $0xb8;
	[tilespmem:$0x10080] =	vst v63  }
0xd0: {  	_ =	swait.ge [sflag:s18], $0x10000  }
0xd1: {  	[sflag:s18] =	ssyncset.done $0x0  }
0xd2: {  	s21 =	rddreg [dreg:$0x5];
	[sflag:s18] =	ssyncadd.s32 $0xFFFF0000  }
0xd3: {  	[hbm4b:s21+s2] =	stream.linear.scatter [tilespmem:s23], [sflag:$0x2], $0x10000, $0x38;
	[tilespmem:$0x10080] =	vst v63  }
0xd4: {  	_ =	swait.ge [sflag:s8], $0x10000  }
0xd5: {  	[sflag:s8] =	ssyncset.done $0x0  }
0xd6: {  	s17 =	rddreg [dreg:$0x6];
	[sflag:s8] =	ssyncadd.s32 $0xFFFF0000  }
0xd7: {  	[tilespmem:s2], [sflag:$0x2] =	stream.linear.gather [hbm4b:s17+s2], $0x40, $0x38;
	[tilespmem:$0x10080] =	vst v63  }
0xd8: {  	_ =	swait.ge [sflag:s8], $0x40  }
0xd9: {  	[sflag:s8] =	ssyncset.done $0x0  }
0xda: {  	[sflag:s8] =	ssyncadd.s32 $0xFFFFFFC0  }
0xdb: {  	v3 =	vld [tilespmem:$0x0];
	_ =	sdelay $0x4  }
0xdc: {  	v56 =	vshll.u32 v3, $0x3  }
0xdd: {  	v3 =	vand.u32 $0x7, v3;
	v4 =	vand.u32 $0xFFFFFFC0, v56  }
0xde: {  	v3 =	vor.u32 v3, v4  }
0xdf: {  	v4 =	vperm.xlane v3, v0;
	_ =	sdelay $0x1  }
0xe0: {  	v4 =	vadd.s32 v1, v4;
	_ =	sdelay $0x4  }
0xe1: {  	[tilespmem:s23], [sflag:$0x1] =	stream.indirect_vreg.gather [hbm4b:s3+s2], $0x80, v4, vm0, $0xb8;
	[tilespmem:$0x10080] =	vst v63  }
0xe2: {  	s21 =	simm.s32 $0x880;
	v3 =	vperm.xlane v3, v2  }
0xe3: {  	[tilespmem:s21], [sflag:$0x1] =	stream.indirect_vreg.gather [hbm4b:s4+s2], $0x80, v4, vm0, $0xb8;
	[tilespmem:$0x10080] =	vst v63  }
0xe4: {  	s25 =	simm.s32 $0x1080;
	v3 =	vadd.s32 v1, v3  }
0xe5: {  	[tilespmem:s25], [sflag:$0x1] =	stream.indirect_vreg.gather [hbm4b:s5+s2], $0x80, v4, vm0, $0xb8;
	[tilespmem:$0x10080] =	vst v63  }
0xe6: {  	s25 =	simm.s32 $0x1880  }
0xe7: {  	[tilespmem:s25], [sflag:$0x1] =	stream.indirect_vreg.gather [hbm4b:s6+s2], $0x80, v4, vm0, $0xb8;
	[tilespmem:$0x10080] =	vst v63  }
0xe8: {  	s19 =	simm.s32 $0x2080  }
0xe9: {  	[tilespmem:s19], [sflag:$0x1] =	stream.indirect_vreg.gather [hbm4b:s3+s2], $0x80, v3, vm0, $0xb8;
	[tilespmem:$0x10080] =	vst v63  }
0xea: {  	s25 =	simm.s32 $0x2880  }
0xeb: {  	[tilespmem:s25], [sflag:$0x1] =	stream.indirect_vreg.gather [hbm4b:s4+s2], $0x80, v3, vm0, $0xb8;
	[tilespmem:$0x10080] =	vst v63  }
0xec: {  	s19 =	simm.s32 $0x3080  }
0xed: {  	[tilespmem:s19], [sflag:$0x1] =	stream.indirect_vreg.gather [hbm4b:s5+s2], $0x80, v3, vm0, $0xb8;
	[tilespmem:$0x10080] =	vst v63  }
0xee: {  	s25 =	simm.s32 $0x3880  }
0xef: {  	[tilespmem:s25], [sflag:$0x1] =	stream.indirect_vreg.gather [hbm4b:s6+s2], $0x80, v3, vm0, $0xb8;
	[tilespmem:$0x10080] =	vst v63  }
0xf0: {  	v3 =	vld [tilespmem:$0x10];
	_ =	sdelay $0x4  }
0xf1: {  	v57 =	vshll.u32 v3, $0x3  }
0xf2: {  	v3 =	vand.u32 $0x7, v3;
	v4 =	vand.u32 $0xFFFFFFC0, v57  }
0xf3: {  	v3 =	vor.u32 v3, v4  }
0xf4: {  	v4 =	vperm.xlane v3, v0;
	_ =	sdelay $0x1  }
0xf5: {  	v4 =	vadd.s32 v1, v4;
	_ =	sdelay $0x4  }
0xf6: {  	[tilespmem:s16], [sflag:$0x1] =	stream.indirect_vreg.gather [hbm4b:s3+s2], $0x80, v4, vm0, $0xb8;
	[tilespmem:$0x10080] =	vst v63  }
0xf7: {  	s19 =	simm.s32 $0x4880;
	v3 =	vperm.xlane v3, v2  }
0xf8: {  	[tilespmem:s19], [sflag:$0x1] =	stream.indirect_vreg.gather [hbm4b:s4+s2], $0x80, v4, vm0, $0xb8;
	[tilespmem:$0x10080] =	vst v63  }
0xf9: {  	s25 =	simm.s32 $0x5080;
	v3 =	vadd.s32 v1, v3  }
0xfa: {  	[tilespmem:s25], [sflag:$0x1] =	stream.indirect_vreg.gather [hbm4b:s5+s2], $0x80, v4, vm0, $0xb8;
	[tilespmem:$0x10080] =	vst v63  }
0xfb: {  	_ = 	snop  }
0xfc: {  	[tilespmem:s31], [sflag:$0x1] =	stream.indirect_vreg.gather [hbm4b:s6+s2], $0x80, v4, vm0, $0xb8;
	[tilespmem:$0x10080] =	vst v63  }
0xfd: {  	_ = 	snop  }
0xfe: {  	[tilespmem:s0], [sflag:$0x1] =	stream.indirect_vreg.gather [hbm4b:s3+s2], $0x80, v3, vm0, $0xb8;
	[tilespmem:$0x10080] =	vst v63  }
0xff: {  	_ = 	snop  }
0x100: {  	[tilespmem:s1], [sflag:$0x1] =	stream.indirect_vreg.gather [hbm4b:s4+s2], $0x80, v3, vm0, $0xb8;
	[tilespmem:$0x10080] =	vst v63  }
0x101: {  	_ = 	snop  }
0x102: {  	[tilespmem:s9], [sflag:$0x1] =	stream.indirect_vreg.gather [hbm4b:s5+s2], $0x80, v3, vm0, $0xb8;
	[tilespmem:$0x10080] =	vst v63  }
0x103: {  	_ = 	snop  }
0x104: {  	[tilespmem:s13], [sflag:$0x1] =	stream.indirect_vreg.gather [hbm4b:s6+s2], $0x80, v3, vm0, $0xb8;
	[tilespmem:$0x10080] =	vst v63  }
0x105: {  	v3 =	vld [tilespmem:$0x20];
	_ =	sdelay $0x4  }
0x106: {  	v58 =	vshll.u32 v3, $0x3  }
0x107: {  	v3 =	vand.u32 $0x7, v3;
	v4 =	vand.u32 $0xFFFFFFC0, v58  }
0x108: {  	v3 =	vor.u32 v3, v4  }
0x109: {  	v4 =	vperm.xlane v3, v0;
	_ =	sdelay $0x1  }
0x10a: {  	v4 =	vadd.s32 v1, v4;
	_ =	sdelay $0x4  }
0x10b: {  	[tilespmem:s14], [sflag:$0x1] =	stream.indirect_vreg.gather [hbm4b:s3+s2], $0x80, v4, vm0, $0xb8;
	[tilespmem:$0x10080] =	vst v63  }
0x10c: {  	v3 =	vperm.xlane v3, v2  }
0x10d: {  	[tilespmem:s15], [sflag:$0x1] =	stream.indirect_vreg.gather [hbm4b:s4+s2], $0x80, v4, vm0, $0xb8;
	[tilespmem:$0x10080] =	vst v63  }
0x10e: {  	v3 =	vadd.s32 v1, v3  }
0x10f: {  	[tilespmem:s10], [sflag:$0x1] =	stream.indirect_vreg.gather [hbm4b:s5+s2], $0x80, v4, vm0, $0xb8;
	[tilespmem:$0x10080] =	vst v63  }
0x110: {  	_ = 	snop  }
0x111: {  	[tilespmem:s11], [sflag:$0x1] =	stream.indirect_vreg.gather [hbm4b:s6+s2], $0x80, v4, vm0, $0xb8;
	[tilespmem:$0x10080] =	vst v63  }
0x112: {  	_ = 	snop  }
0x113: {  	[tilespmem:s12], [sflag:$0x1] =	stream.indirect_vreg.gather [hbm4b:s3+s2], $0x80, v3, vm0, $0xb8;
	[tilespmem:$0x10080] =	vst v63  }
0x114: {  	s24 =	simm.s32 $0xA880  }
0x115: {  	[tilespmem:s24], [sflag:$0x1] =	stream.indirect_vreg.gather [hbm4b:s4+s2], $0x80, v3, vm0, $0xb8;
	[tilespmem:$0x10080] =	vst v63  }
0x116: {  	s28 =	simm.s32 $0xB080  }
0x117: {  	[tilespmem:s28], [sflag:$0x1] =	stream.indirect_vreg.gather [hbm4b:s5+s2], $0x80, v3, vm0, $0xb8;
	[tilespmem:$0x10080] =	vst v63  }
0x118: {  	s28 =	simm.s32 $0xB880  }
0x119: {  	[tilespmem:s28], [sflag:$0x1] =	stream.indirect_vreg.gather [hbm4b:s6+s2], $0x80, v3, vm0, $0xb8;
	[tilespmem:$0x10080] =	vst v63  }
0x11a: {  	v3 =	vld [tilespmem:$0x30];
	_ =	sdelay $0x4  }
0x11b: {  	v59 =	vshll.u32 v3, $0x3  }
0x11c: {  	v3 =	vand.u32 $0x7, v3;
	v4 =	vand.u32 $0xFFFFFFC0, v59  }
0x11d: {  	v3 =	vor.u32 v3, v4  }
0x11e: {  	v4 =	vperm.xlane v3, v0;
	_ =	sdelay $0x1  }
0x11f: {  	v4 =	vadd.s32 v1, v4;
	_ =	sdelay $0x3  }
0x120: {  	s24 =	simm.s32 $0xC080  }
0x121: {  	[tilespmem:s24], [sflag:$0x1] =	stream.indirect_vreg.gather [hbm4b:s3+s2], $0x80, v4, vm0, $0xb8;
	[tilespmem:$0x10080] =	vst v63  }
0x122: {  	s25 =	simm.s32 $0xC880;
	v3 =	vperm.xlane v3, v2  }
0x123: {  	[tilespmem:s25], [sflag:$0x1] =	stream.indirect_vreg.gather [hbm4b:s4+s2], $0x80, v4, vm0, $0xb8;
	[tilespmem:$0x10080] =	vst v63  }
0x124: {  	s20 =	simm.s32 $0xD080;
	v3 =	vadd.s32 v1, v3  }
0x125: {  	[tilespmem:s20], [sflag:$0x1] =	stream.indirect_vreg.gather [hbm4b:s5+s2], $0x80, v4, vm0, $0xb8;
	[tilespmem:$0x10080] =	vst v63  }
0x126: {  	s22 =	simm.s32 $0xD880  }
0x127: {  	[tilespmem:s22], [sflag:$0x1] =	stream.indirect_vreg.gather [hbm4b:s6+s2], $0x80, v4, vm0, $0xb8;
	[tilespmem:$0x10080] =	vst v63  }
0x128: {  	s29 =	simm.s32 $0xE080  }
0x129: {  	[tilespmem:s29], [sflag:$0x1] =	stream.indirect_vreg.gather [hbm4b:s3+s2], $0x80, v3, vm0, $0xb8;
	[tilespmem:$0x10080] =	vst v63  }
0x12a: {  	s26 =	simm.s32 $0xE880  }
0x12b: {  	[tilespmem:s26], [sflag:$0x1] =	stream.indirect_vreg.gather [hbm4b:s4+s2], $0x80, v3, vm0, $0xb8;
	[tilespmem:$0x10080] =	vst v63  }
0x12c: {  	s30 =	simm.s32 $0xF080  }
0x12d: {  	[tilespmem:s30], [sflag:$0x1] =	stream.indirect_vreg.gather [hbm4b:s5+s2], $0x80, v3, vm0, $0xb8;
	[tilespmem:$0x10080] =	vst v63  }
0x12e: {  	s26 =	simm.s32 $0xF880  }
0x12f: {  	[tilespmem:s26], [sflag:$0x1] =	stream.indirect_vreg.gather [hbm4b:s6+s2], $0x80, v3, vm0, $0xb8;
	[tilespmem:$0x10080] =	vst v63  }
0x130: {  	_ =	swait.ge [sflag:s18], $0x10000  }
0x131: {  	[sflag:s18] =	ssyncset.done $0x0  }
0x132: {  	s29 =	rddreg [dreg:$0x7];
	[sflag:s18] =	ssyncadd.s32 $0xFFFF0000  }
0x133: {  	[hbm4b:s29+s2] =	stream.linear.scatter [tilespmem:s23], [sflag:$0x2], $0x10000, $0x38;
	[tilespmem:$0x10080] =	vst v63  }
0x134: {  	_ =	swait.ge [sflag:s8], $0x10000  }
0x135: {  	[sflag:s8] =	ssyncset.done $0x0  }
0x136: {  	s30 =	rddreg [dreg:$0x8];
	[sflag:s8] =	ssyncadd.s32 $0xFFFF0000  }
0x137: {  	[tilespmem:s2], [sflag:$0x2] =	stream.linear.gather [hbm4b:s30+s2], $0x40, $0x38;
	[tilespmem:$0x10080] =	vst v63  }
0x138: {  	_ =	swait.ge [sflag:s8], $0x40  }
0x139: {  	[sflag:s8] =	ssyncset.done $0x0  }
0x13a: {  	[sflag:s8] =	ssyncadd.s32 $0xFFFFFFC0  }
0x13b: {  	v3 =	vld [tilespmem:$0x0];
	_ =	sdelay $0x4  }
0x13c: {  	v60 =	vshll.u32 v3, $0x3  }
0x13d: {  	v3 =	vand.u32 $0x7, v3;
	v4 =	vand.u32 $0xFFFFFFC0, v60  }
0x13e: {  	v3 =	vor.u32 v3, v4  }
0x13f: {  	v4 =	vperm.xlane v3, v0;
	_ =	sdelay $0x1  }
0x140: {  	v4 =	vadd.s32 v1, v4;
	_ =	sdelay $0x4  }
0x141: {  	[tilespmem:s23], [sflag:$0x1] =	stream.indirect_vreg.gather [hbm4b:s3+s2], $0x80, v4, vm0, $0xb8;
	[tilespmem:$0x10080] =	vst v63  }
0x142: {  	s29 =	simm.s32 $0x880;
	v3 =	vperm.xlane v3, v2  }
0x143: {  	[tilespmem:s29], [sflag:$0x1] =	stream.indirect_vreg.gather [hbm4b:s4+s2], $0x80, v4, vm0, $0xb8;
	[tilespmem:$0x10080] =	vst v63  }
0x144: {  	s21 =	simm.s32 $0x1080;
	v3 =	vadd.s32 v1, v3  }
0x145: {  	[tilespmem:s21], [sflag:$0x1] =	stream.indirect_vreg.gather [hbm4b:s5+s2], $0x80, v4, vm0, $0xb8;
	[tilespmem:$0x10080] =	vst v63  }
0x146: {  	s30 =	simm.s32 $0x1880  }
0x147: {  	[tilespmem:s30], [sflag:$0x1] =	stream.indirect_vreg.gather [hbm4b:s6+s2], $0x80, v4, vm0, $0xb8;
	[tilespmem:$0x10080] =	vst v63  }
0x148: {  	s21 =	simm.s32 $0x2080  }
0x149: {  	[tilespmem:s21], [sflag:$0x1] =	stream.indirect_vreg.gather [hbm4b:s3+s2], $0x80, v3, vm0, $0xb8;
	[tilespmem:$0x10080] =	vst v63  }
0x14a: {  	s29 =	simm.s32 $0x2880  }
0x14b: {  	[tilespmem:s29], [sflag:$0x1] =	stream.indirect_vreg.gather [hbm4b:s4+s2], $0x80, v3, vm0, $0xb8;
	[tilespmem:$0x10080] =	vst v63  }
0x14c: {  	s30 =	simm.s32 $0x3080  }
0x14d: {  	[tilespmem:s30], [sflag:$0x1] =	stream.indirect_vreg.gather [hbm4b:s5+s2], $0x80, v3, vm0, $0xb8;
	[tilespmem:$0x10080] =	vst v63  }
0x14e: {  	s21 =	simm.s32 $0x3880  }
0x14f: {  	[tilespmem:s21], [sflag:$0x1] =	stream.indirect_vreg.gather [hbm4b:s6+s2], $0x80, v3, vm0, $0xb8;
	[tilespmem:$0x10080] =	vst v63  }
0x150: {  	v3 =	vld [tilespmem:$0x10];
	_ =	sdelay $0x4  }
0x151: {  	v61 =	vshll.u32 v3, $0x3  }
0x152: {  	v3 =	vand.u32 $0x7, v3;
	v4 =	vand.u32 $0xFFFFFFC0, v61  }
0x153: {  	v3 =	vor.u32 v3, v4  }
0x154: {  	v4 =	vperm.xlane v3, v0;
	_ =	sdelay $0x1  }
0x155: {  	v4 =	vadd.s32 v1, v4;
	_ =	sdelay $0x3  }
0x156: {  	s16 =	simm.s32 $0x4080  }
0x157: {  	[tilespmem:s16], [sflag:$0x1] =	stream.indirect_vreg.gather [hbm4b:s3+s2], $0x80, v4, vm0, $0xb8;
	[tilespmem:$0x10080] =	vst v63  }
0x158: {  	s29 =	simm.s32 $0x4880;
	v3 =	vperm.xlane v3, v2  }
0x159: {  	[tilespmem:s29], [sflag:$0x1] =	stream.indirect_vreg.gather [hbm4b:s4+s2], $0x80, v4, vm0, $0xb8;
	[tilespmem:$0x10080] =	vst v63  }
0x15a: {  	s30 =	simm.s32 $0x5080;
	v3 =	vadd.s32 v1, v3  }
0x15b: {  	[tilespmem:s30], [sflag:$0x1] =	stream.indirect_vreg.gather [hbm4b:s5+s2], $0x80, v4, vm0, $0xb8;
	[tilespmem:$0x10080] =	vst v63  }
0x15c: {  	s17 =	simm.s32 $0x5880  }
0x15d: {  	[tilespmem:s17], [sflag:$0x1] =	stream.indirect_vreg.gather [hbm4b:s6+s2], $0x80, v4, vm0, $0xb8;
	[tilespmem:$0x10080] =	vst v63  }
0x15e: {  	s0 =	simm.s32 $0x6080  }
0x15f: {  	[tilespmem:s0], [sflag:$0x1] =	stream.indirect_vreg.gather [hbm4b:s3+s2], $0x80, v3, vm0, $0xb8;
	[tilespmem:$0x10080] =	vst v63  }
0x160: {  	s1 =	simm.s32 $0x6880  }
0x161: {  	[tilespmem:s1], [sflag:$0x1] =	stream.indirect_vreg.gather [hbm4b:s4+s2], $0x80, v3, vm0, $0xb8;
	[tilespmem:$0x10080] =	vst v63  }
0x162: {  	s9 =	simm.s32 $0x7080  }
0x163: {  	[tilespmem:s9], [sflag:$0x1] =	stream.indirect_vreg.gather [hbm4b:s5+s2], $0x80, v3, vm0, $0xb8;
	[tilespmem:$0x10080] =	vst v63  }
0x164: {  	s13 =	simm.s32 $0x7880  }
0x165: {  	[tilespmem:s13], [sflag:$0x1] =	stream.indirect_vreg.gather [hbm4b:s6+s2], $0x80, v3, vm0, $0xb8;
	[tilespmem:$0x10080] =	vst v63  }
0x166: {  	v3 =	vld [tilespmem:$0x20];
	_ =	sdelay $0x4  }
0x167: {  	v62 =	vshll.u32 v3, $0x3  }
0x168: {  	v3 =	vand.u32 $0x7, v3;
	v4 =	vand.u32 $0xFFFFFFC0, v62  }
0x169: {  	v3 =	vor.u32 v3, v4  }
0x16a: {  	v4 =	vperm.xlane v3, v0;
	_ =	sdelay $0x1  }
0x16b: {  	v4 =	vadd.s32 v1, v4;
	_ =	sdelay $0x3  }
0x16c: {  	s14 =	simm.s32 $0x8080  }
0x16d: {  	[tilespmem:s14], [sflag:$0x1] =	stream.indirect_vreg.gather [hbm4b:s3+s2], $0x80, v4, vm0, $0xb8;
	[tilespmem:$0x10080] =	vst v63  }
0x16e: {  	s15 =	simm.s32 $0x8880;
	v3 =	vperm.xlane v3, v2  }
0x16f: {  	[tilespmem:s15], [sflag:$0x1] =	stream.indirect_vreg.gather [hbm4b:s4+s2], $0x80, v4, vm0, $0xb8;
	[tilespmem:$0x10080] =	vst v63  }
0x170: {  	s10 =	simm.s32 $0x9080;
	v3 =	vadd.s32 v1, v3  }
0x171: {  	[tilespmem:s10], [sflag:$0x1] =	stream.indirect_vreg.gather [hbm4b:s5+s2], $0x80, v4, vm0, $0xb8;
	[tilespmem:$0x10080] =	vst v63  }
0x172: {  	s11 =	simm.s32 $0x9880  }
0x173: {  	[tilespmem:s11], [sflag:$0x1] =	stream.indirect_vreg.gather [hbm4b:s6+s2], $0x80, v4, vm0, $0xb8;
	[tilespmem:$0x10080] =	vst v63  }
0x174: {  	s12 =	simm.s32 $0xA080  }
0x175: {  	[tilespmem:s12], [sflag:$0x1] =	stream.indirect_vreg.gather [hbm4b:s3+s2], $0x80, v3, vm0, $0xb8;
	[tilespmem:$0x10080] =	vst v63  }
0x176: {  	s31 =	simm.s32 $0xA880  }
0x177: {  	[tilespmem:s31], [sflag:$0x1] =	stream.indirect_vreg.gather [hbm4b:s4+s2], $0x80, v3, vm0, $0xb8;
	[tilespmem:$0x10080] =	vst v63  }
0x178: {  	s19 =	simm.s32 $0xB080  }
0x179: {  	[tilespmem:s19], [sflag:$0x1] =	stream.indirect_vreg.gather [hbm4b:s5+s2], $0x80, v3, vm0, $0xb8;
	[tilespmem:$0x10080] =	vst v63  }
0x17a: {  	s21 =	simm.s32 $0xB880  }
0x17b: {  	[tilespmem:s21], [sflag:$0x1] =	stream.indirect_vreg.gather [hbm4b:s6+s2], $0x80, v3, vm0, $0xb8;
	[tilespmem:$0x10080] =	vst v63  }
0x17c: {  	v3 =	vld [tilespmem:$0x30];
	_ =	sdelay $0x4  }
0x17d: {  	v63 =	vshll.u32 v3, $0x3  }
0x17e: {  	v3 =	vand.u32 $0x7, v3;
	v4 =	vand.u32 $0xFFFFFFC0, v63  }
0x17f: {  	v3 =	vor.u32 v3, v4  }
0x180: {  	v4 =	vperm.xlane v3, v0;
	_ =	sdelay $0x1  }
0x181: {  	v4 =	vadd.s32 v1, v4;
	_ =	sdelay $0x3  }
0x182: {  	s29 =	simm.s32 $0xC080  }
0x183: {  	[tilespmem:s29], [sflag:$0x1] =	stream.indirect_vreg.gather [hbm4b:s3+s2], $0x80, v4, vm0, $0xb8;
	[tilespmem:$0x10080] =	vst v63  }
0x184: {  	s30 =	simm.s32 $0xC880;
	v3 =	vperm.xlane v3, v2  }
0x185: {  	[tilespmem:s30], [sflag:$0x1] =	stream.indirect_vreg.gather [hbm4b:s4+s2], $0x80, v4, vm0, $0xb8;
	[tilespmem:$0x10080] =	vst v63  }
0x186: {  	s28 =	simm.s32 $0xD080;
	v3 =	vadd.s32 v1, v3  }
0x187: {  	[tilespmem:s28], [sflag:$0x1] =	stream.indirect_vreg.gather [hbm4b:s5+s2], $0x80, v4, vm0, $0xb8;
	[tilespmem:$0x10080] =	vst v63  }
0x188: {  	s20 =	simm.s32 $0xD880  }
0x189: {  	[tilespmem:s20], [sflag:$0x1] =	stream.indirect_vreg.gather [hbm4b:s6+s2], $0x80, v4, vm0, $0xb8;
	[tilespmem:$0x10080] =	vst v63  }
0x18a: {  	s24 =	simm.s32 $0xE080  }
0x18b: {  	[tilespmem:s24], [sflag:$0x1] =	stream.indirect_vreg.gather [hbm4b:s3+s2], $0x80, v3, vm0, $0xb8;
	[tilespmem:$0x10080] =	vst v63  }
0x18c: {  	s22 =	simm.s32 $0xE880  }
0x18d: {  	[tilespmem:s22], [sflag:$0x1] =	stream.indirect_vreg.gather [hbm4b:s4+s2], $0x80, v3, vm0, $0xb8;
	[tilespmem:$0x10080] =	vst v63  }
0x18e: {  	s25 =	simm.s32 $0xF080  }
0x18f: {  	[tilespmem:s25], [sflag:$0x1] =	stream.indirect_vreg.gather [hbm4b:s5+s2], $0x80, v3, vm0, $0xb8;
	[tilespmem:$0x10080] =	vst v63  }
0x190: {  	s26 =	simm.s32 $0xF880  }
0x191: {  	[tilespmem:s26], [sflag:$0x1] =	stream.indirect_vreg.gather [hbm4b:s6+s2], $0x80, v3, vm0, $0xb8;
	[tilespmem:$0x10080] =	vst v63  }
0x192: {  	_ =	swait.ge [sflag:s18], $0x10000  }
0x193: {  	p0 =	sne.s32 s7, $0x1;
	[sflag:s18] =	ssyncset.done $0x0  }
.Ltmp0:
0x194: {  	s31 =	rddreg [dreg:$0x9];
	[sflag:s18] =	ssyncadd.s32 $0xFFFF0000;
	(pc) =	sbr.rel @p0 .LBB2_1-.Ltmp0, $4  }
0x195: {  	[hbm4b:s31+s2] =	stream.linear.scatter [tilespmem:s23], [sflag:$0x2], $0x10000, $0x38;
	[tilespmem:$0x10080] =	vst v63  }
0x196: {  	_ =	swait.ge [sflag:s8], $0x10000  }
0x197: {  	[sflag:s8] =	ssyncset.done $0x0  }
0x198: {  	s7 =	sadd.s32 $0xFFFFFFFF, s7;
	[sflag:s8] =	ssyncadd.s32 $0xFFFF0000  }
0x199: {  	_ =	sfence.sel $0x180000  }
0x19a: {  	[bflag:$0x0] =	sbarrier.arrive $0xFFFF  }
0x19b: {  	_ =	strace $0x90000053  }
0x19c: {  	s0 =	stileid.u32;
	[bflag:$0x2] =	sbarrier.arrive $0xFFFF  }
0x19d: {  	p0 =	sne.s32 s0, $0x0;
	s0 =	rddreg [dreg:$0x1]  }
0x19e: {  	s0 =	sadd.s32 @!p0 $0x100000, s0  }
0x19f: {  	[sflag:s0] =	ssyncadd.tile.s32 @!p0 $0x1;
	_ =	shalt  }
.Lfunc_end2:
_tile_overlayer_lowered:
.L_overlay_start_2:
0x1a0: {  	(tag) =	ssettag $0x2  }
0x1a1: {  	s0 =	rddreg [dreg:$0x0];
	s2 =	stileid.u32  }
0x1a2: {  	s1 =	rddreg [dreg:$0x1];
	p0 =	sne.s32 s2, $0x0  }
0x1a3: {  	s3 =	rddreg [dreg:$0x2];
	[bflag:$0x3] =	sbarrier.arrive $0xFFFF;
	s2 =	simm.s32 @!p0 $0x1C02  }
0x1a4: {  	[timem:s3], [sflag:s2] =	dma.local @!p0 [hbm:s0], s1  }
0x1a5: {  	s0 =	simm.s32 @!p0 $0x2  }
0x1a6: {  	_ =	swait.ge @!p0 [sflag:s0], s1  }
0x1a7: {  	s1 =	ssub.s32 @!p0 $0x0, s1;
	[sflag:s0] =	ssyncset.done @!p0 $0x0  }
0x1a8: {  	[sflag:s0] =	ssyncadd.s32 @!p0 s1  }
0x1a9: {  	[bflag:$0x3] =	sbarrier.arrive $0xFFFF  }
0x1aa: {  	_ =	shalt  }

// kernel: kernel.7.cloned.1.call-start
scs
__scs_entry_jumppad:
0x0: {  	(pc) =	sbr.rel $0x88, $3  }
0x1: {  	(tag) =	ssettag $0x0;
	lr =	simm.s32 $0x1  }
0x2: {  	[smem:$0x3F9C] =	sst lr;
	_ =	strace $0xD0000000  }
0x3: {  	_ = 	snop  }
0x4: {  	_ = 	snop  }
0x5: {  	_ = 	snop  }
0x6: {  	_ = 	snop  }
0x7: {  	_ = 	snop  }
__scs_overlays_trampoline_lowered:
0x8: {  	[smem:$0x3FAB] =	sst s0  }
0x9: {  	[smem:$0x3FAC] =	sst s1  }
0xa: {  	[smem:$0x3FAD] =	sst s2  }
0xb: {  	[smem:$0x3FAE] =	sst s3  }
0xc: {  	[smem:$0x3FAF] =	sst s4  }
0xd: {  	[smem:$0x3FB0] =	sst s5  }
0xe: {  	[smem:$0x3FB1] =	sst s6  }
0xf: {  	[smem:$0x3FB2] =	sst s7  }
0x10: {  	[smem:$0x3FB3] =	sst s8  }
0x11: {  	[smem:$0x3FB4] =	sst s9;
	s0 =	simm.s32 @!p0 $0x0  }
0x12: {  	s1 =	sld [smem:$0x3F9A];
	s0 =	simm.s32 @p0 $0x1  }
0x13: {  	[smem:$0x3FB5] =	sst s0;
	s0 =	simm.s32 @!p1 $0x0  }
0x14: {  	s2 =	sld [smem:$0x3F99];
	s0 =	simm.s32 @p1 $0x1  }
0x15: {  	[smem:$0x3FB6] =	sst s0;
	s0 =	simm.s32 @!p2 $0x0  }
0x16: {  	s3 =	sld [smem:$0x3FDB];
	s0 =	simm.s32 @p2 $0x1  }
0x17: {  	s4 =	simm.s32 $0x1BF5;
	[smem:$0x3FB8] =	sst s0  }
0x18: {  	s0 =	sld [smem:$0x3F9B];
	_ =	swait.ge [sflag:s4], $0x0  }
0x19: {  	s7 =	sld [smem:$0x3F9C]  }
0x1a: {  	s8 =	sadd.s32 $0xFFFFE003, lr  }
0x1b: {  	s9 =	sadd.s32 $0xFFFFFEF7, lr;
	s5 =	simm.s32 $0xFFFFFFFF;
	p2 =	slt.u32 s8, $0xFFFFF086  }
0x1c: {  	p1 =	slt.u32 s9, $0xF7A;
	s5 =	simm.s32 @!p2 $0x0  }
0x1d: {  	s5 =	simm.s32 @p1 $0x1;
	p0 =	seq.s32 s7, s2  }
0x1e: {  	s7 =	smul.u32 @!p0 $0xF7A, s2;
	p2 =	seq.s32 @!p0 s5, $0x0  }
0x1f: {  	s9 =	smul.u32 $0xF7A, s1;
	s8 =	simm.s32 @!p0 $0x1BF5;
	p2 =	por !p2, p0  }
0x20: {  	[sflag:s8] =	ssyncset.s32 @!p0 $0xFFFFF086;
	s6 =	sadd.s32 @!p0 s3, s7;
	s7 =	simm.s32 @!p0 $0x108  }
0x21: {  	s3 =	sadd.s32 s3, s9;
	s6 =	sadd.s32 @!p0 $0x88, s6;
	s7 =	simm.s32 @p2 $0x1082  }
0x22: {  	[simem:s7], [sflag:s8] =	dma.local @!p0 [hbm:s6], $0xF7A  }
0x23: {  	s9 =	sor.u32 $0xD0000000, s2;
	s6 =	simm.s32 $0x108;
	_ =	swait.ge @!p0 [sflag:s8], $0x0  }
0x24: {  	s3 =	sadd.s32 $0x88, s3;
	s6 =	simm.s32 @!p1 $0x1082;
	[sflag:s4] =	ssyncset.s32 $0xFFFFF086  }
0x25: {  	[simem:s6], [sflag:s4] =	dma.local [hbm:s3], $0xF7A  }
0x26: {  	[smem:$0x3F9C] =	sst s1;
	(tag) =	ssettag s2;
	_ =	strace s9  }
0x27: {  	s1 =	sld [smem:$0x3FAC]  }
0x28: {  	s2 =	sld [smem:$0x3FAD]  }
0x29: {  	s4 =	sld [smem:$0x3FAF]  }
0x2a: {  	p0 =	seq.s32 s5, $0x0;
	s5 =	sld [smem:$0x3FB0]  }
0x2b: {  	s6 =	sld [smem:$0x3FB1]  }
0x2c: {  	s7 =	sld [smem:$0x3FB2]  }
0x2d: {  	s3 =	simm.s32 $0x108;
	s8 =	sld [smem:$0x3FB3]  }
0x2e: {  	s3 =	simm.s32 @!p0 $0x1082;
	s9 =	sld [smem:$0x3FB4]  }
0x2f: {  	lr =	sadd.s32 s0, s3;
	s0 =	sld [smem:$0x3FAB]  }
0x30: {  	s3 =	sld [smem:$0x3FAE]  }
0x31: {  	[smem:$0x3FB7] =	sst s10  }
0x32: {  	s10 =	sld [smem:$0x3FB5];
	_ =	sdelay $0x3  }
0x33: {  	p0 =	seq.s32 s10, $0x1;
	s10 =	sld [smem:$0x3FB7];
	_ =	sdelay $0x3  }
0x34: {  	[smem:$0x3FB7] =	sst s10  }
0x35: {  	s10 =	sld [smem:$0x3FB6];
	_ =	sdelay $0x3  }
0x36: {  	p1 =	seq.s32 s10, $0x1;
	s10 =	sld [smem:$0x3FB7];
	_ =	sdelay $0x3  }
0x37: {  	[smem:$0x3FB7] =	sst s10  }
0x38: {  	s10 =	sld [smem:$0x3FB8]  }
0x39: {  	_ = 	snop;
	(pc) =	sbr.ind lr, $3  }
0x3a: {  	_ = 	snop  }
0x3b: {  	_ = 	snop  }
0x3c: {  	p2 =	seq.s32 s10, $0x1;
	s10 =	sld [smem:$0x3FB7]  }
0x3d: {  	_ =	shalt  }
0x3e: {  	_ =	shalt  }
0x3f: {  	_ =	shalt  }
0x40: {  	_ =	shalt  }
0x41: {  	_ =	shalt  }
0x42: {  	_ =	shalt  }
0x43: {  	_ =	shalt  }
0x44: {  	_ =	shalt  }
0x45: {  	_ =	shalt  }
0x46: {  	_ =	shalt  }
0x47: {  	_ =	shalt  }
0x48: {  	_ =	shalt  }
0x49: {  	_ =	shalt  }
0x4a: {  	_ =	shalt  }
0x4b: {  	_ =	shalt  }
0x4c: {  	_ =	shalt  }
0x4d: {  	_ =	shalt  }
0x4e: {  	_ =	shalt  }
0x4f: {  	_ =	shalt  }
0x50: {  	_ =	shalt  }
0x51: {  	_ =	shalt  }
0x52: {  	_ =	shalt  }
0x53: {  	_ =	shalt  }
0x54: {  	_ =	shalt  }
0x55: {  	_ =	shalt  }
0x56: {  	_ =	shalt  }
0x57: {  	_ =	shalt  }
0x58: {  	_ =	shalt  }
0x59: {  	_ =	shalt  }
0x5a: {  	_ =	shalt  }
0x5b: {  	_ =	shalt  }
0x5c: {  	_ =	shalt  }
0x5d: {  	_ =	shalt  }
0x5e: {  	_ =	shalt  }
0x5f: {  	_ =	shalt  }
0x60: {  	_ =	shalt  }
0x61: {  	_ =	shalt  }
0x62: {  	_ =	shalt  }
0x63: {  	_ =	shalt  }
0x64: {  	_ =	shalt  }
0x65: {  	_ =	shalt  }
0x66: {  	_ =	shalt  }
0x67: {  	_ =	shalt  }
0x68: {  	_ =	shalt  }
0x69: {  	_ =	shalt  }
0x6a: {  	_ =	shalt  }
0x6b: {  	_ =	shalt  }
0x6c: {  	_ =	shalt  }
0x6d: {  	_ =	shalt  }
0x6e: {  	_ =	shalt  }
0x6f: {  	_ =	shalt  }
0x70: {  	_ =	shalt  }
0x71: {  	_ =	shalt  }
0x72: {  	_ =	shalt  }
0x73: {  	_ =	shalt  }
0x74: {  	_ =	shalt  }
0x75: {  	_ =	shalt  }
0x76: {  	_ =	shalt  }
0x77: {  	_ =	shalt  }
0x78: {  	_ =	shalt  }
0x79: {  	_ =	shalt  }
0x7a: {  	_ =	shalt  }
0x7b: {  	_ =	shalt  }
0x7c: {  	_ =	shalt  }
0x7d: {  	_ =	shalt  }
0x7e: {  	_ =	shalt  }
0x7f: {  	_ =	shalt  }
0x80: {  	_ =	shalt  }
0x81: {  	_ =	shalt  }
0x82: {  	_ =	shalt  }
0x83: {  	_ =	shalt  }
0x84: {  	_ =	shalt  }
0x85: {  	_ =	shalt  }
0x86: {  	_ =	shalt  }
0x87: {  	_ =	shalt  }
.Lfunc_end0:
.L_simem_size_0:
called_computation.3_lowered:
.L_overlay_start_0:
0x88: {  	s2 =	sld [smem:$0x3FD9]  }
0x89: {  	s3 =	sld [smem:$0x3FFE];
	_ =	sdelay $0x1  }
0x8a: {  	s1 =	srdreg.scid  }
0x8b: {  	s0 =	sand.u32 $0x1, s1  }
0x8c: {  	s17 =	sshll.u32 s0, $0xA;
	s2 =	sadd.s32 s3, s2  }
0x8d: {  	s2 =	sadd.s32 s2, s17  }
0x8e: {  	[smem:$0x3FC3] =	sst s2  }
0x8f: {  	_ = 	snop  }
0x90: {  	s2 =	sld [smem:$0x3FC9];
	(tm) =	ssettm $0x1  }
0x91: {  	s18 =	sld [smem:$0x3FFB];
	_ =	sdelay $0x3  }
0x92: {  	_ =	strace s18  }
0x93: {  	s3 =	sld [smem:$0x3FFC];
	_ =	sdelay $0x3  }
0x94: {  	_ =	strace s3  }
0x95: {  	s3 =	sld [smem:$0x3FFD];
	_ =	sdelay $0x3  }
0x96: {  	_ =	strace s3  }
0x97: {  	_ =	strace $0x8FFFFFFF  }
0x98: {  	s19 =	sld [smem:$0x3FDB];
	_ =	sdelay $0x1  }
0x99: {  	s4 =	simm.s32 $_scs_section_size  }
0x9a: {  	s5 =	simm.s32 $_size__tile_overlayer_lowered;
	s6 =	simm.s32 $_tile_overlayer_lowered  }
0x9b: {  	s22 =	simm.s32 $0x1BFF;
	s21 =	sshll.u32 s6, $0x1;
	s3 =	sadd.s32 s4, s19  }
0x9c: {  	s7 =	simm.s32 $0x0;
	s20 =	sshll.u32 s5, $0x1;
	s5 =	sadd.s32 s21, s3  }
0x9d: {  	[timem:s7], [sflag:s22] =	dma.local [hbm:s5], s20  }
0x9e: {  	_ =	swait.ge [sflag:s22], s20  }
0x9f: {  	s4 =	ssub.s32 $0x0, s20;
	[sflag:s22] =	ssyncset.done $0x0  }
0xa0: {  	[sflag:s22] =	ssyncadd.s32 s4;
	_ =	sdelay $0x1  }
0xa1: {  	s23 =	simm.s32 $0x1B8B  }
0xa2: {  	_ =	swait.ge [sflag:s23], $0x1  }
0xa3: {  	[sflag:s23] =	ssyncset.done $0x0  }
0xa4: {  	s25 =	simm.s32 $0x1B8E;
	s24 =	sld [smem:$0x3FFE];
	[sflag:s23] =	ssyncadd.s32 $0xFFFFFFFF  }
0xa5: {  	s26 =	simm.s32 $execute0_lowered;
	[smem:$0x3FD2] =	sst s25  }
0xa6: {  	s5 =	sshll.u32 s26, $0x1;
	_ =	strace $0x8000004F;
	[dreg:$0x1] =	wrdreg $0xFFFFFFFF  }
0xa7: {  	s28 =	simm.s32 $_size_execute0_lowered;
	s3 =	sadd.s32 s3, s5;
	[dreg:$0x0] =	wrdreg $0x0  }
0xa8: {  	s5 =	sshll.u32 s28, $0x1;
	[dreg:$0x2] =	wrdreg s3  }
0xa9: {  	[dreg:$0x3] =	wrdreg s5  }
0xaa: {  	[dreg:$0x4] =	wrdreg $0xC0  }
0xab: {  	_ =	task [dreg:s7], $0x5FFFF  }
0xac: {  	[dreg:$0x1] =	wrdreg $0xFFFFFFFF  }
0xad: {  	[dreg:$0x0] =	wrdreg $0x60  }
0xae: {  	[dreg:$0x2] =	wrdreg s2  }
0xaf: {  	[dreg:$0x3] =	wrdreg s24  }
0xb0: {  	[dreg:$0x4] =	wrdreg $0x9  }
0xb1: {  	_ =	task.clear_ibuf [dreg:s7], $0x5FFFF;
	_ =	strace $0x9000004F  }
0xb2: {  	s29 =	simm.s32 $0x9;
	_ =	strace $0x80000051  }
0xb3: {  	_ =	swait.ge [sflag:s29], $0x1  }
0xb4: {  	[sflag:s29] =	ssyncadd.s32 $0xFFFFFFFF  }
0xb5: {  	_ =	strace $0x90000051  }
0xb6: {  	_ =	sfence  }
0xb7: {  	s30 =	sld [smem:$0x0];
	_ =	sdelay $0x2  }
0xb8: {  	s31 =	sshll.u32 s1, $0xD;
	s1 =	sshrl.u32 s1, $0x2  }
0xb9: {  	s3 =	sand.u32 $0x4000, s31;
	s1 =	sadd.s32 s1, s30  }
0xba: {  	s0 =	sor.u32 s3, s0;
	s1 =	sshll.u32 s1, $0x11  }
0xbb: {  	s0 =	sor.u32 s1, s0  }
0xbc: {  	s0 =	sadd.s32 $0x8F2B, s0  }
0xbd: {  	[sflag:s0] =	ssyncadd.remote.s32 $0x1  }
0xbe: {  	_ =	sfence.sel $0xFFFF  }
0xbf: {  	[dreg:$0x0] =	wrdreg $0xFFFFFFFF;
	(pc) =	sbr.abs _section_cstart, $3  }
0xc0: {  	[dreg:$0x1] =	wrdreg $0xFFFFFFFF  }
0xc1: {  	_ =	task.clear_ibuf [dreg:s7], $0x2FFFF;
	_ =	strace $0x9FFFFFFF  }
0xc2: {  	(tm) =	ssettm $0x7FFFFFFF  }
0xc3: {  	_ =	shalt  }
tec
execute0_lowered:
.L_overlay_start_1:
0x0: {  	(tag) =	ssettag $0x1  }
0x1: {  	s2 =	rddreg [dreg:$0x0]  }
0x2: {  	s0 =	srdreg.scid;
	s3 =	stileid.u32  }
0x3: {  	s1 =	rddreg [dreg:$0x1];
	s0 =	sand.u32 $0x1, s0;
	s4 =	sshll.u32 s3, $0x1  }
0x4: {  	s3 =	simm.s32 $0x0;
	s7 =	sadd.s32 $0xA00, s1;
	s4 =	sor.u32 s0, s4  }
0x5: {  	[smem:$0x7FF] =	sst s3;
	s0 =	ssub.s32 $0x2, s0;
	s6 =	smul.u32 $0x180, s4  }
0x6: {  	_ =	strace $0x80000050;
	s5 =	sshrl.u32 s0, $0x1;
	s4 =	smul.u32 $0xC000, s4  }
0x7: {  	s0 =	ssub.s32 s0, s5;
	s8 =	sshrl.u32 s6, $0x3;
	s15 =	sor.u32 $0x40, s6  }
0x8: {  	s4 =	sadd.s32 s7, s4;
	s19 =	sadd.s32 $0x80, s6;
	s9 =	sadd.s32 $0xC0, s6  }
0x9: {  	s25 =	sadd.s32 $0x100, s6;
	s6 =	sadd.s32 $0x140, s6;
	s14 =	sadd.s32 s1, s8  }
0xa: {  	s16 =	sshrl.u32 s15, $0x3;
	[dreg:$0x4] =	wrdreg s4;
	s18 =	sshll.u32 s15, $0x7  }
0xb: {  	s4 =	sadd.s32 $0x100, s2;
	s20 =	sshrl.u32 s19, $0x3;
	s8 =	sshll.u32 s19, $0x7  }
0xc: {  	s22 =	sshrl.u32 s9, $0x3;
	[dreg:$0x3] =	wrdreg s14;
	s17 =	sadd.s32 s1, s16  }
0xd: {  	s24 =	sshll.u32 s9, $0x7;
	s5 =	sadd.s32 s7, s18;
	[dreg:$0x5] =	wrdreg s17  }
0xe: {  	s26 =	sshrl.u32 s25, $0x3;
	s21 =	sadd.s32 s7, s8;
	[dreg:$0x6] =	wrdreg s5  }
0xf: {  	s9 =	sshll.u32 s25, $0x7;
	s23 =	sadd.s32 s1, s22;
	[dreg:$0x8] =	wrdreg s21  }
0x10: {  	s29 =	sshrl.u32 s6, $0x3;
	s8 =	sadd.s32 s7, s24;
	[dreg:$0x9] =	wrdreg s23  }
0x11: {  	s30 =	sshll.u32 s6, $0x7;
	s28 =	sadd.s32 s7, s9;
	[dreg:$0xa] =	wrdreg s8  }
0x12: {  	s6 =	sadd.s32 $0x300, s2;
	s31 =	sadd.s32 s7, s30;
	[dreg:$0xc] =	wrdreg s28  }
0x13: {  	s7 =	smax.u32 s0, $0x1;
	s5 =	sadd.s32 s1, s20;
	[dreg:$0xe] =	wrdreg s31  }
0x14: {  	v2 =	vlaneseq.u32;
	s14 =	simm.s32 $0x80;
	s8 =	sadd.s32 s1, s26;
	[dreg:$0x7] =	wrdreg s5  }
0x15: {  	vm0 =	vmmov $0xffff;
	v1 =	vshrl.u32 v2, $0x3;
	s18 =	simm.s32 $0x1;
	s1 =	sadd.s32 s1, s29;
	[dreg:$0xb] =	wrdreg s8  }
0x16: {  	v0 =	vand.u32 $0x7, v2;
	v2 =	vor.u32 $0x8, v2;
	v1 =	vmul.u32 $0x8, v1;
	s5 =	sadd.s32 $0x200, s2;
	[dreg:$0xd] =	wrdreg s1;
	s8 =	simm.s32 $0x2  }
.LBB2_1:
0x17: {  	s19 =	rddreg [dreg:$0x3]  }
0x18: {  	[tilespmem:s3], [sflag:$0x2] =	stream.linear.gather [hbm4b:s19+s3], $0x40, $0x38;
	[tilespmem:$0x10080] =	vst v63  }
0x19: {  	_ =	swait.ge [sflag:s8], $0x40  }
0x1a: {  	[sflag:s8] =	ssyncset.done $0x0  }
0x1b: {  	[sflag:s8] =	ssyncadd.s32 $0xFFFFFFC0  }
0x1c: {  	v3 =	vld [tilespmem:$0x0];
	_ =	sdelay $0x4  }
0x1d: {  	v4 =	vshll.u32 v3, $0x3  }
0x1e: {  	v3 =	vand.u32 $0x7, v3;
	v4 =	vand.u32 $0xFFFFFFC0, v4  }
0x1f: {  	v3 =	vor.u32 v3, v4  }
0x20: {  	v4 =	vperm.xlane v3, v0;
	_ =	sdelay $0x1  }
0x21: {  	v4 =	vadd.s32 v1, v4;
	_ =	sdelay $0x4  }
0x22: {  	[tilespmem:s14], [sflag:$0x1] =	stream.indirect_vreg.gather [hbm4b:s2+s3], $0x80, v4, vm0, $0xb8;
	[tilespmem:$0x10080] =	vst v63  }
0x23: {  	s0 =	simm.s32 $0x880;
	v3 =	vperm.xlane v3, v2  }
0x24: {  	[tilespmem:s0], [sflag:$0x1] =	stream.indirect_vreg.gather [hbm4b:s4+s3], $0x80, v4, vm0, $0xb8;
	[tilespmem:$0x10080] =	vst v63  }
0x25: {  	s10 =	simm.s32 $0x1080;
	v3 =	vadd.s32 v1, v3  }
0x26: {  	[tilespmem:s10], [sflag:$0x1] =	stream.indirect_vreg.gather [hbm4b:s5+s3], $0x80, v4, vm0, $0xb8;
	[tilespmem:$0x10080] =	vst v63  }
0x27: {  	s11 =	simm.s32 $0x1880  }
0x28: {  	[tilespmem:s11], [sflag:$0x1] =	stream.indirect_vreg.gather [hbm4b:s6+s3], $0x80, v4, vm0, $0xb8;
	[tilespmem:$0x10080] =	vst v63  }
0x29: {  	s12 =	simm.s32 $0x2080  }
0x2a: {  	[tilespmem:s12], [sflag:$0x1] =	stream.indirect_vreg.gather [hbm4b:s2+s3], $0x80, v3, vm0, $0xb8;
	[tilespmem:$0x10080] =	vst v63  }
0x2b: {  	s13 =	simm.s32 $0x2880  }
0x2c: {  	[tilespmem:s13], [sflag:$0x1] =	stream.indirect_vreg.gather [hbm4b:s4+s3], $0x80, v3, vm0, $0xb8;
	[tilespmem:$0x10080] =	vst v63  }
0x2d: {  	s15 =	simm.s32 $0x3080  }
0x2e: {  	[tilespmem:s15], [sflag:$0x1] =	stream.indirect_vreg.gather [hbm4b:s5+s3], $0x80, v3, vm0, $0xb8;
	[tilespmem:$0x10080] =	vst v63  }
0x2f: {  	s19 =	simm.s32 $0x3880  }
0x30: {  	[tilespmem:s19], [sflag:$0x1] =	stream.indirect_vreg.gather [hbm4b:s6+s3], $0x80, v3, vm0, $0xb8;
	[tilespmem:$0x10080] =	vst v63  }
0x31: {  	v3 =	vld [tilespmem:$0x10];
	_ =	sdelay $0x4  }
0x32: {  	v41 =	vshll.u32 v3, $0x3  }
0x33: {  	v3 =	vand.u32 $0x7, v3;
	v4 =	vand.u32 $0xFFFFFFC0, v41  }
0x34: {  	v3 =	vor.u32 v3, v4  }
0x35: {  	v4 =	vperm.xlane v3, v0;
	_ =	sdelay $0x1  }
0x36: {  	v4 =	vadd.s32 v1, v4;
	_ =	sdelay $0x3  }
0x37: {  	s21 =	simm.s32 $0x4080  }
0x38: {  	[tilespmem:s21], [sflag:$0x1] =	stream.indirect_vreg.gather [hbm4b:s2+s3], $0x80, v4, vm0, $0xb8;
	[tilespmem:$0x10080] =	vst v63  }
0x39: {  	s22 =	simm.s32 $0x4880;
	v3 =	vperm.xlane v3, v2  }
0x3a: {  	[tilespmem:s22], [sflag:$0x1] =	stream.indirect_vreg.gather [hbm4b:s4+s3], $0x80, v4, vm0, $0xb8;
	[tilespmem:$0x10080] =	vst v63  }
0x3b: {  	s23 =	simm.s32 $0x5080;
	v3 =	vadd.s32 v1, v3  }
0x3c: {  	[tilespmem:s23], [sflag:$0x1] =	stream.indirect_vreg.gather [hbm4b:s5+s3], $0x80, v4, vm0, $0xb8;
	[tilespmem:$0x10080] =	vst v63  }
0x3d: {  	s24 =	simm.s32 $0x5880  }
0x3e: {  	[tilespmem:s24], [sflag:$0x1] =	stream.indirect_vreg.gather [hbm4b:s6+s3], $0x80, v4, vm0, $0xb8;
	[tilespmem:$0x10080] =	vst v63  }
0x3f: {  	s25 =	simm.s32 $0x6080  }
0x40: {  	[tilespmem:s25], [sflag:$0x1] =	stream.indirect_vreg.gather [hbm4b:s2+s3], $0x80, v3, vm0, $0xb8;
	[tilespmem:$0x10080] =	vst v63  }
0x41: {  	s26 =	simm.s32 $0x6880  }
0x42: {  	[tilespmem:s26], [sflag:$0x1] =	stream.indirect_vreg.gather [hbm4b:s4+s3], $0x80, v3, vm0, $0xb8;
	[tilespmem:$0x10080] =	vst v63  }
0x43: {  	s30 =	simm.s32 $0x7080  }
0x44: {  	[tilespmem:s30], [sflag:$0x1] =	stream.indirect_vreg.gather [hbm4b:s5+s3], $0x80, v3, vm0, $0xb8;
	[tilespmem:$0x10080] =	vst v63  }
0x45: {  	s10 =	simm.s32 $0x7880  }
0x46: {  	[tilespmem:s10], [sflag:$0x1] =	stream.indirect_vreg.gather [hbm4b:s6+s3], $0x80, v3, vm0, $0xb8;
	[tilespmem:$0x10080] =	vst v63  }
0x47: {  	v3 =	vld [tilespmem:$0x20];
	_ =	sdelay $0x4  }
0x48: {  	v42 =	vshll.u32 v3, $0x3  }
0x49: {  	v3 =	vand.u32 $0x7, v3;
	v4 =	vand.u32 $0xFFFFFFC0, v42  }
0x4a: {  	v3 =	vor.u32 v3, v4  }
0x4b: {  	v4 =	vperm.xlane v3, v0;
	_ =	sdelay $0x1  }
0x4c: {  	v4 =	vadd.s32 v1, v4;
	_ =	sdelay $0x3  }
0x4d: {  	s11 =	simm.s32 $0x8080  }
0x4e: {  	[tilespmem:s11], [sflag:$0x1] =	stream.indirect_vreg.gather [hbm4b:s2+s3], $0x80, v4, vm0, $0xb8;
	[tilespmem:$0x10080] =	vst v63  }
0x4f: {  	s12 =	simm.s32 $0x8880;
	v3 =	vperm.xlane v3, v2  }
0x50: {  	[tilespmem:s12], [sflag:$0x1] =	stream.indirect_vreg.gather [hbm4b:s4+s3], $0x80, v4, vm0, $0xb8;
	[tilespmem:$0x10080] =	vst v63  }
0x51: {  	s13 =	simm.s32 $0x9080;
	v3 =	vadd.s32 v1, v3  }
0x52: {  	[tilespmem:s13], [sflag:$0x1] =	stream.indirect_vreg.gather [hbm4b:s5+s3], $0x80, v4, vm0, $0xb8;
	[tilespmem:$0x10080] =	vst v63  }
0x53: {  	s15 =	simm.s32 $0x9880  }
0x54: {  	[tilespmem:s15], [sflag:$0x1] =	stream.indirect_vreg.gather [hbm4b:s6+s3], $0x80, v4, vm0, $0xb8;
	[tilespmem:$0x10080] =	vst v63  }
0x55: {  	s19 =	simm.s32 $0xA080  }
0x56: {  	[tilespmem:s19], [sflag:$0x1] =	stream.indirect_vreg.gather [hbm4b:s2+s3], $0x80, v3, vm0, $0xb8;
	[tilespmem:$0x10080] =	vst v63  }
0x57: {  	s22 =	simm.s32 $0xA880  }
0x58: {  	[tilespmem:s22], [sflag:$0x1] =	stream.indirect_vreg.gather [hbm4b:s4+s3], $0x80, v3, vm0, $0xb8;
	[tilespmem:$0x10080] =	vst v63  }
0x59: {  	s23 =	simm.s32 $0xB080  }
0x5a: {  	[tilespmem:s23], [sflag:$0x1] =	stream.indirect_vreg.gather [hbm4b:s5+s3], $0x80, v3, vm0, $0xb8;
	[tilespmem:$0x10080] =	vst v63  }
0x5b: {  	s24 =	simm.s32 $0xB880  }
0x5c: {  	[tilespmem:s24], [sflag:$0x1] =	stream.indirect_vreg.gather [hbm4b:s6+s3], $0x80, v3, vm0, $0xb8;
	[tilespmem:$0x10080] =	vst v63  }
0x5d: {  	v3 =	vld [tilespmem:$0x30];
	_ =	sdelay $0x4  }
0x5e: {  	v43 =	vshll.u32 v3, $0x3  }
0x5f: {  	v3 =	vand.u32 $0x7, v3;
	v4 =	vand.u32 $0xFFFFFFC0, v43  }
0x60: {  	v3 =	vor.u32 v3, v4  }
0x61: {  	v4 =	vperm.xlane v3, v0;
	_ =	sdelay $0x1  }
0x62: {  	v4 =	vadd.s32 v1, v4;
	_ =	sdelay $0x3  }
0x63: {  	s25 =	simm.s32 $0xC080  }
0x64: {  	[tilespmem:s25], [sflag:$0x1] =	stream.indirect_vreg.gather [hbm4b:s2+s3], $0x80, v4, vm0, $0xb8;
	[tilespmem:$0x10080] =	vst v63  }
0x65: {  	s26 =	simm.s32 $0xC880;
	v3 =	vperm.xlane v3, v2  }
0x66: {  	[tilespmem:s26], [sflag:$0x1] =	stream.indirect_vreg.gather [hbm4b:s4+s3], $0x80, v4, vm0, $0xb8;
	[tilespmem:$0x10080] =	vst v63  }
0x67: {  	s30 =	simm.s32 $0xD080;
	v3 =	vadd.s32 v1, v3  }
0x68: {  	[tilespmem:s30], [sflag:$0x1] =	stream.indirect_vreg.gather [hbm4b:s5+s3], $0x80, v4, vm0, $0xb8;
	[tilespmem:$0x10080] =	vst v63  }
0x69: {  	s0 =	simm.s32 $0xD880  }
0x6a: {  	[tilespmem:s0], [sflag:$0x1] =	stream.indirect_vreg.gather [hbm4b:s6+s3], $0x80, v4, vm0, $0xb8;
	[tilespmem:$0x10080] =	vst v63  }
0x6b: {  	s13 =	simm.s32 $0xE080  }
0x6c: {  	[tilespmem:s13], [sflag:$0x1] =	stream.indirect_vreg.gather [hbm4b:s2+s3], $0x80, v3, vm0, $0xb8;
	[tilespmem:$0x10080] =	vst v63  }
0x6d: {  	s24 =	simm.s32 $0xE880  }
0x6e: {  	[tilespmem:s24], [sflag:$0x1] =	stream.indirect_vreg.gather [hbm4b:s4+s3], $0x80, v3, vm0, $0xb8;
	[tilespmem:$0x10080] =	vst v63  }
0x6f: {  	s25 =	simm.s32 $0xF080  }
0x70: {  	[tilespmem:s25], [sflag:$0x1] =	stream.indirect_vreg.gather [hbm4b:s5+s3], $0x80, v3, vm0, $0xb8;
	[tilespmem:$0x10080] =	vst v63  }
0x71: {  	s26 =	simm.s32 $0xF880  }
0x72: {  	[tilespmem:s26], [sflag:$0x1] =	stream.indirect_vreg.gather [hbm4b:s6+s3], $0x80, v3, vm0, $0xb8;
	[tilespmem:$0x10080] =	vst v63  }
0x73: {  	_ =	swait.ge [sflag:s18], $0x10000  }
0x74: {  	[sflag:s18] =	ssyncset.done $0x0  }
0x75: {  	s30 =	rddreg [dreg:$0x4];
	[sflag:s18] =	ssyncadd.s32 $0xFFFF0000  }
0x76: {  	[hbm4b:s30+s3] =	stream.linear.scatter [tilespmem:s14], [sflag:$0x2], $0x10000, $0x38;
	[tilespmem:$0x10080] =	vst v63  }
0x77: {  	_ =	swait.ge [sflag:s8], $0x10000  }
0x78: {  	[sflag:s8] =	ssyncset.done $0x0  }
0x79: {  	s0 =	rddreg [dreg:$0x5];
	[sflag:s8] =	ssyncadd.s32 $0xFFFF0000  }
0x7a: {  	[tilespmem:s3], [sflag:$0x2] =	stream.linear.gather [hbm4b:s0+s3], $0x40, $0x38;
	[tilespmem:$0x10080] =	vst v63  }
0x7b: {  	_ =	swait.ge [sflag:s8], $0x40  }
0x7c: {  	[sflag:s8] =	ssyncset.done $0x0  }
0x7d: {  	[sflag:s8] =	ssyncadd.s32 $0xFFFFFFC0  }
0x7e: {  	v3 =	vld [tilespmem:$0x0];
	_ =	sdelay $0x4  }
0x7f: {  	v44 =	vshll.u32 v3, $0x3  }
0x80: {  	v3 =	vand.u32 $0x7, v3;
	v4 =	vand.u32 $0xFFFFFFC0, v44  }
0x81: {  	v3 =	vor.u32 v3, v4  }
0x82: {  	v4 =	vperm.xlane v3, v0;
	_ =	sdelay $0x1  }
0x83: {  	v4 =	vadd.s32 v1, v4;
	_ =	sdelay $0x4  }
0x84: {  	[tilespmem:s14], [sflag:$0x1] =	stream.indirect_vreg.gather [hbm4b:s2+s3], $0x80, v4, vm0, $0xb8;
	[tilespmem:$0x10080] =	vst v63  }
0x85: {  	s28 =	simm.s32 $0x880;
	v3 =	vperm.xlane v3, v2  }
0x86: {  	[tilespmem:s28], [sflag:$0x1] =	stream.indirect_vreg.gather [hbm4b:s4+s3], $0x80, v4, vm0, $0xb8;
	[tilespmem:$0x10080] =	vst v63  }
0x87: {  	s1 =	simm.s32 $0x1080;
	v3 =	vadd.s32 v1, v3  }
0x88: {  	[tilespmem:s1], [sflag:$0x1] =	stream.indirect_vreg.gather [hbm4b:s5+s3], $0x80, v4, vm0, $0xb8;
	[tilespmem:$0x10080] =	vst v63  }
0x89: {  	s9 =	simm.s32 $0x1880  }
0x8a: {  	[tilespmem:s9], [sflag:$0x1] =	stream.indirect_vreg.gather [hbm4b:s6+s3], $0x80, v4, vm0, $0xb8;
	[tilespmem:$0x10080] =	vst v63  }
0x8b: {  	s16 =	simm.s32 $0x2080  }
0x8c: {  	[tilespmem:s16], [sflag:$0x1] =	stream.indirect_vreg.gather [hbm4b:s2+s3], $0x80, v3, vm0, $0xb8;
	[tilespmem:$0x10080] =	vst v63  }
0x8d: {  	s17 =	simm.s32 $0x2880  }
0x8e: {  	[tilespmem:s17], [sflag:$0x1] =	stream.indirect_vreg.gather [hbm4b:s4+s3], $0x80, v3, vm0, $0xb8;
	[tilespmem:$0x10080] =	vst v63  }
0x8f: {  	s20 =	simm.s32 $0x3080  }
0x90: {  	[tilespmem:s20], [sflag:$0x1] =	stream.indirect_vreg.gather [hbm4b:s5+s3], $0x80, v3, vm0, $0xb8;
	[tilespmem:$0x10080] =	vst v63  }
0x91: {  	s29 =	simm.s32 $0x3880  }
0x92: {  	[tilespmem:s29], [sflag:$0x1] =	stream.indirect_vreg.gather [hbm4b:s6+s3], $0x80, v3, vm0, $0xb8;
	[tilespmem:$0x10080] =	vst v63  }
0x93: {  	v3 =	vld [tilespmem:$0x10];
	_ =	sdelay $0x4  }
0x94: {  	v45 =	vshll.u32 v3, $0x3  }
0x95: {  	v3 =	vand.u32 $0x7, v3;
	v4 =	vand.u32 $0xFFFFFFC0, v45  }
0x96: {  	v3 =	vor.u32 v3, v4  }
0x97: {  	v4 =	vperm.xlane v3, v0;
	_ =	sdelay $0x1  }
0x98: {  	v4 =	vadd.s32 v1, v4;
	_ =	sdelay $0x3  }
0x99: {  	s30 =	simm.s32 $0x4080  }
0x9a: {  	[tilespmem:s30], [sflag:$0x1] =	stream.indirect_vreg.gather [hbm4b:s2+s3], $0x80, v4, vm0, $0xb8;
	[tilespmem:$0x10080] =	vst v63  }
0x9b: {  	s31 =	simm.s32 $0x4880;
	v3 =	vperm.xlane v3, v2  }
0x9c: {  	[tilespmem:s31], [sflag:$0x1] =	stream.indirect_vreg.gather [hbm4b:s4+s3], $0x80, v4, vm0, $0xb8;
	[tilespmem:$0x10080] =	vst v63  }
0x9d: {  	s21 =	simm.s32 $0x5080;
	v3 =	vadd.s32 v1, v3  }
0x9e: {  	[tilespmem:s21], [sflag:$0x1] =	stream.indirect_vreg.gather [hbm4b:s5+s3], $0x80, v4, vm0, $0xb8;
	[tilespmem:$0x10080] =	vst v63  }
0x9f: {  	s31 =	simm.s32 $0x5880  }
0xa0: {  	[tilespmem:s31], [sflag:$0x1] =	stream.indirect_vreg.gather [hbm4b:s6+s3], $0x80, v4, vm0, $0xb8;
	[tilespmem:$0x10080] =	vst v63  }
0xa1: {  	s1 =	simm.s32 $0x6080  }
0xa2: {  	[tilespmem:s1], [sflag:$0x1] =	stream.indirect_vreg.gather [hbm4b:s2+s3], $0x80, v3, vm0, $0xb8;
	[tilespmem:$0x10080] =	vst v63  }
0xa3: {  	s0 =	simm.s32 $0x6880  }
0xa4: {  	[tilespmem:s0], [sflag:$0x1] =	stream.indirect_vreg.gather [hbm4b:s4+s3], $0x80, v3, vm0, $0xb8;
	[tilespmem:$0x10080] =	vst v63  }
0xa5: {  	s9 =	simm.s32 $0x7080  }
0xa6: {  	[tilespmem:s9], [sflag:$0x1] =	stream.indirect_vreg.gather [hbm4b:s5+s3], $0x80, v3, vm0, $0xb8;
	[tilespmem:$0x10080] =	vst v63  }
0xa7: {  	s21 =	simm.s32 $0x7880  }
0xa8: {  	[tilespmem:s21], [sflag:$0x1] =	stream.indirect_vreg.gather [hbm4b:s6+s3], $0x80, v3, vm0, $0xb8;
	[tilespmem:$0x10080] =	vst v63  }
0xa9: {  	v3 =	vld [tilespmem:$0x20];
	_ =	sdelay $0x4  }
0xaa: {  	v46 =	vshll.u32 v3, $0x3  }
0xab: {  	v3 =	vand.u32 $0x7, v3;
	v4 =	vand.u32 $0xFFFFFFC0, v46  }
0xac: {  	v3 =	vor.u32 v3, v4  }
0xad: {  	v4 =	vperm.xlane v3, v0;
	_ =	sdelay $0x1  }
0xae: {  	v4 =	vadd.s32 v1, v4;
	_ =	sdelay $0x3  }
0xaf: {  	s28 =	simm.s32 $0x8080  }
0xb0: {  	[tilespmem:s28], [sflag:$0x1] =	stream.indirect_vreg.gather [hbm4b:s2+s3], $0x80, v4, vm0, $0xb8;
	[tilespmem:$0x10080] =	vst v63  }
0xb1: {  	s29 =	simm.s32 $0x8880;
	v3 =	vperm.xlane v3, v2  }
0xb2: {  	[tilespmem:s29], [sflag:$0x1] =	stream.indirect_vreg.gather [hbm4b:s4+s3], $0x80, v4, vm0, $0xb8;
	[tilespmem:$0x10080] =	vst v63  }
0xb3: {  	s16 =	simm.s32 $0x9080;
	v3 =	vadd.s32 v1, v3  }
0xb4: {  	[tilespmem:s16], [sflag:$0x1] =	stream.indirect_vreg.gather [hbm4b:s5+s3], $0x80, v4, vm0, $0xb8;
	[tilespmem:$0x10080] =	vst v63  }
0xb5: {  	s17 =	simm.s32 $0x9880  }
0xb6: {  	[tilespmem:s17], [sflag:$0x1] =	stream.indirect_vreg.gather [hbm4b:s6+s3], $0x80, v4, vm0, $0xb8;
	[tilespmem:$0x10080] =	vst v63  }
0xb7: {  	s20 =	simm.s32 $0xA080  }
0xb8: {  	[tilespmem:s20], [sflag:$0x1] =	stream.indirect_vreg.gather [hbm4b:s2+s3], $0x80, v3, vm0, $0xb8;
	[tilespmem:$0x10080] =	vst v63  }
0xb9: {  	s22 =	simm.s32 $0xA880  }
0xba: {  	[tilespmem:s22], [sflag:$0x1] =	stream.indirect_vreg.gather [hbm4b:s4+s3], $0x80, v3, vm0, $0xb8;
	[tilespmem:$0x10080] =	vst v63  }
0xbb: {  	s15 =	simm.s32 $0xB080  }
0xbc: {  	[tilespmem:s15], [sflag:$0x1] =	stream.indirect_vreg.gather [hbm4b:s5+s3], $0x80, v3, vm0, $0xb8;
	[tilespmem:$0x10080] =	vst v63  }
0xbd: {  	s10 =	simm.s32 $0xB880  }
0xbe: {  	[tilespmem:s10], [sflag:$0x1] =	stream.indirect_vreg.gather [hbm4b:s6+s3], $0x80, v3, vm0, $0xb8;
	[tilespmem:$0x10080] =	vst v63  }
0xbf: {  	v3 =	vld [tilespmem:$0x30];
	_ =	sdelay $0x4  }
0xc0: {  	v47 =	vshll.u32 v3, $0x3  }
0xc1: {  	v3 =	vand.u32 $0x7, v3;
	v4 =	vand.u32 $0xFFFFFFC0, v47  }
0xc2: {  	v3 =	vor.u32 v3, v4  }
0xc3: {  	v4 =	vperm.xlane v3, v0;
	_ =	sdelay $0x1  }
0xc4: {  	v4 =	vadd.s32 v1, v4;
	_ =	sdelay $0x3  }
0xc5: {  	s11 =	simm.s32 $0xC080  }
0xc6: {  	[tilespmem:s11], [sflag:$0x1] =	stream.indirect_vreg.gather [hbm4b:s2+s3], $0x80, v4, vm0, $0xb8;
	[tilespmem:$0x10080] =	vst v63  }
0xc7: {  	s12 =	simm.s32 $0xC880;
	v3 =	vperm.xlane v3, v2  }
0xc8: {  	[tilespmem:s12], [sflag:$0x1] =	stream.indirect_vreg.gather [hbm4b:s4+s3], $0x80, v4, vm0, $0xb8;
	[tilespmem:$0x10080] =	vst v63  }
0xc9: {  	v3 =	vadd.s32 v1, v3;
	s12 =	simm.s32 $0xD080  }
0xca: {  	[tilespmem:s12], [sflag:$0x1] =	stream.indirect_vreg.gather [hbm4b:s5+s3], $0x80, v4, vm0, $0xb8;
	[tilespmem:$0x10080] =	vst v63  }
0xcb: {  	s23 =	simm.s32 $0xD880  }
0xcc: {  	[tilespmem:s23], [sflag:$0x1] =	stream.indirect_vreg.gather [hbm4b:s6+s3], $0x80, v4, vm0, $0xb8;
	[tilespmem:$0x10080] =	vst v63  }
0xcd: {  	s19 =	simm.s32 $0xE080  }
0xce: {  	[tilespmem:s19], [sflag:$0x1] =	stream.indirect_vreg.gather [hbm4b:s2+s3], $0x80, v3, vm0, $0xb8;
	[tilespmem:$0x10080] =	vst v63  }
0xcf: {  	s22 =	simm.s32 $0xE880  }
0xd0: {  	[tilespmem:s22], [sflag:$0x1] =	stream.indirect_vreg.gather [hbm4b:s4+s3], $0x80, v3, vm0, $0xb8;
	[tilespmem:$0x10080] =	vst v63  }
0xd1: {  	s23 =	simm.s32 $0xF080  }
0xd2: {  	[tilespmem:s23], [sflag:$0x1] =	stream.indirect_vreg.gather [hbm4b:s5+s3], $0x80, v3, vm0, $0xb8;
	[tilespmem:$0x10080] =	vst v63  }
0xd3: {  	s13 =	simm.s32 $0xF880  }
0xd4: {  	[tilespmem:s13], [sflag:$0x1] =	stream.indirect_vreg.gather [hbm4b:s6+s3], $0x80, v3, vm0, $0xb8;
	[tilespmem:$0x10080] =	vst v63  }
0xd5: {  	_ =	swait.ge [sflag:s18], $0x10000  }
0xd6: {  	[sflag:s18] =	ssyncset.done $0x0  }
0xd7: {  	s19 =	rddreg [dreg:$0x6];
	[sflag:s18] =	ssyncadd.s32 $0xFFFF0000  }
0xd8: {  	[hbm4b:s19+s3] =	stream.linear.scatter [tilespmem:s14], [sflag:$0x2], $0x10000, $0x38;
	[tilespmem:$0x10080] =	vst v63  }
0xd9: {  	_ =	swait.ge [sflag:s8], $0x10000  }
0xda: {  	[sflag:s8] =	ssyncset.done $0x0  }
0xdb: {  	s19 =	rddreg [dreg:$0x7];
	[sflag:s8] =	ssyncadd.s32 $0xFFFF0000  }
0xdc: {  	[tilespmem:s3], [sflag:$0x2] =	stream.linear.gather [hbm4b:s19+s3], $0x40, $0x38;
	[tilespmem:$0x10080] =	vst v63  }
0xdd: {  	_ =	swait.ge [sflag:s8], $0x40  }
0xde: {  	[sflag:s8] =	ssyncset.done $0x0  }
0xdf: {  	[sflag:s8] =	ssyncadd.s32 $0xFFFFFFC0  }
0xe0: {  	v3 =	vld [tilespmem:$0x0];
	_ =	sdelay $0x4  }
0xe1: {  	v48 =	vshll.u32 v3, $0x3  }
0xe2: {  	v3 =	vand.u32 $0x7, v3;
	v4 =	vand.u32 $0xFFFFFFC0, v48  }
0xe3: {  	v3 =	vor.u32 v3, v4  }
0xe4: {  	v4 =	vperm.xlane v3, v0;
	_ =	sdelay $0x1  }
0xe5: {  	v4 =	vadd.s32 v1, v4;
	_ =	sdelay $0x4  }
0xe6: {  	[tilespmem:s14], [sflag:$0x1] =	stream.indirect_vreg.gather [hbm4b:s2+s3], $0x80, v4, vm0, $0xb8;
	[tilespmem:$0x10080] =	vst v63  }
0xe7: {  	s19 =	simm.s32 $0x880;
	v3 =	vperm.xlane v3, v2  }
0xe8: {  	[tilespmem:s19], [sflag:$0x1] =	stream.indirect_vreg.gather [hbm4b:s4+s3], $0x80, v4, vm0, $0xb8;
	[tilespmem:$0x10080] =	vst v63  }
0xe9: {  	s25 =	simm.s32 $0x1080;
	v3 =	vadd.s32 v1, v3  }
0xea: {  	[tilespmem:s25], [sflag:$0x1] =	stream.indirect_vreg.gather [hbm4b:s5+s3], $0x80, v4, vm0, $0xb8;
	[tilespmem:$0x10080] =	vst v63  }
0xeb: {  	s26 =	simm.s32 $0x1880  }
0xec: {  	[tilespmem:s26], [sflag:$0x1] =	stream.indirect_vreg.gather [hbm4b:s6+s3], $0x80, v4, vm0, $0xb8;
	[tilespmem:$0x10080] =	vst v63  }
0xed: {  	s25 =	simm.s32 $0x2080  }
0xee: {  	[tilespmem:s25], [sflag:$0x1] =	stream.indirect_vreg.gather [hbm4b:s2+s3], $0x80, v3, vm0, $0xb8;
	[tilespmem:$0x10080] =	vst v63  }
0xef: {  	s26 =	simm.s32 $0x2880  }
0xf0: {  	[tilespmem:s26], [sflag:$0x1] =	stream.indirect_vreg.gather [hbm4b:s4+s3], $0x80, v3, vm0, $0xb8;
	[tilespmem:$0x10080] =	vst v63  }
0xf1: {  	s25 =	simm.s32 $0x3080  }
0xf2: {  	[tilespmem:s25], [sflag:$0x1] =	stream.indirect_vreg.gather [hbm4b:s5+s3], $0x80, v3, vm0, $0xb8;
	[tilespmem:$0x10080] =	vst v63  }
0xf3: {  	s26 =	simm.s32 $0x3880  }
0xf4: {  	[tilespmem:s26], [sflag:$0x1] =	stream.indirect_vreg.gather [hbm4b:s6+s3], $0x80, v3, vm0, $0xb8;
	[tilespmem:$0x10080] =	vst v63  }
0xf5: {  	v3 =	vld [tilespmem:$0x10];
	_ =	sdelay $0x4  }
0xf6: {  	v49 =	vshll.u32 v3, $0x3  }
0xf7: {  	v3 =	vand.u32 $0x7, v3;
	v4 =	vand.u32 $0xFFFFFFC0, v49  }
0xf8: {  	v3 =	vor.u32 v3, v4  }
0xf9: {  	v4 =	vperm.xlane v3, v0;
	_ =	sdelay $0x1  }
0xfa: {  	v4 =	vadd.s32 v1, v4;
	_ =	sdelay $0x4  }
0xfb: {  	[tilespmem:s30], [sflag:$0x1] =	stream.indirect_vreg.gather [hbm4b:s2+s3], $0x80, v4, vm0, $0xb8;
	[tilespmem:$0x10080] =	vst v63  }
0xfc: {  	s25 =	simm.s32 $0x4880;
	v3 =	vperm.xlane v3, v2  }
0xfd: {  	[tilespmem:s25], [sflag:$0x1] =	stream.indirect_vreg.gather [hbm4b:s4+s3], $0x80, v4, vm0, $0xb8;
	[tilespmem:$0x10080] =	vst v63  }
0xfe: {  	s26 =	simm.s32 $0x5080;
	v3 =	vadd.s32 v1, v3  }
0xff: {  	[tilespmem:s26], [sflag:$0x1] =	stream.indirect_vreg.gather [hbm4b:s5+s3], $0x80, v4, vm0, $0xb8;
	[tilespmem:$0x10080] =	vst v63  }
0x100: {  	_ = 	snop  }
0x101: {  	[tilespmem:s31], [sflag:$0x1] =	stream.indirect_vreg.gather [hbm4b:s6+s3], $0x80, v4, vm0, $0xb8;
	[tilespmem:$0x10080] =	vst v63  }
0x102: {  	_ = 	snop  }
0x103: {  	[tilespmem:s1], [sflag:$0x1] =	stream.indirect_vreg.gather [hbm4b:s2+s3], $0x80, v3, vm0, $0xb8;
	[tilespmem:$0x10080] =	vst v63  }
0x104: {  	_ = 	snop  }
0x105: {  	[tilespmem:s0], [sflag:$0x1] =	stream.indirect_vreg.gather [hbm4b:s4+s3], $0x80, v3, vm0, $0xb8;
	[tilespmem:$0x10080] =	vst v63  }
0x106: {  	_ = 	snop  }
0x107: {  	[tilespmem:s9], [sflag:$0x1] =	stream.indirect_vreg.gather [hbm4b:s5+s3], $0x80, v3, vm0, $0xb8;
	[tilespmem:$0x10080] =	vst v63  }
0x108: {  	_ = 	snop  }
0x109: {  	[tilespmem:s21], [sflag:$0x1] =	stream.indirect_vreg.gather [hbm4b:s6+s3], $0x80, v3, vm0, $0xb8;
	[tilespmem:$0x10080] =	vst v63  }
0x10a: {  	v3 =	vld [tilespmem:$0x20];
	_ =	sdelay $0x4  }
0x10b: {  	v50 =	vshll.u32 v3, $0x3  }
0x10c: {  	v3 =	vand.u32 $0x7, v3;
	v4 =	vand.u32 $0xFFFFFFC0, v50  }
0x10d: {  	v3 =	vor.u32 v3, v4  }
0x10e: {  	v4 =	vperm.xlane v3, v0;
	_ =	sdelay $0x1  }
0x10f: {  	v4 =	vadd.s32 v1, v4;
	_ =	sdelay $0x4  }
0x110: {  	[tilespmem:s28], [sflag:$0x1] =	stream.indirect_vreg.gather [hbm4b:s2+s3], $0x80, v4, vm0, $0xb8;
	[tilespmem:$0x10080] =	vst v63  }
0x111: {  	v3 =	vperm.xlane v3, v2  }
0x112: {  	[tilespmem:s29], [sflag:$0x1] =	stream.indirect_vreg.gather [hbm4b:s4+s3], $0x80, v4, vm0, $0xb8;
	[tilespmem:$0x10080] =	vst v63  }
0x113: {  	v3 =	vadd.s32 v1, v3  }
0x114: {  	[tilespmem:s16], [sflag:$0x1] =	stream.indirect_vreg.gather [hbm4b:s5+s3], $0x80, v4, vm0, $0xb8;
	[tilespmem:$0x10080] =	vst v63  }
0x115: {  	_ = 	snop  }
0x116: {  	[tilespmem:s17], [sflag:$0x1] =	stream.indirect_vreg.gather [hbm4b:s6+s3], $0x80, v4, vm0, $0xb8;
	[tilespmem:$0x10080] =	vst v63  }
0x117: {  	_ = 	snop  }
0x118: {  	[tilespmem:s20], [sflag:$0x1] =	stream.indirect_vreg.gather [hbm4b:s2+s3], $0x80, v3, vm0, $0xb8;
	[tilespmem:$0x10080] =	vst v63  }
0x119: {  	s24 =	simm.s32 $0xA880  }
0x11a: {  	[tilespmem:s24], [sflag:$0x1] =	stream.indirect_vreg.gather [hbm4b:s4+s3], $0x80, v3, vm0, $0xb8;
	[tilespmem:$0x10080] =	vst v63  }
0x11b: {  	s15 =	simm.s32 $0xB080  }
0x11c: {  	[tilespmem:s15], [sflag:$0x1] =	stream.indirect_vreg.gather [hbm4b:s5+s3], $0x80, v3, vm0, $0xb8;
	[tilespmem:$0x10080] =	vst v63  }
0x11d: {  	s24 =	simm.s32 $0xB880  }
0x11e: {  	[tilespmem:s24], [sflag:$0x1] =	stream.indirect_vreg.gather [hbm4b:s6+s3], $0x80, v3, vm0, $0xb8;
	[tilespmem:$0x10080] =	vst v63  }
0x11f: {  	v3 =	vld [tilespmem:$0x30];
	_ =	sdelay $0x4  }
0x120: {  	v51 =	vshll.u32 v3, $0x3  }
0x121: {  	v3 =	vand.u32 $0x7, v3;
	v4 =	vand.u32 $0xFFFFFFC0, v51  }
0x122: {  	v3 =	vor.u32 v3, v4  }
0x123: {  	v4 =	vperm.xlane v3, v0;
	_ =	sdelay $0x1  }
0x124: {  	v4 =	vadd.s32 v1, v4;
	_ =	sdelay $0x3  }
0x125: {  	s28 =	simm.s32 $0xC080  }
0x126: {  	[tilespmem:s28], [sflag:$0x1] =	stream.indirect_vreg.gather [hbm4b:s2+s3], $0x80, v4, vm0, $0xb8;
	[tilespmem:$0x10080] =	vst v63  }
0x127: {  	s20 =	simm.s32 $0xC880;
	v3 =	vperm.xlane v3, v2  }
0x128: {  	[tilespmem:s20], [sflag:$0x1] =	stream.indirect_vreg.gather [hbm4b:s4+s3], $0x80, v4, vm0, $0xb8;
	[tilespmem:$0x10080] =	vst v63  }
0x129: {  	s10 =	simm.s32 $0xD080;
	v3 =	vadd.s32 v1, v3  }
0x12a: {  	[tilespmem:s10], [sflag:$0x1] =	stream.indirect_vreg.gather [hbm4b:s5+s3], $0x80, v4, vm0, $0xb8;
	[tilespmem:$0x10080] =	vst v63  }
0x12b: {  	s11 =	simm.s32 $0xD880  }
0x12c: {  	[tilespmem:s11], [sflag:$0x1] =	stream.indirect_vreg.gather [hbm4b:s6+s3], $0x80, v4, vm0, $0xb8;
	[tilespmem:$0x10080] =	vst v63  }
0x12d: {  	s12 =	simm.s32 $0xE080  }
0x12e: {  	[tilespmem:s12], [sflag:$0x1] =	stream.indirect_vreg.gather [hbm4b:s2+s3], $0x80, v3, vm0, $0xb8;
	[tilespmem:$0x10080] =	vst v63  }
0x12f: {  	s22 =	simm.s32 $0xE880  }
0x130: {  	[tilespmem:s22], [sflag:$0x1] =	stream.indirect_vreg.gather [hbm4b:s4+s3], $0x80, v3, vm0, $0xb8;
	[tilespmem:$0x10080] =	vst v63  }
0x131: {  	s23 =	simm.s32 $0xF080  }
0x132: {  	[tilespmem:s23], [sflag:$0x1] =	stream.indirect_vreg.gather [hbm4b:s5+s3], $0x80, v3, vm0, $0xb8;
	[tilespmem:$0x10080] =	vst v63  }
0x133: {  	s13 =	simm.s32 $0xF880  }
0x134: {  	[tilespmem:s13], [sflag:$0x1] =	stream.indirect_vreg.gather [hbm4b:s6+s3], $0x80, v3, vm0, $0xb8;
	[tilespmem:$0x10080] =	vst v63  }
0x135: {  	_ =	swait.ge [sflag:s18], $0x10000  }
0x136: {  	[sflag:s18] =	ssyncset.done $0x0  }
0x137: {  	s23 =	rddreg [dreg:$0x8];
	[sflag:s18] =	ssyncadd.s32 $0xFFFF0000  }
0x138: {  	[hbm4b:s23+s3] =	stream.linear.scatter [tilespmem:s14], [sflag:$0x2], $0x10000, $0x38;
	[tilespmem:$0x10080] =	vst v63  }
0x139: {  	_ =	swait.ge [sflag:s8], $0x10000  }
0x13a: {  	[sflag:s8] =	ssyncset.done $0x0  }
0x13b: {  	s23 =	rddreg [dreg:$0x9];
	[sflag:s8] =	ssyncadd.s32 $0xFFFF0000  }
0x13c: {  	[tilespmem:s3], [sflag:$0x2] =	stream.linear.gather [hbm4b:s23+s3], $0x40, $0x38;
	[tilespmem:$0x10080] =	vst v63  }
0x13d: {  	_ =	swait.ge [sflag:s8], $0x40  }
0x13e: {  	[sflag:s8] =	ssyncset.done $0x0  }
0x13f: {  	[sflag:s8] =	ssyncadd.s32 $0xFFFFFFC0  }
0x140: {  	v3 =	vld [tilespmem:$0x0];
	_ =	sdelay $0x4  }
0x141: {  	v52 =	vshll.u32 v3, $0x3  }
0x142: {  	v3 =	vand.u32 $0x7, v3;
	v4 =	vand.u32 $0xFFFFFFC0, v52  }
0x143: {  	v3 =	vor.u32 v3, v4  }
0x144: {  	v4 =	vperm.xlane v3, v0;
	_ =	sdelay $0x1  }
0x145: {  	v4 =	vadd.s32 v1, v4;
	_ =	sdelay $0x4  }
0x146: {  	[tilespmem:s14], [sflag:$0x1] =	stream.indirect_vreg.gather [hbm4b:s2+s3], $0x80, v4, vm0, $0xb8;
	[tilespmem:$0x10080] =	vst v63  }
0x147: {  	s23 =	simm.s32 $0x880;
	v3 =	vperm.xlane v3, v2  }
0x148: {  	[tilespmem:s23], [sflag:$0x1] =	stream.indirect_vreg.gather [hbm4b:s4+s3], $0x80, v4, vm0, $0xb8;
	[tilespmem:$0x10080] =	vst v63  }
0x149: {  	v3 =	vadd.s32 v1, v3;
	s23 =	simm.s32 $0x1080  }
0x14a: {  	[tilespmem:s23], [sflag:$0x1] =	stream.indirect_vreg.gather [hbm4b:s5+s3], $0x80, v4, vm0, $0xb8;
	[tilespmem:$0x10080] =	vst v63  }
0x14b: {  	s23 =	simm.s32 $0x1880  }
0x14c: {  	[tilespmem:s23], [sflag:$0x1] =	stream.indirect_vreg.gather [hbm4b:s6+s3], $0x80, v4, vm0, $0xb8;
	[tilespmem:$0x10080] =	vst v63  }
0x14d: {  	s23 =	simm.s32 $0x2080  }
0x14e: {  	[tilespmem:s23], [sflag:$0x1] =	stream.indirect_vreg.gather [hbm4b:s2+s3], $0x80, v3, vm0, $0xb8;
	[tilespmem:$0x10080] =	vst v63  }
0x14f: {  	s23 =	simm.s32 $0x2880  }
0x150: {  	[tilespmem:s23], [sflag:$0x1] =	stream.indirect_vreg.gather [hbm4b:s4+s3], $0x80, v3, vm0, $0xb8;
	[tilespmem:$0x10080] =	vst v63  }
0x151: {  	s23 =	simm.s32 $0x3080  }
0x152: {  	[tilespmem:s23], [sflag:$0x1] =	stream.indirect_vreg.gather [hbm4b:s5+s3], $0x80, v3, vm0, $0xb8;
	[tilespmem:$0x10080] =	vst v63  }
0x153: {  	s23 =	simm.s32 $0x3880  }
0x154: {  	[tilespmem:s23], [sflag:$0x1] =	stream.indirect_vreg.gather [hbm4b:s6+s3], $0x80, v3, vm0, $0xb8;
	[tilespmem:$0x10080] =	vst v63  }
0x155: {  	v3 =	vld [tilespmem:$0x10];
	_ =	sdelay $0x4  }
0x156: {  	v53 =	vshll.u32 v3, $0x3  }
0x157: {  	v3 =	vand.u32 $0x7, v3;
	v4 =	vand.u32 $0xFFFFFFC0, v53  }
0x158: {  	v3 =	vor.u32 v3, v4  }
0x159: {  	v4 =	vperm.xlane v3, v0;
	_ =	sdelay $0x1  }
0x15a: {  	v4 =	vadd.s32 v1, v4;
	_ =	sdelay $0x3  }
0x15b: {  	s30 =	simm.s32 $0x4080  }
0x15c: {  	[tilespmem:s30], [sflag:$0x1] =	stream.indirect_vreg.gather [hbm4b:s2+s3], $0x80, v4, vm0, $0xb8;
	[tilespmem:$0x10080] =	vst v63  }
0x15d: {  	v3 =	vperm.xlane v3, v2;
	s30 =	simm.s32 $0x4880  }
0x15e: {  	[tilespmem:s30], [sflag:$0x1] =	stream.indirect_vreg.gather [hbm4b:s4+s3], $0x80, v4, vm0, $0xb8;
	[tilespmem:$0x10080] =	vst v63  }
0x15f: {  	v3 =	vadd.s32 v1, v3;
	s30 =	simm.s32 $0x5080  }
0x160: {  	[tilespmem:s30], [sflag:$0x1] =	stream.indirect_vreg.gather [hbm4b:s5+s3], $0x80, v4, vm0, $0xb8;
	[tilespmem:$0x10080] =	vst v63  }
0x161: {  	s31 =	simm.s32 $0x5880  }
0x162: {  	[tilespmem:s31], [sflag:$0x1] =	stream.indirect_vreg.gather [hbm4b:s6+s3], $0x80, v4, vm0, $0xb8;
	[tilespmem:$0x10080] =	vst v63  }
0x163: {  	s30 =	simm.s32 $0x6080  }
0x164: {  	[tilespmem:s30], [sflag:$0x1] =	stream.indirect_vreg.gather [hbm4b:s2+s3], $0x80, v3, vm0, $0xb8;
	[tilespmem:$0x10080] =	vst v63  }
0x165: {  	s0 =	simm.s32 $0x6880  }
0x166: {  	[tilespmem:s0], [sflag:$0x1] =	stream.indirect_vreg.gather [hbm4b:s4+s3], $0x80, v3, vm0, $0xb8;
	[tilespmem:$0x10080] =	vst v63  }
0x167: {  	s1 =	simm.s32 $0x7080  }
0x168: {  	[tilespmem:s1], [sflag:$0x1] =	stream.indirect_vreg.gather [hbm4b:s5+s3], $0x80, v3, vm0, $0xb8;
	[tilespmem:$0x10080] =	vst v63  }
0x169: {  	s21 =	simm.s32 $0x7880  }
0x16a: {  	[tilespmem:s21], [sflag:$0x1] =	stream.indirect_vreg.gather [hbm4b:s6+s3], $0x80, v3, vm0, $0xb8;
	[tilespmem:$0x10080] =	vst v63  }
0x16b: {  	v3 =	vld [tilespmem:$0x20];
	_ =	sdelay $0x4  }
0x16c: {  	v54 =	vshll.u32 v3, $0x3  }
0x16d: {  	v3 =	vand.u32 $0x7, v3;
	v4 =	vand.u32 $0xFFFFFFC0, v54  }
0x16e: {  	v3 =	vor.u32 v3, v4  }
0x16f: {  	v4 =	vperm.xlane v3, v0;
	_ =	sdelay $0x1  }
0x170: {  	v4 =	vadd.s32 v1, v4;
	_ =	sdelay $0x3  }
0x171: {  	s25 =	simm.s32 $0x8080  }
0x172: {  	[tilespmem:s25], [sflag:$0x1] =	stream.indirect_vreg.gather [hbm4b:s2+s3], $0x80, v4, vm0, $0xb8;
	[tilespmem:$0x10080] =	vst v63  }
0x173: {  	s26 =	simm.s32 $0x8880;
	v3 =	vperm.xlane v3, v2  }
0x174: {  	[tilespmem:s26], [sflag:$0x1] =	stream.indirect_vreg.gather [hbm4b:s4+s3], $0x80, v4, vm0, $0xb8;
	[tilespmem:$0x10080] =	vst v63  }
0x175: {  	s9 =	simm.s32 $0x9080;
	v3 =	vadd.s32 v1, v3  }
0x176: {  	[tilespmem:s9], [sflag:$0x1] =	stream.indirect_vreg.gather [hbm4b:s5+s3], $0x80, v4, vm0, $0xb8;
	[tilespmem:$0x10080] =	vst v63  }
0x177: {  	s16 =	simm.s32 $0x9880  }
0x178: {  	[tilespmem:s16], [sflag:$0x1] =	stream.indirect_vreg.gather [hbm4b:s6+s3], $0x80, v4, vm0, $0xb8;
	[tilespmem:$0x10080] =	vst v63  }
0x179: {  	s17 =	simm.s32 $0xA080  }
0x17a: {  	[tilespmem:s17], [sflag:$0x1] =	stream.indirect_vreg.gather [hbm4b:s2+s3], $0x80, v3, vm0, $0xb8;
	[tilespmem:$0x10080] =	vst v63  }
0x17b: {  	s29 =	simm.s32 $0xA880  }
0x17c: {  	[tilespmem:s29], [sflag:$0x1] =	stream.indirect_vreg.gather [hbm4b:s4+s3], $0x80, v3, vm0, $0xb8;
	[tilespmem:$0x10080] =	vst v63  }
0x17d: {  	s15 =	simm.s32 $0xB080  }
0x17e: {  	[tilespmem:s15], [sflag:$0x1] =	stream.indirect_vreg.gather [hbm4b:s5+s3], $0x80, v3, vm0, $0xb8;
	[tilespmem:$0x10080] =	vst v63  }
0x17f: {  	s24 =	simm.s32 $0xB880  }
0x180: {  	[tilespmem:s24], [sflag:$0x1] =	stream.indirect_vreg.gather [hbm4b:s6+s3], $0x80, v3, vm0, $0xb8;
	[tilespmem:$0x10080] =	vst v63  }
0x181: {  	v3 =	vld [tilespmem:$0x30];
	_ =	sdelay $0x4  }
0x182: {  	v55 =	vshll.u32 v3, $0x3  }
0x183: {  	v3 =	vand.u32 $0x7, v3;
	v4 =	vand.u32 $0xFFFFFFC0, v55  }
0x184: {  	v3 =	vor.u32 v3, v4  }
0x185: {  	v4 =	vperm.xlane v3, v0;
	_ =	sdelay $0x1  }
0x186: {  	v4 =	vadd.s32 v1, v4;
	_ =	sdelay $0x3  }
0x187: {  	s28 =	simm.s32 $0xC080  }
0x188: {  	[tilespmem:s28], [sflag:$0x1] =	stream.indirect_vreg.gather [hbm4b:s2+s3], $0x80, v4, vm0, $0xb8;
	[tilespmem:$0x10080] =	vst v63  }
0x189: {  	v3 =	vperm.xlane v3, v2;
	s28 =	simm.s32 $0xC880  }
0x18a: {  	[tilespmem:s28], [sflag:$0x1] =	stream.indirect_vreg.gather [hbm4b:s4+s3], $0x80, v4, vm0, $0xb8;
	[tilespmem:$0x10080] =	vst v63  }
0x18b: {  	s10 =	simm.s32 $0xD080;
	v3 =	vadd.s32 v1, v3  }
0x18c: {  	[tilespmem:s10], [sflag:$0x1] =	stream.indirect_vreg.gather [hbm4b:s5+s3], $0x80, v4, vm0, $0xb8;
	[tilespmem:$0x10080] =	vst v63  }
0x18d: {  	s11 =	simm.s32 $0xD880  }
0x18e: {  	[tilespmem:s11], [sflag:$0x1] =	stream.indirect_vreg.gather [hbm4b:s6+s3], $0x80, v4, vm0, $0xb8;
	[tilespmem:$0x10080] =	vst v63  }
0x18f: {  	s12 =	simm.s32 $0xE080  }
0x190: {  	[tilespmem:s12], [sflag:$0x1] =	stream.indirect_vreg.gather [hbm4b:s2+s3], $0x80, v3, vm0, $0xb8;
	[tilespmem:$0x10080] =	vst v63  }
0x191: {  	s20 =	simm.s32 $0xE880  }
0x192: {  	[tilespmem:s20], [sflag:$0x1] =	stream.indirect_vreg.gather [hbm4b:s4+s3], $0x80, v3, vm0, $0xb8;
	[tilespmem:$0x10080] =	vst v63  }
0x193: {  	s22 =	simm.s32 $0xF080  }
0x194: {  	[tilespmem:s22], [sflag:$0x1] =	stream.indirect_vreg.gather [hbm4b:s5+s3], $0x80, v3, vm0, $0xb8;
	[tilespmem:$0x10080] =	vst v63  }
0x195: {  	s13 =	simm.s32 $0xF880  }
0x196: {  	[tilespmem:s13], [sflag:$0x1] =	stream.indirect_vreg.gather [hbm4b:s6+s3], $0x80, v3, vm0, $0xb8;
	[tilespmem:$0x10080] =	vst v63  }
0x197: {  	_ =	swait.ge [sflag:s18], $0x10000  }
0x198: {  	[sflag:s18] =	ssyncset.done $0x0  }
0x199: {  	s29 =	rddreg [dreg:$0xa];
	[sflag:s18] =	ssyncadd.s32 $0xFFFF0000  }
0x19a: {  	[hbm4b:s29+s3] =	stream.linear.scatter [tilespmem:s14], [sflag:$0x2], $0x10000, $0x38;
	[tilespmem:$0x10080] =	vst v63  }
0x19b: {  	_ =	swait.ge [sflag:s8], $0x10000  }
0x19c: {  	[sflag:s8] =	ssyncset.done $0x0  }
0x19d: {  	s13 =	rddreg [dreg:$0xb];
	[sflag:s8] =	ssyncadd.s32 $0xFFFF0000  }
0x19e: {  	[tilespmem:s3], [sflag:$0x2] =	stream.linear.gather [hbm4b:s13+s3], $0x40, $0x38;
	[tilespmem:$0x10080] =	vst v63  }
0x19f: {  	_ =	swait.ge [sflag:s8], $0x40  }
0x1a0: {  	[sflag:s8] =	ssyncset.done $0x0  }
0x1a1: {  	[sflag:s8] =	ssyncadd.s32 $0xFFFFFFC0  }
0x1a2: {  	v3 =	vld [tilespmem:$0x0];
	_ =	sdelay $0x4  }
0x1a3: {  	v56 =	vshll.u32 v3, $0x3  }
0x1a4: {  	v3 =	vand.u32 $0x7, v3;
	v4 =	vand.u32 $0xFFFFFFC0, v56  }
0x1a5: {  	v3 =	vor.u32 v3, v4  }
0x1a6: {  	v4 =	vperm.xlane v3, v0;
	_ =	sdelay $0x1  }
0x1a7: {  	v4 =	vadd.s32 v1, v4;
	_ =	sdelay $0x4  }
0x1a8: {  	[tilespmem:s14], [sflag:$0x1] =	stream.indirect_vreg.gather [hbm4b:s2+s3], $0x80, v4, vm0, $0xb8;
	[tilespmem:$0x10080] =	vst v63  }
0x1a9: {  	s22 =	simm.s32 $0x880;
	v3 =	vperm.xlane v3, v2  }
0x1aa: {  	[tilespmem:s22], [sflag:$0x1] =	stream.indirect_vreg.gather [hbm4b:s4+s3], $0x80, v4, vm0, $0xb8;
	[tilespmem:$0x10080] =	vst v63  }
0x1ab: {  	s28 =	simm.s32 $0x1080;
	v3 =	vadd.s32 v1, v3  }
0x1ac: {  	[tilespmem:s28], [sflag:$0x1] =	stream.indirect_vreg.gather [hbm4b:s5+s3], $0x80, v4, vm0, $0xb8;
	[tilespmem:$0x10080] =	vst v63  }
0x1ad: {  	s29 =	simm.s32 $0x1880  }
0x1ae: {  	[tilespmem:s29], [sflag:$0x1] =	stream.indirect_vreg.gather [hbm4b:s6+s3], $0x80, v4, vm0, $0xb8;
	[tilespmem:$0x10080] =	vst v63  }
0x1af: {  	s19 =	simm.s32 $0x2080  }
0x1b0: {  	[tilespmem:s19], [sflag:$0x1] =	stream.indirect_vreg.gather [hbm4b:s2+s3], $0x80, v3, vm0, $0xb8;
	[tilespmem:$0x10080] =	vst v63  }
0x1b1: {  	s22 =	simm.s32 $0x2880  }
0x1b2: {  	[tilespmem:s22], [sflag:$0x1] =	stream.indirect_vreg.gather [hbm4b:s4+s3], $0x80, v3, vm0, $0xb8;
	[tilespmem:$0x10080] =	vst v63  }
0x1b3: {  	s19 =	simm.s32 $0x3080  }
0x1b4: {  	[tilespmem:s19], [sflag:$0x1] =	stream.indirect_vreg.gather [hbm4b:s5+s3], $0x80, v3, vm0, $0xb8;
	[tilespmem:$0x10080] =	vst v63  }
0x1b5: {  	s22 =	simm.s32 $0x3880  }
0x1b6: {  	[tilespmem:s22], [sflag:$0x1] =	stream.indirect_vreg.gather [hbm4b:s6+s3], $0x80, v3, vm0, $0xb8;
	[tilespmem:$0x10080] =	vst v63  }
0x1b7: {  	v3 =	vld [tilespmem:$0x10];
	_ =	sdelay $0x4  }
0x1b8: {  	v57 =	vshll.u32 v3, $0x3  }
0x1b9: {  	v3 =	vand.u32 $0x7, v3;
	v4 =	vand.u32 $0xFFFFFFC0, v57  }
0x1ba: {  	v3 =	vor.u32 v3, v4  }
0x1bb: {  	v4 =	vperm.xlane v3, v0;
	_ =	sdelay $0x1  }
0x1bc: {  	v4 =	vadd.s32 v1, v4;
	_ =	sdelay $0x3  }
0x1bd: {  	s23 =	simm.s32 $0x4080  }
0x1be: {  	[tilespmem:s23], [sflag:$0x1] =	stream.indirect_vreg.gather [hbm4b:s2+s3], $0x80, v4, vm0, $0xb8;
	[tilespmem:$0x10080] =	vst v63  }
0x1bf: {  	v3 =	vperm.xlane v3, v2;
	s23 =	simm.s32 $0x4880  }
0x1c0: {  	[tilespmem:s23], [sflag:$0x1] =	stream.indirect_vreg.gather [hbm4b:s4+s3], $0x80, v4, vm0, $0xb8;
	[tilespmem:$0x10080] =	vst v63  }
0x1c1: {  	s19 =	simm.s32 $0x5080;
	v3 =	vadd.s32 v1, v3  }
0x1c2: {  	[tilespmem:s19], [sflag:$0x1] =	stream.indirect_vreg.gather [hbm4b:s5+s3], $0x80, v4, vm0, $0xb8;
	[tilespmem:$0x10080] =	vst v63  }
0x1c3: {  	s31 =	simm.s32 $0x5880  }
0x1c4: {  	[tilespmem:s31], [sflag:$0x1] =	stream.indirect_vreg.gather [hbm4b:s6+s3], $0x80, v4, vm0, $0xb8;
	[tilespmem:$0x10080] =	vst v63  }
0x1c5: {  	s23 =	simm.s32 $0x6080  }
0x1c6: {  	[tilespmem:s23], [sflag:$0x1] =	stream.indirect_vreg.gather [hbm4b:s2+s3], $0x80, v3, vm0, $0xb8;
	[tilespmem:$0x10080] =	vst v63  }
0x1c7: {  	s0 =	simm.s32 $0x6880  }
0x1c8: {  	[tilespmem:s0], [sflag:$0x1] =	stream.indirect_vreg.gather [hbm4b:s4+s3], $0x80, v3, vm0, $0xb8;
	[tilespmem:$0x10080] =	vst v63  }
0x1c9: {  	s1 =	simm.s32 $0x7080  }
0x1ca: {  	[tilespmem:s1], [sflag:$0x1] =	stream.indirect_vreg.gather [hbm4b:s5+s3], $0x80, v3, vm0, $0xb8;
	[tilespmem:$0x10080] =	vst v63  }
0x1cb: {  	s21 =	simm.s32 $0x7880  }
0x1cc: {  	[tilespmem:s21], [sflag:$0x1] =	stream.indirect_vreg.gather [hbm4b:s6+s3], $0x80, v3, vm0, $0xb8;
	[tilespmem:$0x10080] =	vst v63  }
0x1cd: {  	v3 =	vld [tilespmem:$0x20];
	_ =	sdelay $0x4  }
0x1ce: {  	v58 =	vshll.u32 v3, $0x3  }
0x1cf: {  	v3 =	vand.u32 $0x7, v3;
	v4 =	vand.u32 $0xFFFFFFC0, v58  }
0x1d0: {  	v3 =	vor.u32 v3, v4  }
0x1d1: {  	v4 =	vperm.xlane v3, v0;
	_ =	sdelay $0x1  }
0x1d2: {  	v4 =	vadd.s32 v1, v4;
	_ =	sdelay $0x3  }
0x1d3: {  	s25 =	simm.s32 $0x8080  }
0x1d4: {  	[tilespmem:s25], [sflag:$0x1] =	stream.indirect_vreg.gather [hbm4b:s2+s3], $0x80, v4, vm0, $0xb8;
	[tilespmem:$0x10080] =	vst v63  }
0x1d5: {  	s26 =	simm.s32 $0x8880;
	v3 =	vperm.xlane v3, v2  }
0x1d6: {  	[tilespmem:s26], [sflag:$0x1] =	stream.indirect_vreg.gather [hbm4b:s4+s3], $0x80, v4, vm0, $0xb8;
	[tilespmem:$0x10080] =	vst v63  }
0x1d7: {  	s9 =	simm.s32 $0x9080;
	v3 =	vadd.s32 v1, v3  }
0x1d8: {  	[tilespmem:s9], [sflag:$0x1] =	stream.indirect_vreg.gather [hbm4b:s5+s3], $0x80, v4, vm0, $0xb8;
	[tilespmem:$0x10080] =	vst v63  }
0x1d9: {  	s16 =	simm.s32 $0x9880  }
0x1da: {  	[tilespmem:s16], [sflag:$0x1] =	stream.indirect_vreg.gather [hbm4b:s6+s3], $0x80, v4, vm0, $0xb8;
	[tilespmem:$0x10080] =	vst v63  }
0x1db: {  	s17 =	simm.s32 $0xA080  }
0x1dc: {  	[tilespmem:s17], [sflag:$0x1] =	stream.indirect_vreg.gather [hbm4b:s2+s3], $0x80, v3, vm0, $0xb8;
	[tilespmem:$0x10080] =	vst v63  }
0x1dd: {  	s30 =	simm.s32 $0xA880  }
0x1de: {  	[tilespmem:s30], [sflag:$0x1] =	stream.indirect_vreg.gather [hbm4b:s4+s3], $0x80, v3, vm0, $0xb8;
	[tilespmem:$0x10080] =	vst v63  }
0x1df: {  	s15 =	simm.s32 $0xB080  }
0x1e0: {  	[tilespmem:s15], [sflag:$0x1] =	stream.indirect_vreg.gather [hbm4b:s5+s3], $0x80, v3, vm0, $0xb8;
	[tilespmem:$0x10080] =	vst v63  }
0x1e1: {  	s19 =	simm.s32 $0xB880  }
0x1e2: {  	[tilespmem:s19], [sflag:$0x1] =	stream.indirect_vreg.gather [hbm4b:s6+s3], $0x80, v3, vm0, $0xb8;
	[tilespmem:$0x10080] =	vst v63  }
0x1e3: {  	v3 =	vld [tilespmem:$0x30];
	_ =	sdelay $0x4  }
0x1e4: {  	v59 =	vshll.u32 v3, $0x3  }
0x1e5: {  	v3 =	vand.u32 $0x7, v3;
	v4 =	vand.u32 $0xFFFFFFC0, v59  }
0x1e6: {  	v3 =	vor.u32 v3, v4  }
0x1e7: {  	v4 =	vperm.xlane v3, v0;
	_ =	sdelay $0x1  }
0x1e8: {  	v4 =	vadd.s32 v1, v4;
	_ =	sdelay $0x3  }
0x1e9: {  	s17 =	simm.s32 $0xC080  }
0x1ea: {  	[tilespmem:s17], [sflag:$0x1] =	stream.indirect_vreg.gather [hbm4b:s2+s3], $0x80, v4, vm0, $0xb8;
	[tilespmem:$0x10080] =	vst v63  }
0x1eb: {  	s19 =	simm.s32 $0xC880;
	v3 =	vperm.xlane v3, v2  }
0x1ec: {  	[tilespmem:s19], [sflag:$0x1] =	stream.indirect_vreg.gather [hbm4b:s4+s3], $0x80, v4, vm0, $0xb8;
	[tilespmem:$0x10080] =	vst v63  }
0x1ed: {  	s10 =	simm.s32 $0xD080;
	v3 =	vadd.s32 v1, v3  }
0x1ee: {  	[tilespmem:s10], [sflag:$0x1] =	stream.indirect_vreg.gather [hbm4b:s5+s3], $0x80, v4, vm0, $0xb8;
	[tilespmem:$0x10080] =	vst v63  }
0x1ef: {  	s11 =	simm.s32 $0xD880  }
0x1f0: {  	[tilespmem:s11], [sflag:$0x1] =	stream.indirect_vreg.gather [hbm4b:s6+s3], $0x80, v4, vm0, $0xb8;
	[tilespmem:$0x10080] =	vst v63  }
0x1f1: {  	s12 =	simm.s32 $0xE080  }
0x1f2: {  	[tilespmem:s12], [sflag:$0x1] =	stream.indirect_vreg.gather [hbm4b:s2+s3], $0x80, v3, vm0, $0xb8;
	[tilespmem:$0x10080] =	vst v63  }
0x1f3: {  	s20 =	simm.s32 $0xE880  }
0x1f4: {  	[tilespmem:s20], [sflag:$0x1] =	stream.indirect_vreg.gather [hbm4b:s4+s3], $0x80, v3, vm0, $0xb8;
	[tilespmem:$0x10080] =	vst v63  }
0x1f5: {  	s24 =	simm.s32 $0xF080  }
0x1f6: {  	[tilespmem:s24], [sflag:$0x1] =	stream.indirect_vreg.gather [hbm4b:s5+s3], $0x80, v3, vm0, $0xb8;
	[tilespmem:$0x10080] =	vst v63  }
0x1f7: {  	s20 =	simm.s32 $0xF880  }
0x1f8: {  	[tilespmem:s20], [sflag:$0x1] =	stream.indirect_vreg.gather [hbm4b:s6+s3], $0x80, v3, vm0, $0xb8;
	[tilespmem:$0x10080] =	vst v63  }
0x1f9: {  	_ =	swait.ge [sflag:s18], $0x10000  }
0x1fa: {  	[sflag:s18] =	ssyncset.done $0x0  }
0x1fb: {  	s24 =	rddreg [dreg:$0xc];
	[sflag:s18] =	ssyncadd.s32 $0xFFFF0000  }
0x1fc: {  	[hbm4b:s24+s3] =	stream.linear.scatter [tilespmem:s14], [sflag:$0x2], $0x10000, $0x38;
	[tilespmem:$0x10080] =	vst v63  }
0x1fd: {  	_ =	swait.ge [sflag:s8], $0x10000  }
0x1fe: {  	[sflag:s8] =	ssyncset.done $0x0  }
0x1ff: {  	s24 =	rddreg [dreg:$0xd];
	[sflag:s8] =	ssyncadd.s32 $0xFFFF0000  }
0x200: {  	[tilespmem:s3], [sflag:$0x2] =	stream.linear.gather [hbm4b:s24+s3], $0x40, $0x38;
	[tilespmem:$0x10080] =	vst v63  }
0x201: {  	_ =	swait.ge [sflag:s8], $0x40  }
0x202: {  	[sflag:s8] =	ssyncset.done $0x0  }
0x203: {  	[sflag:s8] =	ssyncadd.s32 $0xFFFFFFC0  }
0x204: {  	v3 =	vld [tilespmem:$0x0];
	_ =	sdelay $0x4  }
0x205: {  	v60 =	vshll.u32 v3, $0x3  }
0x206: {  	v3 =	vand.u32 $0x7, v3;
	v4 =	vand.u32 $0xFFFFFFC0, v60  }
0x207: {  	v3 =	vor.u32 v3, v4  }
0x208: {  	v4 =	vperm.xlane v3, v0;
	_ =	sdelay $0x1  }
0x209: {  	v4 =	vadd.s32 v1, v4;
	_ =	sdelay $0x4  }
0x20a: {  	[tilespmem:s14], [sflag:$0x1] =	stream.indirect_vreg.gather [hbm4b:s2+s3], $0x80, v4, vm0, $0xb8;
	[tilespmem:$0x10080] =	vst v63  }
0x20b: {  	s24 =	simm.s32 $0x880;
	v3 =	vperm.xlane v3, v2  }
0x20c: {  	[tilespmem:s24], [sflag:$0x1] =	stream.indirect_vreg.gather [hbm4b:s4+s3], $0x80, v4, vm0, $0xb8;
	[tilespmem:$0x10080] =	vst v63  }
0x20d: {  	s28 =	simm.s32 $0x1080;
	v3 =	vadd.s32 v1, v3  }
0x20e: {  	[tilespmem:s28], [sflag:$0x1] =	stream.indirect_vreg.gather [hbm4b:s5+s3], $0x80, v4, vm0, $0xb8;
	[tilespmem:$0x10080] =	vst v63  }
0x20f: {  	s29 =	simm.s32 $0x1880  }
0x210: {  	[tilespmem:s29], [sflag:$0x1] =	stream.indirect_vreg.gather [hbm4b:s6+s3], $0x80, v4, vm0, $0xb8;
	[tilespmem:$0x10080] =	vst v63  }
0x211: {  	s28 =	simm.s32 $0x2080  }
0x212: {  	[tilespmem:s28], [sflag:$0x1] =	stream.indirect_vreg.gather [hbm4b:s2+s3], $0x80, v3, vm0, $0xb8;
	[tilespmem:$0x10080] =	vst v63  }
0x213: {  	s29 =	simm.s32 $0x2880  }
0x214: {  	[tilespmem:s29], [sflag:$0x1] =	stream.indirect_vreg.gather [hbm4b:s4+s3], $0x80, v3, vm0, $0xb8;
	[tilespmem:$0x10080] =	vst v63  }
0x215: {  	s24 =	simm.s32 $0x3080  }
0x216: {  	[tilespmem:s24], [sflag:$0x1] =	stream.indirect_vreg.gather [hbm4b:s5+s3], $0x80, v3, vm0, $0xb8;
	[tilespmem:$0x10080] =	vst v63  }
0x217: {  	s28 =	simm.s32 $0x3880  }
0x218: {  	[tilespmem:s28], [sflag:$0x1] =	stream.indirect_vreg.gather [hbm4b:s6+s3], $0x80, v3, vm0, $0xb8;
	[tilespmem:$0x10080] =	vst v63  }
0x219: {  	v3 =	vld [tilespmem:$0x10];
	_ =	sdelay $0x4  }
0x21a: {  	v61 =	vshll.u32 v3, $0x3  }
0x21b: {  	v3 =	vand.u32 $0x7, v3;
	v4 =	vand.u32 $0xFFFFFFC0, v61  }
0x21c: {  	v3 =	vor.u32 v3, v4  }
0x21d: {  	v4 =	vperm.xlane v3, v0;
	_ =	sdelay $0x1  }
0x21e: {  	v4 =	vadd.s32 v1, v4;
	_ =	sdelay $0x3  }
0x21f: {  	s22 =	simm.s32 $0x4080  }
0x220: {  	[tilespmem:s22], [sflag:$0x1] =	stream.indirect_vreg.gather [hbm4b:s2+s3], $0x80, v4, vm0, $0xb8;
	[tilespmem:$0x10080] =	vst v63  }
0x221: {  	s29 =	simm.s32 $0x4880;
	v3 =	vperm.xlane v3, v2  }
0x222: {  	[tilespmem:s29], [sflag:$0x1] =	stream.indirect_vreg.gather [hbm4b:s4+s3], $0x80, v4, vm0, $0xb8;
	[tilespmem:$0x10080] =	vst v63  }
0x223: {  	v3 =	vadd.s32 v1, v3;
	s22 =	simm.s32 $0x5080  }
0x224: {  	[tilespmem:s22], [sflag:$0x1] =	stream.indirect_vreg.gather [hbm4b:s5+s3], $0x80, v4, vm0, $0xb8;
	[tilespmem:$0x10080] =	vst v63  }
0x225: {  	s31 =	simm.s32 $0x5880  }
0x226: {  	[tilespmem:s31], [sflag:$0x1] =	stream.indirect_vreg.gather [hbm4b:s6+s3], $0x80, v4, vm0, $0xb8;
	[tilespmem:$0x10080] =	vst v63  }
0x227: {  	s24 =	simm.s32 $0x6080  }
0x228: {  	[tilespmem:s24], [sflag:$0x1] =	stream.indirect_vreg.gather [hbm4b:s2+s3], $0x80, v3, vm0, $0xb8;
	[tilespmem:$0x10080] =	vst v63  }
0x229: {  	s13 =	simm.s32 $0x6880  }
0x22a: {  	[tilespmem:s13], [sflag:$0x1] =	stream.indirect_vreg.gather [hbm4b:s4+s3], $0x80, v3, vm0, $0xb8;
	[tilespmem:$0x10080] =	vst v63  }
0x22b: {  	s0 =	simm.s32 $0x7080  }
0x22c: {  	[tilespmem:s0], [sflag:$0x1] =	stream.indirect_vreg.gather [hbm4b:s5+s3], $0x80, v3, vm0, $0xb8;
	[tilespmem:$0x10080] =	vst v63  }
0x22d: {  	s23 =	simm.s32 $0x7880  }
0x22e: {  	[tilespmem:s23], [sflag:$0x1] =	stream.indirect_vreg.gather [hbm4b:s6+s3], $0x80, v3, vm0, $0xb8;
	[tilespmem:$0x10080] =	vst v63  }
0x22f: {  	v3 =	vld [tilespmem:$0x20];
	_ =	sdelay $0x4  }
0x230: {  	v62 =	vshll.u32 v3, $0x3  }
0x231: {  	v3 =	vand.u32 $0x7, v3;
	v4 =	vand.u32 $0xFFFFFFC0, v62  }
0x232: {  	v3 =	vor.u32 v3, v4  }
0x233: {  	v4 =	vperm.xlane v3, v0;
	_ =	sdelay $0x1  }
0x234: {  	v4 =	vadd.s32 v1, v4;
	_ =	sdelay $0x3  }
0x235: {  	s21 =	simm.s32 $0x8080  }
0x236: {  	[tilespmem:s21], [sflag:$0x1] =	stream.indirect_vreg.gather [hbm4b:s2+s3], $0x80, v4, vm0, $0xb8;
	[tilespmem:$0x10080] =	vst v63  }
0x237: {  	s25 =	simm.s32 $0x8880;
	v3 =	vperm.xlane v3, v2  }
0x238: {  	[tilespmem:s25], [sflag:$0x1] =	stream.indirect_vreg.gather [hbm4b:s4+s3], $0x80, v4, vm0, $0xb8;
	[tilespmem:$0x10080] =	vst v63  }
0x239: {  	s1 =	simm.s32 $0x9080;
	v3 =	vadd.s32 v1, v3  }
0x23a: {  	[tilespmem:s1], [sflag:$0x1] =	stream.indirect_vreg.gather [hbm4b:s5+s3], $0x80, v4, vm0, $0xb8;
	[tilespmem:$0x10080] =	vst v63  }
0x23b: {  	s9 =	simm.s32 $0x9880  }
0x23c: {  	[tilespmem:s9], [sflag:$0x1] =	stream.indirect_vreg.gather [hbm4b:s6+s3], $0x80, v4, vm0, $0xb8;
	[tilespmem:$0x10080] =	vst v63  }
0x23d: {  	s26 =	simm.s32 $0xA080  }
0x23e: {  	[tilespmem:s26], [sflag:$0x1] =	stream.indirect_vreg.gather [hbm4b:s2+s3], $0x80, v3, vm0, $0xb8;
	[tilespmem:$0x10080] =	vst v63  }
0x23f: {  	s30 =	simm.s32 $0xA880  }
0x240: {  	[tilespmem:s30], [sflag:$0x1] =	stream.indirect_vreg.gather [hbm4b:s4+s3], $0x80, v3, vm0, $0xb8;
	[tilespmem:$0x10080] =	vst v63  }
0x241: {  	s16 =	simm.s32 $0xB080  }
0x242: {  	[tilespmem:s16], [sflag:$0x1] =	stream.indirect_vreg.gather [hbm4b:s5+s3], $0x80, v3, vm0, $0xb8;
	[tilespmem:$0x10080] =	vst v63  }
0x243: {  	s28 =	simm.s32 $0xB880  }
0x244: {  	[tilespmem:s28], [sflag:$0x1] =	stream.indirect_vreg.gather [hbm4b:s6+s3], $0x80, v3, vm0, $0xb8;
	[tilespmem:$0x10080] =	vst v63  }
0x245: {  	v3 =	vld [tilespmem:$0x30];
	_ =	sdelay $0x4  }
0x246: {  	v63 =	vshll.u32 v3, $0x3  }
0x247: {  	v3 =	vand.u32 $0x7, v3;
	v4 =	vand.u32 $0xFFFFFFC0, v63  }
0x248: {  	v3 =	vor.u32 v3, v4  }
0x249: {  	v4 =	vperm.xlane v3, v0;
	_ =	sdelay $0x1  }
0x24a: {  	v4 =	vadd.s32 v1, v4;
	_ =	sdelay $0x3  }
0x24b: {  	s29 =	simm.s32 $0xC080  }
0x24c: {  	[tilespmem:s29], [sflag:$0x1] =	stream.indirect_vreg.gather [hbm4b:s2+s3], $0x80, v4, vm0, $0xb8;
	[tilespmem:$0x10080] =	vst v63  }
0x24d: {  	s30 =	simm.s32 $0xC880;
	v3 =	vperm.xlane v3, v2  }
0x24e: {  	[tilespmem:s30], [sflag:$0x1] =	stream.indirect_vreg.gather [hbm4b:s4+s3], $0x80, v4, vm0, $0xb8;
	[tilespmem:$0x10080] =	vst v63  }
0x24f: {  	s15 =	simm.s32 $0xD080;
	v3 =	vadd.s32 v1, v3  }
0x250: {  	[tilespmem:s15], [sflag:$0x1] =	stream.indirect_vreg.gather [hbm4b:s5+s3], $0x80, v4, vm0, $0xb8;
	[tilespmem:$0x10080] =	vst v63  }
0x251: {  	s10 =	simm.s32 $0xD880  }
0x252: {  	[tilespmem:s10], [sflag:$0x1] =	stream.indirect_vreg.gather [hbm4b:s6+s3], $0x80, v4, vm0, $0xb8;
	[tilespmem:$0x10080] =	vst v63  }
0x253: {  	s11 =	simm.s32 $0xE080  }
0x254: {  	[tilespmem:s11], [sflag:$0x1] =	stream.indirect_vreg.gather [hbm4b:s2+s3], $0x80, v3, vm0, $0xb8;
	[tilespmem:$0x10080] =	vst v63  }
0x255: {  	s12 =	simm.s32 $0xE880  }
0x256: {  	[tilespmem:s12], [sflag:$0x1] =	stream.indirect_vreg.gather [hbm4b:s4+s3], $0x80, v3, vm0, $0xb8;
	[tilespmem:$0x10080] =	vst v63  }
0x257: {  	s17 =	simm.s32 $0xF080  }
0x258: {  	[tilespmem:s17], [sflag:$0x1] =	stream.indirect_vreg.gather [hbm4b:s5+s3], $0x80, v3, vm0, $0xb8;
	[tilespmem:$0x10080] =	vst v63  }
0x259: {  	s20 =	simm.s32 $0xF880  }
0x25a: {  	[tilespmem:s20], [sflag:$0x1] =	stream.indirect_vreg.gather [hbm4b:s6+s3], $0x80, v3, vm0, $0xb8;
	[tilespmem:$0x10080] =	vst v63  }
0x25b: {  	_ =	swait.ge [sflag:s18], $0x10000  }
0x25c: {  	p0 =	sne.s32 s7, $0x1;
	[sflag:s18] =	ssyncset.done $0x0  }
.Ltmp0:
0x25d: {  	s31 =	rddreg [dreg:$0xe];
	[sflag:s18] =	ssyncadd.s32 $0xFFFF0000;
	(pc) =	sbr.rel @p0 .LBB2_1-.Ltmp0, $4  }
0x25e: {  	[hbm4b:s31+s3] =	stream.linear.scatter [tilespmem:s14], [sflag:$0x2], $0x10000, $0x38;
	[tilespmem:$0x10080] =	vst v63  }
0x25f: {  	_ =	swait.ge [sflag:s8], $0x10000  }
0x260: {  	[sflag:s8] =	ssyncset.done $0x0  }
0x261: {  	s7 =	sadd.s32 $0xFFFFFFFF, s7;
	[sflag:s8] =	ssyncadd.s32 $0xFFFF0000  }
0x262: {  	_ =	sfence.sel $0x180000  }
0x263: {  	[bflag:$0x0] =	sbarrier.arrive $0xFFFF  }
0x264: {  	_ =	strace $0x90000050  }
0x265: {  	s0 =	stileid.u32;
	[bflag:$0x2] =	sbarrier.arrive $0xFFFF  }
0x266: {  	p0 =	sne.s32 s0, $0x0;
	s0 =	rddreg [dreg:$0x2]  }
0x267: {  	s0 =	sadd.s32 @!p0 $0x100000, s0  }
0x268: {  	[sflag:s0] =	ssyncadd.tile.s32 @!p0 $0x1;
	_ =	shalt  }
.Lfunc_end2:
_tile_overlayer_lowered:
.L_overlay_start_2:
0x269: {  	(tag) =	ssettag $0x2  }
0x26a: {  	s0 =	rddreg [dreg:$0x0];
	s2 =	stileid.u32  }
0x26b: {  	s1 =	rddreg [dreg:$0x1];
	p0 =	sne.s32 s2, $0x0  }
0x26c: {  	s3 =	rddreg [dreg:$0x2];
	[bflag:$0x3] =	sbarrier.arrive $0xFFFF;
	s2 =	simm.s32 @!p0 $0x1C02  }
0x26d: {  	[timem:s3], [sflag:s2] =	dma.local @!p0 [hbm:s0], s1  }
0x26e: {  	s0 =	simm.s32 @!p0 $0x2  }
0x26f: {  	_ =	swait.ge @!p0 [sflag:s0], s1  }
0x270: {  	s1 =	ssub.s32 @!p0 $0x0, s1;
	[sflag:s0] =	ssyncset.done @!p0 $0x0  }
0x271: {  	[sflag:s0] =	ssyncadd.s32 @!p0 s1  }
0x272: {  	[bflag:$0x3] =	sbarrier.arrive $0xFFFF  }
0x273: {  	_ =	shalt  }

// kernel: scatter_offload_async_start
scs
__scs_entry_jumppad:
0x0: {  	(pc) =	sbr.rel $0x88, $3  }
0x1: {  	(tag) =	ssettag $0x0;
	lr =	simm.s32 $0x1  }
0x2: {  	[smem:$0x3F9C] =	sst lr;
	_ =	strace $0xD0000000  }
0x3: {  	_ = 	snop  }
0x4: {  	_ = 	snop  }
0x5: {  	_ = 	snop  }
0x6: {  	_ = 	snop  }
0x7: {  	_ = 	snop  }
__scs_overlays_trampoline_lowered:
0x8: {  	[smem:$0x3FAB] =	sst s0  }
0x9: {  	[smem:$0x3FAC] =	sst s1  }
0xa: {  	[smem:$0x3FAD] =	sst s2  }
0xb: {  	[smem:$0x3FAE] =	sst s3  }
0xc: {  	[smem:$0x3FAF] =	sst s4  }
0xd: {  	[smem:$0x3FB0] =	sst s5  }
0xe: {  	[smem:$0x3FB1] =	sst s6  }
0xf: {  	[smem:$0x3FB2] =	sst s7  }
0x10: {  	[smem:$0x3FB3] =	sst s8  }
0x11: {  	[smem:$0x3FB4] =	sst s9;
	s0 =	simm.s32 @!p0 $0x0  }
0x12: {  	s1 =	sld [smem:$0x3F9A];
	s0 =	simm.s32 @p0 $0x1  }
0x13: {  	[smem:$0x3FB5] =	sst s0;
	s0 =	simm.s32 @!p1 $0x0  }
0x14: {  	s2 =	sld [smem:$0x3F99];
	s0 =	simm.s32 @p1 $0x1  }
0x15: {  	[smem:$0x3FB6] =	sst s0;
	s0 =	simm.s32 @!p2 $0x0  }
0x16: {  	s3 =	sld [smem:$0x3FDB];
	s0 =	simm.s32 @p2 $0x1  }
0x17: {  	s4 =	simm.s32 $0x1BF5;
	[smem:$0x3FB8] =	sst s0  }
0x18: {  	s0 =	sld [smem:$0x3F9B];
	_ =	swait.ge [sflag:s4], $0x0  }
0x19: {  	s7 =	sld [smem:$0x3F9C]  }
0x1a: {  	s8 =	sadd.s32 $0xFFFFE003, lr  }
0x1b: {  	s9 =	sadd.s32 $0xFFFFFEF7, lr;
	s5 =	simm.s32 $0xFFFFFFFF;
	p2 =	slt.u32 s8, $0xFFFFF086  }
0x1c: {  	p1 =	slt.u32 s9, $0xF7A;
	s5 =	simm.s32 @!p2 $0x0  }
0x1d: {  	s5 =	simm.s32 @p1 $0x1;
	p0 =	seq.s32 s7, s2  }
0x1e: {  	s7 =	smul.u32 @!p0 $0xF7A, s2;
	p2 =	seq.s32 @!p0 s5, $0x0  }
0x1f: {  	s9 =	smul.u32 $0xF7A, s1;
	s8 =	simm.s32 @!p0 $0x1BF5;
	p2 =	por !p2, p0  }
0x20: {  	[sflag:s8] =	ssyncset.s32 @!p0 $0xFFFFF086;
	s6 =	sadd.s32 @!p0 s3, s7;
	s7 =	simm.s32 @!p0 $0x108  }
0x21: {  	s3 =	sadd.s32 s3, s9;
	s6 =	sadd.s32 @!p0 $0x88, s6;
	s7 =	simm.s32 @p2 $0x1082  }
0x22: {  	[simem:s7], [sflag:s8] =	dma.local @!p0 [hbm:s6], $0xF7A  }
0x23: {  	s9 =	sor.u32 $0xD0000000, s2;
	s6 =	simm.s32 $0x108;
	_ =	swait.ge @!p0 [sflag:s8], $0x0  }
0x24: {  	s3 =	sadd.s32 $0x88, s3;
	s6 =	simm.s32 @!p1 $0x1082;
	[sflag:s4] =	ssyncset.s32 $0xFFFFF086  }
0x25: {  	[simem:s6], [sflag:s4] =	dma.local [hbm:s3], $0xF7A  }
0x26: {  	[smem:$0x3F9C] =	sst s1;
	(tag) =	ssettag s2;
	_ =	strace s9  }
0x27: {  	s1 =	sld [smem:$0x3FAC]  }
0x28: {  	s2 =	sld [smem:$0x3FAD]  }
0x29: {  	s4 =	sld [smem:$0x3FAF]  }
0x2a: {  	p0 =	seq.s32 s5, $0x0;
	s5 =	sld [smem:$0x3FB0]  }
0x2b: {  	s6 =	sld [smem:$0x3FB1]  }
0x2c: {  	s7 =	sld [smem:$0x3FB2]  }
0x2d: {  	s3 =	simm.s32 $0x108;
	s8 =	sld [smem:$0x3FB3]  }
0x2e: {  	s3 =	simm.s32 @!p0 $0x1082;
	s9 =	sld [smem:$0x3FB4]  }
0x2f: {  	lr =	sadd.s32 s0, s3;
	s0 =	sld [smem:$0x3FAB]  }
0x30: {  	s3 =	sld [smem:$0x3FAE]  }
0x31: {  	[smem:$0x3FB7] =	sst s10  }
0x32: {  	s10 =	sld [smem:$0x3FB5];
	_ =	sdelay $0x3  }
0x33: {  	p0 =	seq.s32 s10, $0x1;
	s10 =	sld [smem:$0x3FB7];
	_ =	sdelay $0x3  }
0x34: {  	[smem:$0x3FB7] =	sst s10  }
0x35: {  	s10 =	sld [smem:$0x3FB6];
	_ =	sdelay $0x3  }
0x36: {  	p1 =	seq.s32 s10, $0x1;
	s10 =	sld [smem:$0x3FB7];
	_ =	sdelay $0x3  }
0x37: {  	[smem:$0x3FB7] =	sst s10  }
0x38: {  	s10 =	sld [smem:$0x3FB8]  }
0x39: {  	_ = 	snop;
	(pc) =	sbr.ind lr, $3  }
0x3a: {  	_ = 	snop  }
0x3b: {  	_ = 	snop  }
0x3c: {  	p2 =	seq.s32 s10, $0x1;
	s10 =	sld [smem:$0x3FB7]  }
0x3d: {  	_ =	shalt  }
0x3e: {  	_ =	shalt  }
0x3f: {  	_ =	shalt  }
0x40: {  	_ =	shalt  }
0x41: {  	_ =	shalt  }
0x42: {  	_ =	shalt  }
0x43: {  	_ =	shalt  }
0x44: {  	_ =	shalt  }
0x45: {  	_ =	shalt  }
0x46: {  	_ =	shalt  }
0x47: {  	_ =	shalt  }
0x48: {  	_ =	shalt  }
0x49: {  	_ =	shalt  }
0x4a: {  	_ =	shalt  }
0x4b: {  	_ =	shalt  }
0x4c: {  	_ =	shalt  }
0x4d: {  	_ =	shalt  }
0x4e: {  	_ =	shalt  }
0x4f: {  	_ =	shalt  }
0x50: {  	_ =	shalt  }
0x51: {  	_ =	shalt  }
0x52: {  	_ =	shalt  }
0x53: {  	_ =	shalt  }
0x54: {  	_ =	shalt  }
0x55: {  	_ =	shalt  }
0x56: {  	_ =	shalt  }
0x57: {  	_ =	shalt  }
0x58: {  	_ =	shalt  }
0x59: {  	_ =	shalt  }
0x5a: {  	_ =	shalt  }
0x5b: {  	_ =	shalt  }
0x5c: {  	_ =	shalt  }
0x5d: {  	_ =	shalt  }
0x5e: {  	_ =	shalt  }
0x5f: {  	_ =	shalt  }
0x60: {  	_ =	shalt  }
0x61: {  	_ =	shalt  }
0x62: {  	_ =	shalt  }
0x63: {  	_ =	shalt  }
0x64: {  	_ =	shalt  }
0x65: {  	_ =	shalt  }
0x66: {  	_ =	shalt  }
0x67: {  	_ =	shalt  }
0x68: {  	_ =	shalt  }
0x69: {  	_ =	shalt  }
0x6a: {  	_ =	shalt  }
0x6b: {  	_ =	shalt  }
0x6c: {  	_ =	shalt  }
0x6d: {  	_ =	shalt  }
0x6e: {  	_ =	shalt  }
0x6f: {  	_ =	shalt  }
0x70: {  	_ =	shalt  }
0x71: {  	_ =	shalt  }
0x72: {  	_ =	shalt  }
0x73: {  	_ =	shalt  }
0x74: {  	_ =	shalt  }
0x75: {  	_ =	shalt  }
0x76: {  	_ =	shalt  }
0x77: {  	_ =	shalt  }
0x78: {  	_ =	shalt  }
0x79: {  	_ =	shalt  }
0x7a: {  	_ =	shalt  }
0x7b: {  	_ =	shalt  }
0x7c: {  	_ =	shalt  }
0x7d: {  	_ =	shalt  }
0x7e: {  	_ =	shalt  }
0x7f: {  	_ =	shalt  }
0x80: {  	_ =	shalt  }
0x81: {  	_ =	shalt  }
0x82: {  	_ =	shalt  }
0x83: {  	_ =	shalt  }
0x84: {  	_ =	shalt  }
0x85: {  	_ =	shalt  }
0x86: {  	_ =	shalt  }
0x87: {  	_ =	shalt  }
.Lfunc_end0:
.L_simem_size_0:
called_computation_lowered:
.L_overlay_start_0:
0x88: {  	s0 =	sld [smem:$0x3FD9]  }
0x89: {  	s1 =	sld [smem:$0x3FFE];
	_ =	sdelay $0x3  }
0x8a: {  	s0 =	sadd.s32 s1, s0  }
0x8b: {  	[smem:$0x3FC3] =	sst s0  }
0x8c: {  	_ = 	snop  }
0x8d: {  	(tm) =	ssettm $0x1  }
0x8e: {  	s15 =	sld [smem:$0x3FFB];
	_ =	sdelay $0x3  }
0x8f: {  	_ =	strace s15  }
0x90: {  	s0 =	sld [smem:$0x3FFC];
	_ =	sdelay $0x3  }
0x91: {  	_ =	strace s0  }
0x92: {  	s0 =	sld [smem:$0x3FFD];
	_ =	sdelay $0x3  }
0x93: {  	_ =	strace s0  }
0x94: {  	_ =	strace $0x8FFFFFFF  }
0x95: {  	s16 =	sld [smem:$0x3FDB];
	_ =	sdelay $0x1  }
0x96: {  	s17 =	simm.s32 $_scs_section_size  }
0x97: {  	s2 =	simm.s32 $_size__tile_overlayer_lowered;
	s3 =	simm.s32 $_tile_overlayer_lowered  }
0x98: {  	s20 =	simm.s32 $0x1BFF;
	s19 =	sshll.u32 s3, $0x1;
	s0 =	sadd.s32 s17, s16  }
0x99: {  	s4 =	simm.s32 $0x0;
	s18 =	sshll.u32 s2, $0x1;
	s2 =	sadd.s32 s19, s0  }
0x9a: {  	[timem:s4], [sflag:s20] =	dma.local [hbm:s2], s18  }
0x9b: {  	_ =	swait.ge [sflag:s20], s18  }
0x9c: {  	s1 =	ssub.s32 $0x0, s18;
	[sflag:s20] =	ssyncset.done $0x0  }
0x9d: {  	[sflag:s20] =	ssyncadd.s32 s1;
	_ =	sdelay $0x1  }
0x9e: {  	s21 =	simm.s32 $0x1B8B  }
0x9f: {  	_ =	swait.ge [sflag:s21], $0x1  }
0xa0: {  	[sflag:s21] =	ssyncset.done $0x0  }
0xa1: {  	s23 =	simm.s32 $0x1B8E;
	s22 =	sld [smem:$0x3FFE];
	[sflag:s21] =	ssyncadd.s32 $0xFFFFFFFF  }
0xa2: {  	s24 =	simm.s32 $execute0_lowered;
	[smem:$0x3FD2] =	sst s23  }
0xa3: {  	s2 =	sshll.u32 s24, $0x1;
	_ =	strace $0x80000046;
	[dreg:$0x1] =	wrdreg $0xFFFFFFFF  }
0xa4: {  	s25 =	simm.s32 $_size_execute0_lowered;
	s0 =	sadd.s32 s0, s2;
	[dreg:$0x0] =	wrdreg $0x0  }
0xa5: {  	s2 =	sshll.u32 s25, $0x1;
	[dreg:$0x2] =	wrdreg s0  }
0xa6: {  	[dreg:$0x3] =	wrdreg s2  }
0xa7: {  	[dreg:$0x4] =	wrdreg $0xC0  }
0xa8: {  	_ =	task [dreg:s4], $0x5FFFF  }
0xa9: {  	[dreg:$0x1] =	wrdreg $0xFFFFFFFF  }
0xaa: {  	[dreg:$0x0] =	wrdreg $0x60  }
0xab: {  	[dreg:$0x2] =	wrdreg s22  }
0xac: {  	[dreg:$0x3] =	wrdreg $0x9  }
0xad: {  	_ =	task.clear_ibuf [dreg:s4], $0x4FFFF;
	_ =	strace $0x90000046  }
0xae: {  	s26 =	simm.s32 $0x9;
	_ =	strace $0x80000048  }
0xaf: {  	_ =	swait.ge [sflag:s26], $0x1  }
0xb0: {  	[sflag:s26] =	ssyncadd.s32 $0xFFFFFFFF  }
0xb1: {  	_ =	strace $0x90000048  }
0xb2: {  	_ =	sfence  }
0xb3: {  	s28 =	sld [smem:$0x0];
	_ =	sdelay $0x1  }
0xb4: {  	s29 =	srdreg.scid  }
0xb5: {  	s30 =	sshll.u32 s29, $0xD;
	s31 =	sshrl.u32 s29, $0x2  }
0xb6: {  	s1 =	sand.u32 $0x1, s29;
	s2 =	sand.u32 $0x4000, s30;
	s0 =	sadd.s32 s31, s28  }
0xb7: {  	s1 =	sor.u32 s2, s1;
	s0 =	sshll.u32 s0, $0x11  }
0xb8: {  	s0 =	sor.u32 s0, s1  }
0xb9: {  	s0 =	sadd.s32 $0x8F2B, s0  }
0xba: {  	[sflag:s0] =	ssyncadd.remote.s32 $0x1  }
0xbb: {  	_ =	sfence.sel $0xFFFF  }
0xbc: {  	[dreg:$0x0] =	wrdreg $0xFFFFFFFF;
	(pc) =	sbr.abs _section_cstart, $3  }
0xbd: {  	[dreg:$0x1] =	wrdreg $0xFFFFFFFF  }
0xbe: {  	_ =	task.clear_ibuf [dreg:s4], $0x2FFFF;
	_ =	strace $0x9FFFFFFF  }
0xbf: {  	(tm) =	ssettm $0x7FFFFFFF  }
tec
execute0_lowered:
.L_overlay_start_1:
0x0: {  	(tag) =	ssettag $0x1  }
0x1: {  	s2 =	rddreg [dreg:$0x0]  }
0x2: {  	s0 =	rddreg [dreg:$0x1];
	_ =	strace $0x80000047;
	s3 =	stileid.u32  }
0x3: {  	s4 =	simm.s32 $0x3E;
	s1 =	sadd.s32 $0xA00, s2;
	p0 =	sne.s32 s3, $0x0  }
0x4: {  	[sflag:s4] =	ssyncpa.u1 $0x0;
	s5 =	simm.s32 @!p0 $0x1C3E;
	s6 =	simm.s32 @!p0 $0x0  }
0x5: {  	[spmem:s6], [sflag:s5] =	dma.local @!p0 [hbm:s1], $0x10  }
0x6: {  	s5 =	simm.s32 @!p0 $0x3E  }
0x7: {  	_ =	swait.ge @!p0 [sflag:s5], $0x10  }
0x8: {  	[sflag:s5] =	ssyncset.done @!p0 $0x0  }
0x9: {  	s26 =	simm.s32 $0x1;
	[sflag:s5] =	ssyncadd.s32 @!p0 $0xFFFFFFF0  }
0xa: {  	s29 =	simm.s32 $0x2;
	s7 =	simm.s32 $0x208;
	[bflag:$0x0] =	sbarrier.arrive $0xFFFF  }
0xb: {  	s28 =	sadd.s32 $0x600, s2;
	s30 =	sadd.s32 $0xC00, s2;
	[sflag:s4] =	ssyncpa.u1 $0x1  }
0xc: {  	s3 =	sshll.u32 s3, $0x6;
	s2 =	simm.s32 $0x0;
	[sflag:s26] =	ssyncpa.u1 $0x0  }
0xd: {  	s4 =	sadd.s32 s28, s3;
	(ifvalue) =	ssetifvalue $0x80;
	[sflag:s29] =	ssyncpa.u1 $0x0  }
0xe: {  	[tilespmem:s7], [sflag:$0x2] =	stream.linear.gather [hbm4b:s4+s2], $0x200, $0x38;
	[tilespmem:$0x808] =	vst v63  }
0xf: {  	s31 =	sadd.s32 s30, s3;
	s3 =	simm.s32 $0x608  }
0x10: {  	[tilespmem:s3], [sflag:$0x2] =	stream.linear.gather [hbm4b:s31+s2], $0x200, $0x38;
	[tilespmem:$0x808] =	vst v63  }
0x11: {  	_ =	swait.ge [sflag:s29], $0x400  }
0x12: {  	[sflag:s29] =	ssyncset.done $0x0  }
0x13: {  	[sflag:s29] =	ssyncadd.s32 $0xFFFFFC00  }
0x14: {  	v0 =	vld.msk [tilespmem:s7+$0x0 ss:$0x1], $0xffff;
	_ =	sdelay $0x4  }
0x15: {  	v0 =	vmin.u32 v0, $0x80;
	_ =	sdelay $0x3  }
0x16: {  	vm0 =	vmmov $0xffff;
	s5 =	simm.s32 $0x218;
	s4 =	simm.s32 $0x0  }
0x17: {  	[spmem:s2] =	stream.indirect_vreg.scatter.add.s32 [tilespmem:s3], [sflag:$0x1], $0x1, v0, vm0, $0x4038;
	[tilespmem:$0x808] =	vst v63  }
.LBB2_1:
0x18: {  	v0 =	vld.msk [tilespmem:s5+$0x0 ss:$0x1], $0xffff;
	s4 =	sadd.s32 $0x10, s4  }
0x19: {  	p1 =	slt.u32 s4, $0x1F0;
	_ =	sdelay $0x4  }
0x1a: {  	v0 =	vmin.u32 v0, $0x80  }
.Ltmp0:
0x1b: {  	(pc) =	sbr.rel @p1 .LBB2_1-.Ltmp0, $3  }
0x1c: {  	_ =	sdelay $0x1  }
0x1d: {  	s5 =	sadd.s32 $0x10, s5;
	s3 =	sadd.s32 $0x10, s3  }
0x1e: {  	[spmem:s2] =	stream.indirect_vreg.scatter.add.s32 [tilespmem:s3], [sflag:$0x1], $0x1, v0, vm0, $0x4038;
	[tilespmem:$0x808] =	vst v63  }
0x1f: {  	s2 =	simm.s32 $0x1  }
0x20: {  	_ =	swait.ge [sflag:s2], $0x200  }
0x21: {  	[sflag:s2] =	ssyncset.done $0x0  }
0x22: {  	[sflag:s2] =	ssyncadd.s32 $0xFFFFFE00  }
0x23: {  	_ =	sfence.sel $0x180000  }
0x24: {  	s3 =	simm.s32 $0x2;
	[bflag:$0x0] =	sbarrier.arrive $0xFFFF  }
0x25: {  	[sflag:s3] =	ssyncpa.u1 $0x1  }
0x26: {  	[sflag:s2] =	ssyncpa.u1 $0x1  }
0x27: {  	_ =	sfence.stream.spmem  }
0x28: {  	s31 =	simm.s32 $0x3D;
	[bflag:$0x0] =	sbarrier.arrive $0xFFFF  }
0x29: {  	s2 =	simm.s32 @p0 $0x3D;
	[sflag:s31] =	ssyncpa.u1 $0x0  }
0x2a: {  	[sflag:s2] =	ssyncpa.u1 @p0 $0x1  }
0x2b: {  	[bflag:$0x0] =	sbarrier.arrive @p0 $0xFFFF  }
0x2c: {  	_ =	strace @p0 $0x90000047  }
0x2d: {  	s3 =	simm.s32 @!p0 $0x1C3D;
	s2 =	simm.s32 @!p0 $0x0;
	[bflag:$0x2] =	sbarrier.arrive @p0 $0xFFFF  }
0x2e: {  	[hbm:s1], [sflag:s3] =	dma.local @!p0 [spmem:s2], $0x10  }
0x2f: {  	s1 =	simm.s32 @!p0 $0x3D  }
0x30: {  	_ =	swait.ge @!p0 [sflag:s1], $0x10  }
0x31: {  	[sflag:s1] =	ssyncset.done @!p0 $0x0  }
0x32: {  	[sflag:s1] =	ssyncadd.s32 @!p0 $0xFFFFFFF0  }
0x33: {  	[sflag:s1] =	ssyncpa.u1 @!p0 $0x1  }
0x34: {  	[bflag:$0x0] =	sbarrier.arrive @!p0 $0xFFFF  }
0x35: {  	_ =	strace @!p0 $0x90000047  }
0x36: {  	s0 =	sadd.s32 @!p0 $0x100000, s0;
	[bflag:$0x2] =	sbarrier.arrive @!p0 $0xFFFF  }
0x37: {  	[sflag:s0] =	ssyncadd.tile.s32 @!p0 $0x1;
	_ =	shalt  }
.Lfunc_end2:
_tile_overlayer_lowered:
.L_overlay_start_2:
0x38: {  	(tag) =	ssettag $0x2  }
0x39: {  	s0 =	rddreg [dreg:$0x0];
	s2 =	stileid.u32  }
0x3a: {  	s1 =	rddreg [dreg:$0x1];
	p0 =	sne.s32 s2, $0x0  }
0x3b: {  	s3 =	rddreg [dreg:$0x2];
	[bflag:$0x3] =	sbarrier.arrive $0xFFFF;
	s2 =	simm.s32 @!p0 $0x1C01  }
0x3c: {  	[timem:s3], [sflag:s2] =	dma.local @!p0 [hbm:s0], s1  }
0x3d: {  	s0 =	simm.s32 @!p0 $0x1  }
0x3e: {  	_ =	swait.ge @!p0 [sflag:s0], s1  }
0x3f: {  	s1 =	ssub.s32 @!p0 $0x0, s1;
	[sflag:s0] =	ssyncset.done @!p0 $0x0  }
0x40: {  	[sflag:s0] =	ssyncadd.s32 @!p0 s1  }
0x41: {  	[bflag:$0x3] =	sbarrier.arrive $0xFFFF  }
0x42: {  	_ =	shalt  }

</sc_bundles>
